<compile_context>
chip_gen: v7x
topology: tpu7x:2x2x1
jax: 0.10.2.dev20260603
libtpu: 0.0.44.dev20260713+nightly
codegen_flags: <defaults>
</compile_context>

<pallas_src>
import jax
import jax.numpy as jnp
from jax import lax
from jax.experimental import pallas as pl
from jax.experimental.pallas import tpu as pltpu
from jax.experimental.pallas import tpu_sc as plsc

N = 10000
E = 320000
C = 128
DE = 16
H = 32

NC = 2
NS = 16
NW = NC * NS

NSLAB = 2
EH = E // NSLAB
T = EH // NW
K = 64
NFULL = T // K
KT = T - NFULL * K
N_PAD = 10240
ROWS_PER_TILE = N_PAD // NS

BEE = 6400

_TDN = (((0,), (0,)), ((), ()))


def _radial_body(eft_ref, bast_ref, w1_ref, b1c_ref, w2_ref, b2r_ref, out_ref):
    ht = jnp.maximum(
        lax.dot_general(w1_ref[...], eft_ref[...], _TDN,
                        preferred_element_type=jnp.float32)
        + b1c_ref[...], 0.0)
    hb = ht * bast_ref[...]
    r = lax.dot_general(hb, w2_ref[...], _TDN,
                        preferred_element_type=jnp.float32)
    r = r + lax.dot_general(bast_ref[...], b2r_ref[...], _TDN,
                            preferred_element_type=jnp.float32)
    out_ref[...] = r


def _radial(eft, bast, w1, b1c, w2, b2r, off):
    return pl.pallas_call(
        _radial_body,
        grid=(EH // BEE,),
        in_specs=[
            pl.BlockSpec((DE, BEE), lambda i: (0, i + off)),
            pl.BlockSpec((1, BEE), lambda i: (0, i + off)),
            pl.BlockSpec((DE, H), lambda i: (0, 0)),
            pl.BlockSpec((H, 1), lambda i: (0, 0)),
            pl.BlockSpec((H, C), lambda i: (0, 0)),
            pl.BlockSpec((1, C), lambda i: (0, 0)),
        ],
        out_specs=pl.BlockSpec((BEE, C), lambda i: (i, 0)),
        out_shape=jax.ShapeDtypeStruct((EH, C), jnp.float32),
    )(eft, bast, w1, b1c, w2, b2r)


def _mul_rows(rbv, xg, nrows):
    def mrow(i, _):
        for j in range(C // 16):
            sl = pl.ds(j * 16, 16)
            rbv[i, sl] = rbv[i, sl] * xg[i, sl]
        return _
    lax.fori_loop(0, nrows, mrow, None)


def _make_scatter_body(e0):
  def _scatter_body(x_hbm, rb_hbm, ei_hbm, out_hbm,
                    isrc_all, idst0, idst1, xg0, xg1, rbv0, rbv1,
                    idst_t, xg_t, rbv_t, agg_sh,
                    sem_g0, sem_g1, sem_r0, sem_r1, sem_i0, sem_i1):
    c = lax.axis_index("c")
    s = lax.axis_index("s")
    wid = c * NS + s
    tbase = wid * T
    gbase = e0 + tbase

    idst = (idst0, idst1)
    xg = (xg0, xg1)
    rbv = (rbv0, rbv1)
    sem_g = (sem_g0, sem_g1)
    sem_r = (sem_r0, sem_r1)
    sem_i = (sem_i0, sem_i1)

    def zrow(i, _):
        for j in range(C // 16):
            xg0[i, pl.ds(j * 16, 16)] = jnp.zeros((16,), jnp.float32)
        return _
    lax.fori_loop(0, K, zrow, None)
    row0 = s * ROWS_PER_TILE
    for z in range(ROWS_PER_TILE // K):
        pltpu.sync_copy(xg0, agg_sh.at[pl.ds(row0 + z * K, K)])
    plsc.subcore_barrier()

    pltpu.sync_copy(ei_hbm.at[pl.ds(gbase, T)], isrc_all)

    def start(ci, b):
        base = tbase + ci * K
        pltpu.async_copy(ei_hbm.at[pl.ds(E + e0 + base, K)], idst[b], sem_i[b])
        pltpu.async_copy(rb_hbm.at[pl.ds(base, K)], rbv[b], sem_r[b])
        pltpu.async_copy(x_hbm.at[isrc_all.at[pl.ds(ci * K, K)]], xg[b],
                         sem_g[b])

    def finish(b):
        pltpu.make_async_copy(rb_hbm.at[pl.ds(0, K)], rbv[b], sem_r[b]).wait()
        pltpu.make_async_copy(x_hbm.at[pl.ds(0, K)], xg[b], sem_g[b]).wait()
        _mul_rows(rbv[b], xg[b], K)
        pltpu.make_async_copy(ei_hbm.at[pl.ds(0, K)], idst[b], sem_i[b]).wait()
        pltpu.sync_copy(rbv[b], agg_sh.at[idst[b]], add=True)

    start(0, 0)
    start(1, 1)

    def pair(i, _):
        c0 = 2 * i
        finish(0)

        @pl.when(c0 + 2 < NFULL)
        def _s0():
            start(c0 + 2, 0)
        finish(1)

        @pl.when(c0 + 3 < NFULL)
        def _s1():
            start(c0 + 3, 1)
        return _
    lax.fori_loop(0, NFULL // 2, pair, None)

    tb = tbase + NFULL * K
    pltpu.sync_copy(ei_hbm.at[pl.ds(E + e0 + tb, KT)], idst_t)
    pltpu.async_copy(x_hbm.at[isrc_all.at[pl.ds(NFULL * K, KT)]], xg_t,
                     sem_g0).wait()
    pltpu.sync_copy(rb_hbm.at[pl.ds(tb, KT)], rbv_t)
    _mul_rows(rbv_t, xg_t, KT)
    pltpu.sync_copy(rbv_t, agg_sh.at[idst_t], add=True)

    plsc.subcore_barrier()
    pltpu.sync_copy(agg_sh.at[pl.ds(row0, ROWS_PER_TILE)],
                    out_hbm.at[c, pl.ds(row0, ROWS_PER_TILE)])

  return _scatter_body


def _sc_scatter(x, rb, ei, e0):
    mesh = plsc.VectorSubcoreMesh(core_axis_name="c", subcore_axis_name="s")
    f = pl.kernel(
        _make_scatter_body(e0),
        out_type=jax.ShapeDtypeStruct((NC, N_PAD, C), jnp.float32),
        mesh=mesh,
        scratch_types=[
            pltpu.VMEM((T,), jnp.int32),
            pltpu.VMEM((K,), jnp.int32),
            pltpu.VMEM((K,), jnp.int32),
            pltpu.VMEM((K, C), jnp.float32),
            pltpu.VMEM((K, C), jnp.float32),
            pltpu.VMEM((K, C), jnp.float32),
            pltpu.VMEM((K, C), jnp.float32),
            pltpu.VMEM((KT,), jnp.int32),
            pltpu.VMEM((KT, C), jnp.float32),
            pltpu.VMEM((KT, C), jnp.float32),
            pltpu.VMEM_SHARED((N_PAD, C), jnp.float32),
            pltpu.SemaphoreType.DMA,
            pltpu.SemaphoreType.DMA,
            pltpu.SemaphoreType.DMA,
            pltpu.SemaphoreType.DMA,
            pltpu.SemaphoreType.DMA,
            pltpu.SemaphoreType.DMA,
        ],
    )
    return f(x, rb, ei)


def _node_body(pa_ref, pb_ref, x_ref, dens_ref, wc_ref, ws_ref, wn_ref, bn_ref,
               g_ref, b_ref, wl_ref, out_ref):
    agg = pa_ref[0] + pa_ref[1] + pb_ref[0] + pb_ref[1]
    u = (jnp.dot(agg, wc_ref[...], preferred_element_type=jnp.float32)
         + jnp.dot(x_ref[...], ws_ref[...], preferred_element_type=jnp.float32))
    norm = jnp.abs(u) + 1e-6
    phase = u / norm
    mu = jnp.mean(norm, axis=-1, keepdims=True)
    var = jnp.mean((norm - mu) ** 2, axis=-1, keepdims=True)
    nln = (norm - mu) * lax.rsqrt(var + 1e-5) * g_ref[...][None, :] \
        + b_ref[...][None, :]
    t = jnp.maximum(
        jnp.dot(nln, wn_ref[...], preferred_element_type=jnp.float32)
        + bn_ref[...][None, :], 0.0)
    upd = jnp.dot(t * phase, wl_ref[...], preferred_element_type=jnp.float32)
    out_ref[...] = dens_ref[...] + upd


def _node_pipeline(pa, pb, x, dens, wc, ws, wn, bn, g, b, wl):
    BN = 1000
    return pl.pallas_call(
        _node_body,
        grid=(N // BN,),
        in_specs=[
            pl.BlockSpec((NC, BN, C), lambda i: (0, i, 0)),
            pl.BlockSpec((NC, BN, C), lambda i: (0, i, 0)),
            pl.BlockSpec((BN, C), lambda i: (i, 0)),
            pl.BlockSpec((BN, C), lambda i: (i, 0)),
            pl.BlockSpec((C, C), lambda i: (0, 0)),
            pl.BlockSpec((C, C), lambda i: (0, 0)),
            pl.BlockSpec((C, C), lambda i: (0, 0)),
            pl.BlockSpec((C,), lambda i: (0,)),
            pl.BlockSpec((C,), lambda i: (0,)),
            pl.BlockSpec((C,), lambda i: (0,)),
            pl.BlockSpec((C, C), lambda i: (0, 0)),
        ],
        out_specs=pl.BlockSpec((BN, C), lambda i: (i, 0)),
        out_shape=jax.ShapeDtypeStruct((N, C), jnp.float32),
    )(pa, pb, x, dens, wc, ws, wn, bn, g, b, wl)


def kernel(node_features, density_features, edge_features, edge_index, basis,
           W_rad1, b_rad1, W_rad2, b_rad2, W_conv, W_self,
           W_norm, b_norm, ln_g, ln_b, W_lin):
    eft = edge_features.T
    bast = basis.T
    b1c = b_rad1.reshape(H, 1)
    b2r = b_rad2.reshape(1, C)
    ei = edge_index.reshape(2 * E)

    rba = _radial(eft, bast, W_rad1, b1c, W_rad2, b2r, 0)
    pa = _sc_scatter(node_features, rba, ei, 0)
    rbb = _radial(eft, bast, W_rad1, b1c, W_rad2, b2r, EH // BEE)
    pb = _sc_scatter(node_features, rbb, ei, EH)
    return _node_pipeline(pa, pb, node_features, density_features,
                          W_conv, W_self, W_norm, b_norm, ln_g, ln_b, W_lin)

# --- scband reference (transcript-rebuilt; emitter-appended) ---
"""Pipeline reference for scband-density-update-67405216743685 (READ-ONLY COPY).

The authoritative reference and input builder live on the scoring server;
editing this copy changes nothing except your own understanding.
"""

import jax, jax.numpy as jnp
import numpy as np

N = 10000
E = 320000
C = 128
DE = 16
H = 32


def setup_inputs(seed: int = 0) -> dict:
    key = jax.random.key(seed)
    ks = jax.random.split(key, 16)
    node_features = jax.random.normal(ks[0], (N, C), dtype=jnp.float32)
    density_features = jax.random.normal(ks[1], (N, C), dtype=jnp.float32)
    edge_features = jax.random.normal(ks[2], (E, DE), dtype=jnp.float32)
    edge_index = jax.random.randint(ks[3], (2, E), 0, N, dtype=jnp.int32)
    basis = jnp.ones((E, 1), dtype=jnp.float32)
    # ConvSE3 'update' branch params (degree-0 -> degree-0 path)
    W_rad1 = jax.random.normal(ks[4], (DE, H), dtype=jnp.float32) * (1.0 / np.sqrt(DE))
    b_rad1 = jnp.zeros((H,), dtype=jnp.float32)
    W_rad2 = jax.random.normal(ks[5], (H, C), dtype=jnp.float32) * (1.0 / np.sqrt(H))
    b_rad2 = jnp.zeros((C,), dtype=jnp.float32)
    W_conv = jax.random.normal(ks[6], (C, C), dtype=jnp.float32) * (1.0 / np.sqrt(C))
    W_self = jax.random.normal(ks[7], (C, C), dtype=jnp.float32) * (1.0 / np.sqrt(C))
    # NormSE3 params
    W_norm = jax.random.normal(ks[8], (C, C), dtype=jnp.float32) * (1.0 / np.sqrt(C))
    b_norm = jnp.zeros((C,), dtype=jnp.float32)
    ln_g = jnp.ones((C,), dtype=jnp.float32)
    ln_b = jnp.zeros((C,), dtype=jnp.float32)
    # LinearSE3 transition params
    W_lin = jax.random.normal(ks[9], (C, C), dtype=jnp.float32) * (1.0 / np.sqrt(C))
    return {
        "node_features": node_features,
        "density_features": density_features,
        "edge_features": edge_features,
        "edge_index": edge_index,
        "basis": basis,
        "W_rad1": W_rad1, "b_rad1": b_rad1,
        "W_rad2": W_rad2, "b_rad2": b_rad2,
        "W_conv": W_conv, "W_self": W_self,
        "W_norm": W_norm, "b_norm": b_norm,
        "ln_g": ln_g, "ln_b": ln_b,
        "W_lin": W_lin,
    }


def _conv_se3_deg0(x, edge_features, src, dst, basis, W_rad1, b_rad1, W_rad2, b_rad2, W_conv, W_self):
    # radial profile on edge features -> per-edge, per-channel kernel
    h = jax.nn.relu(edge_features @ W_rad1 + b_rad1)
    r = h @ W_rad2 + b_rad2                      # [E, C]
    msg = (r * jnp.take(x, src, axis=0)) * basis  # gather src features, modulate
    agg = jax.ops.segment_sum(msg, dst, num_segments=N)  # scatter-add to dst
    return agg @ W_conv + x @ W_self              # conv mix + self-interaction


def _norm_se3(u, W_norm, b_norm, ln_g, ln_b):
    norm = jnp.abs(u) + 1e-6
    phase = u / norm
    mu = jnp.mean(norm, axis=-1, keepdims=True)
    var = jnp.var(norm, axis=-1, keepdims=True)
    nln = (norm - mu) / jnp.sqrt(var + 1e-5) * ln_g + ln_b
    t = jax.nn.relu(nln @ W_norm + b_norm)
    return t * phase


def reference(node_features, density_features, edge_features, edge_index, basis,
              W_rad1, b_rad1, W_rad2, b_rad2, W_conv, W_self,
              W_norm, b_norm, ln_g, ln_b, W_lin):
    src = edge_index[0]
    dst = edge_index[1]
    update = _conv_se3_deg0(node_features, edge_features, src, dst, basis,
                            W_rad1, b_rad1, W_rad2, b_rad2, W_conv, W_self)
    update = _norm_se3(update, W_norm, b_norm, ln_g, ln_b)
    update = update @ W_lin  # LinearSE3 transition
    return density_features + update  # type_l_add

if __name__ == "__main__":
    import jax
    _d = setup_inputs()
    print(jax.jit(kernel)(*tuple(_d.values())))

</pallas_src>

<mosaic_0001>
#map = affine_map<(d0, d1) -> (0, 0)>
#map1 = affine_map<(d0, d1) -> (0)>
#map2 = affine_map<(d0, d1) -> (0, 0, 0)>
module attributes {stable_mosaic.version = 14 : i64} {
  func.func @_scatter_body(%arg0: i32, %arg1: i32, %arg2: memref<10000x128xf32, #tpu.memory_space<hbm>>, %arg3: memref<160000x128xf32, #tpu.memory_space<hbm>>, %arg4: memref<640000xi32, #tpu.memory_space<hbm>>, %arg5: memref<2x10240x128xf32, #tpu.memory_space<hbm>>, %arg6: memref<5000xi32, #tpu.memory_space<vmem>>, %arg7: memref<64xi32, #tpu.memory_space<vmem>>, %arg8: memref<64xi32, #tpu.memory_space<vmem>>, %arg9: memref<64x128xf32, #tpu.memory_space<vmem>>, %arg10: memref<64x128xf32, #tpu.memory_space<vmem>>, %arg11: memref<64x128xf32, #tpu.memory_space<vmem>>, %arg12: memref<64x128xf32, #tpu.memory_space<vmem>>, %arg13: memref<8xi32, #tpu.memory_space<vmem>>, %arg14: memref<8x128xf32, #tpu.memory_space<vmem>>, %arg15: memref<8x128xf32, #tpu.memory_space<vmem>>, %arg16: memref<10240x128xf32, #tpu.memory_space<vmem_shared>>, %arg17: memref<!tpu.dma_semaphore, #tpu.memory_space<semaphore_mem>>, %arg18: memref<!tpu.dma_semaphore, #tpu.memory_space<semaphore_mem>>, %arg19: memref<!tpu.dma_semaphore, #tpu.memory_space<semaphore_mem>>, %arg20: memref<!tpu.dma_semaphore, #tpu.memory_space<semaphore_mem>>, %arg21: memref<!tpu.dma_semaphore, #tpu.memory_space<semaphore_mem>>, %arg22: memref<!tpu.dma_semaphore, #tpu.memory_space<semaphore_mem>>) attributes {dimension_semantics = [#tpu.dimension_semantics<core_parallel>, #tpu.dimension_semantics<subcore_parallel>], iteration_bounds = array<i64: 2, 16>, scalar_prefetch = 0 : i64, scratch_operands = 17 : i64, tpu.core_type = #tpu.core_type<sc_vector_subcore>, window_params = [{transform_indices = #map}, {transform_indices = #map}, {transform_indices = #map1}, {transform_indices = #map2}]} {
    %mul3A = arith.constant 16 : i32
    %mul3A_0 = arith.muli %arg0, %mul3A : i32
    %add3A = arith.addi %mul3A_0, %arg1 : i32
    %mul3A_1 = arith.constant 5000 : i32
    %mul3A_2 = arith.muli %add3A, %mul3A_1 : i32
    %add3A_3 = arith.constant 160000 : i32
    %add3A_4 = arith.addi %add3A_3, %mul3A_2 : i32
    %scan3A = arith.constant 0 : i32
    %scan3A_5 = arith.constant 64 : i32
    %scan3A_6 = arith.addi %scan3A, %scan3A_5 : i32
    %scan3A_7 = arith.constant 1 : i32
    scf.for %scan3A_84 = %scan3A to %scan3A_6 step %scan3A_7  : i32 {
      %broadcast_in_dim3A = arith.constant 0.000000e+00 : f32
      %broadcast_in_dim3A_85 = vector.broadcast %broadcast_in_dim3A : f32 to vector<16xf32>
      %swap3A = arith.index_cast %scan3A_84 : i32 to index
      %swap3A_86 = arith.constant 0 : index
      %swap3A_87 = tpu.vector_load %arg9[%swap3A, %swap3A_86] {strides = array<i32>} : memref<64x128xf32, #tpu.memory_space<vmem>>, vector<1x16xf32>,
      %swap3A_88 = vector.shape_cast %swap3A_87 : vector<1x16xf32> to vector<16xf32>
      %swap3A_89 = vector.shape_cast %broadcast_in_dim3A_85 : vector<16xf32> to vector<1x16xf32>
      tpu.vector_store %arg9[%swap3A, %swap3A_86], %swap3A_89 {strides = array<i32>} : memref<64x128xf32, #tpu.memory_space<vmem>>, vector<1x16xf32>,
      %broadcast_in_dim3A_90 = arith.constant 0.000000e+00 : f32
      %broadcast_in_dim3A_91 = vector.broadcast %broadcast_in_dim3A_90 : f32 to vector<16xf32>
      %swap3A_92 = arith.index_cast %scan3A_84 : i32 to index
      %swap3A_93 = arith.constant 16 : index
      %swap3A_94 = tpu.vector_load %arg9[%swap3A_92, %swap3A_93] {strides = array<i32>} : memref<64x128xf32, #tpu.memory_space<vmem>>, vector<1x16xf32>,
      %swap3A_95 = vector.shape_cast %swap3A_94 : vector<1x16xf32> to vector<16xf32>
      %swap3A_96 = vector.shape_cast %broadcast_in_dim3A_91 : vector<16xf32> to vector<1x16xf32>
      tpu.vector_store %arg9[%swap3A_92, %swap3A_93], %swap3A_96 {strides = array<i32>} : memref<64x128xf32, #tpu.memory_space<vmem>>, vector<1x16xf32>,
      %broadcast_in_dim3A_97 = arith.constant 0.000000e+00 : f32
      %broadcast_in_dim3A_98 = vector.broadcast %broadcast_in_dim3A_97 : f32 to vector<16xf32>
      %swap3A_99 = arith.index_cast %scan3A_84 : i32 to index
      %swap3A_100 = arith.constant 32 : index
      %swap3A_101 = tpu.vector_load %arg9[%swap3A_99, %swap3A_100] {strides = array<i32>} : memref<64x128xf32, #tpu.memory_space<vmem>>, vector<1x16xf32>,
      %swap3A_102 = vector.shape_cast %swap3A_101 : vector<1x16xf32> to vector<16xf32>
      %swap3A_103 = vector.shape_cast %broadcast_in_dim3A_98 : vector<16xf32> to vector<1x16xf32>
      tpu.vector_store %arg9[%swap3A_99, %swap3A_100], %swap3A_103 {strides = array<i32>} : memref<64x128xf32, #tpu.memory_space<vmem>>, vector<1x16xf32>,
      %broadcast_in_dim3A_104 = arith.constant 0.000000e+00 : f32
      %broadcast_in_dim3A_105 = vector.broadcast %broadcast_in_dim3A_104 : f32 to vector<16xf32>
      %swap3A_106 = arith.index_cast %scan3A_84 : i32 to index
      %swap3A_107 = arith.constant 48 : index
      %swap3A_108 = tpu.vector_load %arg9[%swap3A_106, %swap3A_107] {strides = array<i32>} : memref<64x128xf32, #tpu.memory_space<vmem>>, vector<1x16xf32>,
      %swap3A_109 = vector.shape_cast %swap3A_108 : vector<1x16xf32> to vector<16xf32>
      %swap3A_110 = vector.shape_cast %broadcast_in_dim3A_105 : vector<16xf32> to vector<1x16xf32>
      tpu.vector_store %arg9[%swap3A_106, %swap3A_107], %swap3A_110 {strides = array<i32>} : memref<64x128xf32, #tpu.memory_space<vmem>>, vector<1x16xf32>,
      %broadcast_in_dim3A_111 = arith.constant 0.000000e+00 : f32
      %broadcast_in_dim3A_112 = vector.broadcast %broadcast_in_dim3A_111 : f32 to vector<16xf32>
      %swap3A_113 = arith.index_cast %scan3A_84 : i32 to index
      %swap3A_114 = arith.constant 64 : index
      %swap3A_115 = tpu.vector_load %arg9[%swap3A_113, %swap3A_114] {strides = array<i32>} : memref<64x128xf32, #tpu.memory_space<vmem>>, vector<1x16xf32>,
      %swap3A_116 = vector.shape_cast %swap3A_115 : vector<1x16xf32> to vector<16xf32>
      %swap3A_117 = vector.shape_cast %broadcast_in_dim3A_112 : vector<16xf32> to vector<1x16xf32>
      tpu.vector_store %arg9[%swap3A_113, %swap3A_114], %swap3A_117 {strides = array<i32>} : memref<64x128xf32, #tpu.memory_space<vmem>>, vector<1x16xf32>,
      %broadcast_in_dim3A_118 = arith.constant 0.000000e+00 : f32
      %broadcast_in_dim3A_119 = vector.broadcast %broadcast_in_dim3A_118 : f32 to vector<16xf32>
      %swap3A_120 = arith.index_cast %scan3A_84 : i32 to index
      %swap3A_121 = arith.constant 80 : index
      %swap3A_122 = tpu.vector_load %arg9[%swap3A_120, %swap3A_121] {strides = array<i32>} : memref<64x128xf32, #tpu.memory_space<vmem>>, vector<1x16xf32>,
      %swap3A_123 = vector.shape_cast %swap3A_122 : vector<1x16xf32> to vector<16xf32>
      %swap3A_124 = vector.shape_cast %broadcast_in_dim3A_119 : vector<16xf32> to vector<1x16xf32>
      tpu.vector_store %arg9[%swap3A_120, %swap3A_121], %swap3A_124 {strides = array<i32>} : memref<64x128xf32, #tpu.memory_space<vmem>>, vector<1x16xf32>,
      %broadcast_in_dim3A_125 = arith.constant 0.000000e+00 : f32
      %broadcast_in_dim3A_126 = vector.broadcast %broadcast_in_dim3A_125 : f32 to vector<16xf32>
      %swap3A_127 = arith.index_cast %scan3A_84 : i32 to index
      %swap3A_128 = arith.constant 96 : index
      %swap3A_129 = tpu.vector_load %arg9[%swap3A_127, %swap3A_128] {strides = array<i32>} : memref<64x128xf32, #tpu.memory_space<vmem>>, vector<1x16xf32>,
      %swap3A_130 = vector.shape_cast %swap3A_129 : vector<1x16xf32> to vector<16xf32>
      %swap3A_131 = vector.shape_cast %broadcast_in_dim3A_126 : vector<16xf32> to vector<1x16xf32>
      tpu.vector_store %arg9[%swap3A_127, %swap3A_128], %swap3A_131 {strides = array<i32>} : memref<64x128xf32, #tpu.memory_space<vmem>>, vector<1x16xf32>,
      %broadcast_in_dim3A_132 = arith.constant 0.000000e+00 : f32
      %broadcast_in_dim3A_133 = vector.broadcast %broadcast_in_dim3A_132 : f32 to vector<16xf32>
      %swap3A_134 = arith.index_cast %scan3A_84 : i32 to index
      %swap3A_135 = arith.constant 112 : index
      %swap3A_136 = tpu.vector_load %arg9[%swap3A_134, %swap3A_135] {strides = array<i32>} : memref<64x128xf32, #tpu.memory_space<vmem>>, vector<1x16xf32>,
      %swap3A_137 = vector.shape_cast %swap3A_136 : vector<1x16xf32> to vector<16xf32>
      %swap3A_138 = vector.shape_cast %broadcast_in_dim3A_133 : vector<16xf32> to vector<1x16xf32>
      tpu.vector_store %arg9[%swap3A_134, %swap3A_135], %swap3A_138 {strides = array<i32>} : memref<64x128xf32, #tpu.memory_space<vmem>>, vector<1x16xf32>,
    }
    %scan3A_8 = arith.constant 64 : i32
    %mul3A_9 = arith.constant 640 : i32
    %mul3A_10 = arith.muli %arg1, %mul3A_9 : i32
    %add3A_11 = arith.constant 0 : i32
    %add3A_12 = arith.addi %mul3A_10, %add3A_11 : i32
    "tpu.region"() ({
      %run_scoped3A = tpu.sem_alloc : memref<!tpu.dma_semaphore, #tpu.memory_space<semaphore_mem>>
      %dma_start3A_84 = arith.constant 0 : i32
      %dma_start3A_85 = tpu.memref_slice %arg16[%add3A_12, %dma_start3A_84] : memref<10240x128xf32, #tpu.memory_space<vmem_shared>> -> memref<64x128xf32, #tpu.memory_space<vmem_shared>>
      %dma_start3A_86 = arith.constant 0 : i32
      %dma_start3A_87 = tpu.memref_slice %arg16[%add3A_12, %dma_start3A_86] : memref<10240x128xf32, #tpu.memory_space<vmem_shared>> -> memref<64x128xf32, #tpu.memory_space<vmem_shared>>
      tpu.enqueue_dma source(%arg9 : memref<64x128xf32, #tpu.memory_space<vmem>>) target(%dma_start3A_87 : memref<64x128xf32, #tpu.memory_space<vmem_shared>>) target_semaphore(%run_scoped3A : memref<!tpu.dma_semaphore, #tpu.memory_space<semaphore_mem>>)
      %dma_wait3A_88 = arith.constant 0 : i32
      %dma_wait3A_89 = tpu.memref_slice %arg16[%add3A_12, %dma_wait3A_88] : memref<10240x128xf32, #tpu.memory_space<vmem_shared>> -> memref<64x128xf32, #tpu.memory_space<vmem_shared>>
      %dma_wait3A_90 = arith.constant 0 : i32
      %dma_wait3A_91 = tpu.memref_slice %arg16[%add3A_12, %dma_wait3A_90] : memref<10240x128xf32, #tpu.memory_space<vmem_shared>> -> memref<64x128xf32, #tpu.memory_space<vmem_shared>>
      tpu.wait_dma2 semaphore(%run_scoped3A : memref<!tpu.dma_semaphore, #tpu.memory_space<semaphore_mem>>) src(%arg9 : memref<64x128xf32, #tpu.memory_space<vmem>>) dst(%dma_wait3A_91 : memref<64x128xf32, #tpu.memory_space<vmem_shared>>)
      tpu.yield
    }) : () -> ()
    %add3A_13 = arith.constant 64 : i32
    %add3A_14 = arith.addi %mul3A_10, %add3A_13 : i32
    "tpu.region"() ({
      %run_scoped3A = tpu.sem_alloc : memref<!tpu.dma_semaphore, #tpu.memory_space<semaphore_mem>>
      %dma_start3A_84 = arith.constant 0 : i32
      %dma_start3A_85 = tpu.memref_slice %arg16[%add3A_14, %dma_start3A_84] : memref<10240x128xf32, #tpu.memory_space<vmem_shared>> -> memref<64x128xf32, #tpu.memory_space<vmem_shared>>
      %dma_start3A_86 = arith.constant 0 : i32
      %dma_start3A_87 = tpu.memref_slice %arg16[%add3A_14, %dma_start3A_86] : memref<10240x128xf32, #tpu.memory_space<vmem_shared>> -> memref<64x128xf32, #tpu.memory_space<vmem_shared>>
      tpu.enqueue_dma source(%arg9 : memref<64x128xf32, #tpu.memory_space<vmem>>) target(%dma_start3A_87 : memref<64x128xf32, #tpu.memory_space<vmem_shared>>) target_semaphore(%run_scoped3A : memref<!tpu.dma_semaphore, #tpu.memory_space<semaphore_mem>>)
      %dma_wait3A_88 = arith.constant 0 : i32
      %dma_wait3A_89 = tpu.memref_slice %arg16[%add3A_14, %dma_wait3A_88] : memref<10240x128xf32, #tpu.memory_space<vmem_shared>> -> memref<64x128xf32, #tpu.memory_space<vmem_shared>>
      %dma_wait3A_90 = arith.constant 0 : i32
      %dma_wait3A_91 = tpu.memref_slice %arg16[%add3A_14, %dma_wait3A_90] : memref<10240x128xf32, #tpu.memory_space<vmem_shared>> -> memref<64x128xf32, #tpu.memory_space<vmem_shared>>
      tpu.wait_dma2 semaphore(%run_scoped3A : memref<!tpu.dma_semaphore, #tpu.memory_space<semaphore_mem>>) src(%arg9 : memref<64x128xf32, #tpu.memory_space<vmem>>) dst(%dma_wait3A_91 : memref<64x128xf32, #tpu.memory_space<vmem_shared>>)
      tpu.yield
    }) : () -> ()
    %add3A_15 = arith.constant 128 : i32
    %add3A_16 = arith.addi %mul3A_10, %add3A_15 : i32
    "tpu.region"() ({
      %run_scoped3A = tpu.sem_alloc : memref<!tpu.dma_semaphore, #tpu.memory_space<semaphore_mem>>
      %dma_start3A_84 = arith.constant 0 : i32
      %dma_start3A_85 = tpu.memref_slice %arg16[%add3A_16, %dma_start3A_84] : memref<10240x128xf32, #tpu.memory_space<vmem_shared>> -> memref<64x128xf32, #tpu.memory_space<vmem_shared>>
      %dma_start3A_86 = arith.constant 0 : i32
      %dma_start3A_87 = tpu.memref_slice %arg16[%add3A_16, %dma_start3A_86] : memref<10240x128xf32, #tpu.memory_space<vmem_shared>> -> memref<64x128xf32, #tpu.memory_space<vmem_shared>>
      tpu.enqueue_dma source(%arg9 : memref<64x128xf32, #tpu.memory_space<vmem>>) target(%dma_start3A_87 : memref<64x128xf32, #tpu.memory_space<vmem_shared>>) target_semaphore(%run_scoped3A : memref<!tpu.dma_semaphore, #tpu.memory_space<semaphore_mem>>)
      %dma_wait3A_88 = arith.constant 0 : i32
      %dma_wait3A_89 = tpu.memref_slice %arg16[%add3A_16, %dma_wait3A_88] : memref<10240x128xf32, #tpu.memory_space<vmem_shared>> -> memref<64x128xf32, #tpu.memory_space<vmem_shared>>
      %dma_wait3A_90 = arith.constant 0 : i32
      %dma_wait3A_91 = tpu.memref_slice %arg16[%add3A_16, %dma_wait3A_90] : memref<10240x128xf32, #tpu.memory_space<vmem_shared>> -> memref<64x128xf32, #tpu.memory_space<vmem_shared>>
      tpu.wait_dma2 semaphore(%run_scoped3A : memref<!tpu.dma_semaphore, #tpu.memory_space<semaphore_mem>>) src(%arg9 : memref<64x128xf32, #tpu.memory_space<vmem>>) dst(%dma_wait3A_91 : memref<64x128xf32, #tpu.memory_space<vmem_shared>>)
      tpu.yield
    }) : () -> ()
    %add3A_17 = arith.constant 192 : i32
    %add3A_18 = arith.addi %mul3A_10, %add3A_17 : i32
    "tpu.region"() ({
      %run_scoped3A = tpu.sem_alloc : memref<!tpu.dma_semaphore, #tpu.memory_space<semaphore_mem>>
      %dma_start3A_84 = arith.constant 0 : i32
      %dma_start3A_85 = tpu.memref_slice %arg16[%add3A_18, %dma_start3A_84] : memref<10240x128xf32, #tpu.memory_space<vmem_shared>> -> memref<64x128xf32, #tpu.memory_space<vmem_shared>>
      %dma_start3A_86 = arith.constant 0 : i32
      %dma_start3A_87 = tpu.memref_slice %arg16[%add3A_18, %dma_start3A_86] : memref<10240x128xf32, #tpu.memory_space<vmem_shared>> -> memref<64x128xf32, #tpu.memory_space<vmem_shared>>
      tpu.enqueue_dma source(%arg9 : memref<64x128xf32, #tpu.memory_space<vmem>>) target(%dma_start3A_87 : memref<64x128xf32, #tpu.memory_space<vmem_shared>>) target_semaphore(%run_scoped3A : memref<!tpu.dma_semaphore, #tpu.memory_space<semaphore_mem>>)
      %dma_wait3A_88 = arith.constant 0 : i32
      %dma_wait3A_89 = tpu.memref_slice %arg16[%add3A_18, %dma_wait3A_88] : memref<10240x128xf32, #tpu.memory_space<vmem_shared>> -> memref<64x128xf32, #tpu.memory_space<vmem_shared>>
      %dma_wait3A_90 = arith.constant 0 : i32
      %dma_wait3A_91 = tpu.memref_slice %arg16[%add3A_18, %dma_wait3A_90] : memref<10240x128xf32, #tpu.memory_space<vmem_shared>> -> memref<64x128xf32, #tpu.memory_space<vmem_shared>>
      tpu.wait_dma2 semaphore(%run_scoped3A : memref<!tpu.dma_semaphore, #tpu.memory_space<semaphore_mem>>) src(%arg9 : memref<64x128xf32, #tpu.memory_space<vmem>>) dst(%dma_wait3A_91 : memref<64x128xf32, #tpu.memory_space<vmem_shared>>)
      tpu.yield
    }) : () -> ()
    %add3A_19 = arith.constant 256 : i32
    %add3A_20 = arith.addi %mul3A_10, %add3A_19 : i32
    "tpu.region"() ({
      %run_scoped3A = tpu.sem_alloc : memref<!tpu.dma_semaphore, #tpu.memory_space<semaphore_mem>>
      %dma_start3A_84 = arith.constant 0 : i32
      %dma_start3A_85 = tpu.memref_slice %arg16[%add3A_20, %dma_start3A_84] : memref<10240x128xf32, #tpu.memory_space<vmem_shared>> -> memref<64x128xf32, #tpu.memory_space<vmem_shared>>
      %dma_start3A_86 = arith.constant 0 : i32
      %dma_start3A_87 = tpu.memref_slice %arg16[%add3A_20, %dma_start3A_86] : memref<10240x128xf32, #tpu.memory_space<vmem_shared>> -> memref<64x128xf32, #tpu.memory_space<vmem_shared>>
      tpu.enqueue_dma source(%arg9 : memref<64x128xf32, #tpu.memory_space<vmem>>) target(%dma_start3A_87 : memref<64x128xf32, #tpu.memory_space<vmem_shared>>) target_semaphore(%run_scoped3A : memref<!tpu.dma_semaphore, #tpu.memory_space<semaphore_mem>>)
      %dma_wait3A_88 = arith.constant 0 : i32
      %dma_wait3A_89 = tpu.memref_slice %arg16[%add3A_20, %dma_wait3A_88] : memref<10240x128xf32, #tpu.memory_space<vmem_shared>> -> memref<64x128xf32, #tpu.memory_space<vmem_shared>>
      %dma_wait3A_90 = arith.constant 0 : i32
      %dma_wait3A_91 = tpu.memref_slice %arg16[%add3A_20, %dma_wait3A_90] : memref<10240x128xf32, #tpu.memory_space<vmem_shared>> -> memref<64x128xf32, #tpu.memory_space<vmem_shared>>
      tpu.wait_dma2 semaphore(%run_scoped3A : memref<!tpu.dma_semaphore, #tpu.memory_space<semaphore_mem>>) src(%arg9 : memref<64x128xf32, #tpu.memory_space<vmem>>) dst(%dma_wait3A_91 : memref<64x128xf32, #tpu.memory_space<vmem_shared>>)
      tpu.yield
    }) : () -> ()
    %add3A_21 = arith.constant 320 : i32
    %add3A_22 = arith.addi %mul3A_10, %add3A_21 : i32
    "tpu.region"() ({
      %run_scoped3A = tpu.sem_alloc : memref<!tpu.dma_semaphore, #tpu.memory_space<semaphore_mem>>
      %dma_start3A_84 = arith.constant 0 : i32
      %dma_start3A_85 = tpu.memref_slice %arg16[%add3A_22, %dma_start3A_84] : memref<10240x128xf32, #tpu.memory_space<vmem_shared>> -> memref<64x128xf32, #tpu.memory_space<vmem_shared>>
      %dma_start3A_86 = arith.constant 0 : i32
      %dma_start3A_87 = tpu.memref_slice %arg16[%add3A_22, %dma_start3A_86] : memref<10240x128xf32, #tpu.memory_space<vmem_shared>> -> memref<64x128xf32, #tpu.memory_space<vmem_shared>>
      tpu.enqueue_dma source(%arg9 : memref<64x128xf32, #tpu.memory_space<vmem>>) target(%dma_start3A_87 : memref<64x128xf32, #tpu.memory_space<vmem_shared>>) target_semaphore(%run_scoped3A : memref<!tpu.dma_semaphore, #tpu.memory_space<semaphore_mem>>)
      %dma_wait3A_88 = arith.constant 0 : i32
      %dma_wait3A_89 = tpu.memref_slice %arg16[%add3A_22, %dma_wait3A_88] : memref<10240x128xf32, #tpu.memory_space<vmem_shared>> -> memref<64x128xf32, #tpu.memory_space<vmem_shared>>
      %dma_wait3A_90 = arith.constant 0 : i32
      %dma_wait3A_91 = tpu.memref_slice %arg16[%add3A_22, %dma_wait3A_90] : memref<10240x128xf32, #tpu.memory_space<vmem_shared>> -> memref<64x128xf32, #tpu.memory_space<vmem_shared>>
      tpu.wait_dma2 semaphore(%run_scoped3A : memref<!tpu.dma_semaphore, #tpu.memory_space<semaphore_mem>>) src(%arg9 : memref<64x128xf32, #tpu.memory_space<vmem>>) dst(%dma_wait3A_91 : memref<64x128xf32, #tpu.memory_space<vmem_shared>>)
      tpu.yield
    }) : () -> ()
    %add3A_23 = arith.constant 384 : i32
    %add3A_24 = arith.addi %mul3A_10, %add3A_23 : i32
    "tpu.region"() ({
      %run_scoped3A = tpu.sem_alloc : memref<!tpu.dma_semaphore, #tpu.memory_space<semaphore_mem>>
      %dma_start3A_84 = arith.constant 0 : i32
      %dma_start3A_85 = tpu.memref_slice %arg16[%add3A_24, %dma_start3A_84] : memref<10240x128xf32, #tpu.memory_space<vmem_shared>> -> memref<64x128xf32, #tpu.memory_space<vmem_shared>>
      %dma_start3A_86 = arith.constant 0 : i32
      %dma_start3A_87 = tpu.memref_slice %arg16[%add3A_24, %dma_start3A_86] : memref<10240x128xf32, #tpu.memory_space<vmem_shared>> -> memref<64x128xf32, #tpu.memory_space<vmem_shared>>
      tpu.enqueue_dma source(%arg9 : memref<64x128xf32, #tpu.memory_space<vmem>>) target(%dma_start3A_87 : memref<64x128xf32, #tpu.memory_space<vmem_shared>>) target_semaphore(%run_scoped3A : memref<!tpu.dma_semaphore, #tpu.memory_space<semaphore_mem>>)
      %dma_wait3A_88 = arith.constant 0 : i32
      %dma_wait3A_89 = tpu.memref_slice %arg16[%add3A_24, %dma_wait3A_88] : memref<10240x128xf32, #tpu.memory_space<vmem_shared>> -> memref<64x128xf32, #tpu.memory_space<vmem_shared>>
      %dma_wait3A_90 = arith.constant 0 : i32
      %dma_wait3A_91 = tpu.memref_slice %arg16[%add3A_24, %dma_wait3A_90] : memref<10240x128xf32, #tpu.memory_space<vmem_shared>> -> memref<64x128xf32, #tpu.memory_space<vmem_shared>>
      tpu.wait_dma2 semaphore(%run_scoped3A : memref<!tpu.dma_semaphore, #tpu.memory_space<semaphore_mem>>) src(%arg9 : memref<64x128xf32, #tpu.memory_space<vmem>>) dst(%dma_wait3A_91 : memref<64x128xf32, #tpu.memory_space<vmem_shared>>)
      tpu.yield
    }) : () -> ()
    %add3A_25 = arith.constant 448 : i32
    %add3A_26 = arith.addi %mul3A_10, %add3A_25 : i32
    "tpu.region"() ({
      %run_scoped3A = tpu.sem_alloc : memref<!tpu.dma_semaphore, #tpu.memory_space<semaphore_mem>>
      %dma_start3A_84 = arith.constant 0 : i32
      %dma_start3A_85 = tpu.memref_slice %arg16[%add3A_26, %dma_start3A_84] : memref<10240x128xf32, #tpu.memory_space<vmem_shared>> -> memref<64x128xf32, #tpu.memory_space<vmem_shared>>
      %dma_start3A_86 = arith.constant 0 : i32
      %dma_start3A_87 = tpu.memref_slice %arg16[%add3A_26, %dma_start3A_86] : memref<10240x128xf32, #tpu.memory_space<vmem_shared>> -> memref<64x128xf32, #tpu.memory_space<vmem_shared>>
      tpu.enqueue_dma source(%arg9 : memref<64x128xf32, #tpu.memory_space<vmem>>) target(%dma_start3A_87 : memref<64x128xf32, #tpu.memory_space<vmem_shared>>) target_semaphore(%run_scoped3A : memref<!tpu.dma_semaphore, #tpu.memory_space<semaphore_mem>>)
      %dma_wait3A_88 = arith.constant 0 : i32
      %dma_wait3A_89 = tpu.memref_slice %arg16[%add3A_26, %dma_wait3A_88] : memref<10240x128xf32, #tpu.memory_space<vmem_shared>> -> memref<64x128xf32, #tpu.memory_space<vmem_shared>>
      %dma_wait3A_90 = arith.constant 0 : i32
      %dma_wait3A_91 = tpu.memref_slice %arg16[%add3A_26, %dma_wait3A_90] : memref<10240x128xf32, #tpu.memory_space<vmem_shared>> -> memref<64x128xf32, #tpu.memory_space<vmem_shared>>
      tpu.wait_dma2 semaphore(%run_scoped3A : memref<!tpu.dma_semaphore, #tpu.memory_space<semaphore_mem>>) src(%arg9 : memref<64x128xf32, #tpu.memory_space<vmem>>) dst(%dma_wait3A_91 : memref<64x128xf32, #tpu.memory_space<vmem_shared>>)
      tpu.yield
    }) : () -> ()
    %add3A_27 = arith.constant 512 : i32
    %add3A_28 = arith.addi %mul3A_10, %add3A_27 : i32
    "tpu.region"() ({
      %run_scoped3A = tpu.sem_alloc : memref<!tpu.dma_semaphore, #tpu.memory_space<semaphore_mem>>
      %dma_start3A_84 = arith.constant 0 : i32
      %dma_start3A_85 = tpu.memref_slice %arg16[%add3A_28, %dma_start3A_84] : memref<10240x128xf32, #tpu.memory_space<vmem_shared>> -> memref<64x128xf32, #tpu.memory_space<vmem_shared>>
      %dma_start3A_86 = arith.constant 0 : i32
      %dma_start3A_87 = tpu.memref_slice %arg16[%add3A_28, %dma_start3A_86] : memref<10240x128xf32, #tpu.memory_space<vmem_shared>> -> memref<64x128xf32, #tpu.memory_space<vmem_shared>>
      tpu.enqueue_dma source(%arg9 : memref<64x128xf32, #tpu.memory_space<vmem>>) target(%dma_start3A_87 : memref<64x128xf32, #tpu.memory_space<vmem_shared>>) target_semaphore(%run_scoped3A : memref<!tpu.dma_semaphore, #tpu.memory_space<semaphore_mem>>)
      %dma_wait3A_88 = arith.constant 0 : i32
      %dma_wait3A_89 = tpu.memref_slice %arg16[%add3A_28, %dma_wait3A_88] : memref<10240x128xf32, #tpu.memory_space<vmem_shared>> -> memref<64x128xf32, #tpu.memory_space<vmem_shared>>
      %dma_wait3A_90 = arith.constant 0 : i32
      %dma_wait3A_91 = tpu.memref_slice %arg16[%add3A_28, %dma_wait3A_90] : memref<10240x128xf32, #tpu.memory_space<vmem_shared>> -> memref<64x128xf32, #tpu.memory_space<vmem_shared>>
      tpu.wait_dma2 semaphore(%run_scoped3A : memref<!tpu.dma_semaphore, #tpu.memory_space<semaphore_mem>>) src(%arg9 : memref<64x128xf32, #tpu.memory_space<vmem>>) dst(%dma_wait3A_91 : memref<64x128xf32, #tpu.memory_space<vmem_shared>>)
      tpu.yield
    }) : () -> ()
    %add3A_29 = arith.constant 576 : i32
    %add3A_30 = arith.addi %mul3A_10, %add3A_29 : i32
    "tpu.region"() ({
      %run_scoped3A = tpu.sem_alloc : memref<!tpu.dma_semaphore, #tpu.memory_space<semaphore_mem>>
      %dma_start3A_84 = arith.constant 0 : i32
      %dma_start3A_85 = tpu.memref_slice %arg16[%add3A_30, %dma_start3A_84] : memref<10240x128xf32, #tpu.memory_space<vmem_shared>> -> memref<64x128xf32, #tpu.memory_space<vmem_shared>>
      %dma_start3A_86 = arith.constant 0 : i32
      %dma_start3A_87 = tpu.memref_slice %arg16[%add3A_30, %dma_start3A_86] : memref<10240x128xf32, #tpu.memory_space<vmem_shared>> -> memref<64x128xf32, #tpu.memory_space<vmem_shared>>
      tpu.enqueue_dma source(%arg9 : memref<64x128xf32, #tpu.memory_space<vmem>>) target(%dma_start3A_87 : memref<64x128xf32, #tpu.memory_space<vmem_shared>>) target_semaphore(%run_scoped3A : memref<!tpu.dma_semaphore, #tpu.memory_space<semaphore_mem>>)
      %dma_wait3A_88 = arith.constant 0 : i32
      %dma_wait3A_89 = tpu.memref_slice %arg16[%add3A_30, %dma_wait3A_88] : memref<10240x128xf32, #tpu.memory_space<vmem_shared>> -> memref<64x128xf32, #tpu.memory_space<vmem_shared>>
      %dma_wait3A_90 = arith.constant 0 : i32
      %dma_wait3A_91 = tpu.memref_slice %arg16[%add3A_30, %dma_wait3A_90] : memref<10240x128xf32, #tpu.memory_space<vmem_shared>> -> memref<64x128xf32, #tpu.memory_space<vmem_shared>>
      tpu.wait_dma2 semaphore(%run_scoped3A : memref<!tpu.dma_semaphore, #tpu.memory_space<semaphore_mem>>) src(%arg9 : memref<64x128xf32, #tpu.memory_space<vmem>>) dst(%dma_wait3A_91 : memref<64x128xf32, #tpu.memory_space<vmem_shared>>)
      tpu.yield
    }) : () -> ()
    %barrier3A = arith.constant 0 : index
    tpu.barrier barrier_id(%barrier3A)
    "tpu.region"() ({
      %run_scoped3A = tpu.sem_alloc : memref<!tpu.dma_semaphore, #tpu.memory_space<semaphore_mem>>
      %dma_start3A_84 = tpu.memref_slice %arg4[%add3A_4] : memref<640000xi32, #tpu.memory_space<hbm>> -> memref<5000xi32, #tpu.memory_space<hbm>>
      %dma_start3A_85 = tpu.memref_slice %arg4[%add3A_4] : memref<640000xi32, #tpu.memory_space<hbm>> -> memref<5000xi32, #tpu.memory_space<hbm>>
      tpu.enqueue_dma source(%dma_start3A_85 : memref<5000xi32, #tpu.memory_space<hbm>>) target(%arg6 : memref<5000xi32, #tpu.memory_space<vmem>>) target_semaphore(%run_scoped3A : memref<!tpu.dma_semaphore, #tpu.memory_space<semaphore_mem>>)
      %dma_wait3A_86 = tpu.memref_slice %arg4[%add3A_4] : memref<640000xi32, #tpu.memory_space<hbm>> -> memref<5000xi32, #tpu.memory_space<hbm>>
      %dma_wait3A_87 = tpu.memref_slice %arg4[%add3A_4] : memref<640000xi32, #tpu.memory_space<hbm>> -> memref<5000xi32, #tpu.memory_space<hbm>>
      tpu.wait_dma2 semaphore(%run_scoped3A : memref<!tpu.dma_semaphore, #tpu.memory_space<semaphore_mem>>) src(%dma_wait3A_87 : memref<5000xi32, #tpu.memory_space<hbm>>) dst(%arg6 : memref<5000xi32, #tpu.memory_space<vmem>>)
      tpu.yield
    }) : () -> ()
    %add3A_31 = arith.constant 0 : i32
    %add3A_32 = arith.addi %mul3A_2, %add3A_31 : i32
    %add3A_33 = arith.constant 480000 : i32
    %add3A_34 = arith.addi %add3A_33, %add3A_32 : i32
    %dma_start3A = tpu.memref_slice %arg4[%add3A_34] : memref<640000xi32, #tpu.memory_space<hbm>> -> memref<64xi32, #tpu.memory_space<hbm>>
    %dma_start3A_35 = tpu.memref_slice %arg4[%add3A_34] : memref<640000xi32, #tpu.memory_space<hbm>> -> memref<64xi32, #tpu.memory_space<hbm>>
    tpu.enqueue_dma source(%dma_start3A_35 : memref<64xi32, #tpu.memory_space<hbm>>) target(%arg7 : memref<64xi32, #tpu.memory_space<vmem>>) target_semaphore(%arg21 : memref<!tpu.dma_semaphore, #tpu.memory_space<semaphore_mem>>)
    %dma_start3A_36 = arith.constant 0 : i32
    %dma_start3A_37 = tpu.memref_slice %arg3[%add3A_32, %dma_start3A_36] : memref<160000x128xf32, #tpu.memory_space<hbm>> -> memref<64x128xf32, #tpu.memory_space<hbm>>
    %dma_start3A_38 = arith.constant 0 : i32
    %dma_start3A_39 = tpu.memref_slice %arg3[%add3A_32, %dma_start3A_38] : memref<160000x128xf32, #tpu.memory_space<hbm>> -> memref<64x128xf32, #tpu.memory_space<hbm>>
    tpu.enqueue_dma source(%dma_start3A_39 : memref<64x128xf32, #tpu.memory_space<hbm>>) target(%arg11 : memref<64x128xf32, #tpu.memory_space<vmem>>) target_semaphore(%arg19 : memref<!tpu.dma_semaphore, #tpu.memory_space<semaphore_mem>>)
    %dma_start3A_40 = arith.constant 0 : i32
    %dma_start3A_41 = tpu.memref_slice %arg6[%dma_start3A_40] : memref<5000xi32, #tpu.memory_space<vmem>> -> memref<64xi32, #tpu.memory_space<vmem>>
    %dma_start3A_42 = arith.constant 0 : i32
    %dma_start3A_43 = arith.constant 0 : i32
    %dma_start3A_44 = tpu.memref_slice %arg2[%dma_start3A_42, %dma_start3A_43] : memref<10000x128xf32, #tpu.memory_space<hbm>> -> memref<10000x128xf32, #tpu.memory_space<hbm>>
    tpu.enqueue_indirect_dma source(%dma_start3A_44 : memref<10000x128xf32, #tpu.memory_space<hbm>>) target(%arg9 : memref<64x128xf32, #tpu.memory_space<vmem>>) offsets(%dma_start3A_41 : memref<64xi32, #tpu.memory_space<vmem>>) semaphore(%arg17 : memref<!tpu.dma_semaphore, #tpu.memory_space<semaphore_mem>>)
    %add3A_45 = arith.constant 64 : i32
    %add3A_46 = arith.addi %mul3A_2, %add3A_45 : i32
    %add3A_47 = arith.constant 480000 : i32
    %add3A_48 = arith.addi %add3A_47, %add3A_46 : i32
    %dma_start3A_49 = tpu.memref_slice %arg4[%add3A_48] : memref<640000xi32, #tpu.memory_space<hbm>> -> memref<64xi32, #tpu.memory_space<hbm>>
    %dma_start3A_50 = tpu.memref_slice %arg4[%add3A_48] : memref<640000xi32, #tpu.memory_space<hbm>> -> memref<64xi32, #tpu.memory_space<hbm>>
    tpu.enqueue_dma source(%dma_start3A_50 : memref<64xi32, #tpu.memory_space<hbm>>) target(%arg8 : memref<64xi32, #tpu.memory_space<vmem>>) target_semaphore(%arg22 : memref<!tpu.dma_semaphore, #tpu.memory_space<semaphore_mem>>)
    %dma_start3A_51 = arith.constant 0 : i32
    %dma_start3A_52 = tpu.memref_slice %arg3[%add3A_46, %dma_start3A_51] : memref<160000x128xf32, #tpu.memory_space<hbm>> -> memref<64x128xf32, #tpu.memory_space<hbm>>
    %dma_start3A_53 = arith.constant 0 : i32
    %dma_start3A_54 = tpu.memref_slice %arg3[%add3A_46, %dma_start3A_53] : memref<160000x128xf32, #tpu.memory_space<hbm>> -> memref<64x128xf32, #tpu.memory_space<hbm>>
    tpu.enqueue_dma source(%dma_start3A_54 : memref<64x128xf32, #tpu.memory_space<hbm>>) target(%arg12 : memref<64x128xf32, #tpu.memory_space<vmem>>) target_semaphore(%arg20 : memref<!tpu.dma_semaphore, #tpu.memory_space<semaphore_mem>>)
    %dma_start3A_55 = arith.constant 64 : i32
    %dma_start3A_56 = tpu.memref_slice %arg6[%dma_start3A_55] : memref<5000xi32, #tpu.memory_space<vmem>> -> memref<64xi32, #tpu.memory_space<vmem>>
    %dma_start3A_57 = arith.constant 0 : i32
    %dma_start3A_58 = arith.constant 0 : i32
    %dma_start3A_59 = tpu.memref_slice %arg2[%dma_start3A_57, %dma_start3A_58] : memref<10000x128xf32, #tpu.memory_space<hbm>> -> memref<10000x128xf32, #tpu.memory_space<hbm>>
    tpu.enqueue_indirect_dma source(%dma_start3A_59 : memref<10000x128xf32, #tpu.memory_space<hbm>>) target(%arg10 : memref<64x128xf32, #tpu.memory_space<vmem>>) offsets(%dma_start3A_56 : memref<64xi32, #tpu.memory_space<vmem>>) semaphore(%arg18 : memref<!tpu.dma_semaphore, #tpu.memory_space<semaphore_mem>>)
    %scan3A_60 = arith.constant 0 : i32
    %scan3A_61 = arith.constant 39 : i32
    %scan3A_62 = arith.addi %scan3A_60, %scan3A_61 : i32
    %scan3A_63 = arith.constant 1 : i32
    scf.for %scan3A_84 = %scan3A_60 to %scan3A_62 step %scan3A_63  : i32 {
      %mul3A_85 = arith.constant 2 : i32
      %mul3A_86 = arith.muli %mul3A_85, %scan3A_84 : i32
      %dma_wait3A_87 = arith.constant 0 : i32
      %dma_wait3A_88 = arith.constant 0 : i32
      %dma_wait3A_89 = tpu.memref_slice %arg3[%dma_wait3A_87, %dma_wait3A_88] : memref<160000x128xf32, #tpu.memory_space<hbm>> -> memref<64x128xf32, #tpu.memory_space<hbm>>
      %dma_wait3A_90 = arith.constant 0 : i32
      %dma_wait3A_91 = arith.constant 0 : i32
      %dma_wait3A_92 = tpu.memref_slice %arg3[%dma_wait3A_90, %dma_wait3A_91] : memref<160000x128xf32, #tpu.memory_space<hbm>> -> memref<64x128xf32, #tpu.memory_space<hbm>>
      tpu.wait_dma2 semaphore(%arg19 : memref<!tpu.dma_semaphore, #tpu.memory_space<semaphore_mem>>) src(%dma_wait3A_92 : memref<64x128xf32, #tpu.memory_space<hbm>>) dst(%arg11 : memref<64x128xf32, #tpu.memory_space<vmem>>)
      %dma_wait3A_93 = arith.constant 0 : i32
      %dma_wait3A_94 = arith.constant 0 : i32
      %dma_wait3A_95 = tpu.memref_slice %arg2[%dma_wait3A_93, %dma_wait3A_94] : memref<10000x128xf32, #tpu.memory_space<hbm>> -> memref<64x128xf32, #tpu.memory_space<hbm>>
      %dma_wait3A_96 = arith.constant 0 : i32
      %dma_wait3A_97 = arith.constant 0 : i32
      %dma_wait3A_98 = tpu.memref_slice %arg2[%dma_wait3A_96, %dma_wait3A_97] : memref<10000x128xf32, #tpu.memory_space<hbm>> -> memref<64x128xf32, #tpu.memory_space<hbm>>
      tpu.wait_dma2 semaphore(%arg17 : memref<!tpu.dma_semaphore, #tpu.memory_space<semaphore_mem>>) src(%dma_wait3A_98 : memref<64x128xf32, #tpu.memory_space<hbm>>) dst(%arg9 : memref<64x128xf32, #tpu.memory_space<vmem>>)
      %scan3A_99 = arith.constant 0 : i32
      %scan3A_100 = arith.constant 64 : i32
      %scan3A_101 = arith.addi %scan3A_99, %scan3A_100 : i32
      %scan3A_102 = arith.constant 1 : i32
      scf.for %scan3A_140 = %scan3A_99 to %scan3A_101 step %scan3A_102  : i32 {
        %get3A = arith.index_cast %scan3A_140 : i32 to index
        %get3A_141 = arith.constant 0 : index
        %get3A_142 = tpu.vector_load %arg11[%get3A, %get3A_141] {strides = array<i32>} : memref<64x128xf32, #tpu.memory_space<vmem>>, vector<1x16xf32>,
        %get3A_143 = vector.shape_cast %get3A_142 : vector<1x16xf32> to vector<16xf32>
        %get3A_144 = arith.index_cast %scan3A_140 : i32 to index
        %get3A_145 = arith.constant 0 : index
        %get3A_146 = tpu.vector_load %arg9[%get3A_144, %get3A_145] {strides = array<i32>} : memref<64x128xf32, #tpu.memory_space<vmem>>, vector<1x16xf32>,
        %get3A_147 = vector.shape_cast %get3A_146 : vector<1x16xf32> to vector<16xf32>
        %mul3A_148 = arith.mulf %get3A_143, %get3A_147 : vector<16xf32>
        %swap3A = arith.index_cast %scan3A_140 : i32 to index
        %swap3A_149 = arith.constant 0 : index
        %swap3A_150 = tpu.vector_load %arg11[%swap3A, %swap3A_149] {strides = array<i32>} : memref<64x128xf32, #tpu.memory_space<vmem>>, vector<1x16xf32>,
        %swap3A_151 = vector.shape_cast %swap3A_150 : vector<1x16xf32> to vector<16xf32>
        %swap3A_152 = vector.shape_cast %mul3A_148 : vector<16xf32> to vector<1x16xf32>
        tpu.vector_store %arg11[%swap3A, %swap3A_149], %swap3A_152 {strides = array<i32>} : memref<64x128xf32, #tpu.memory_space<vmem>>, vector<1x16xf32>,
        %get3A_153 = arith.index_cast %scan3A_140 : i32 to index
        %get3A_154 = arith.constant 16 : index
        %get3A_155 = tpu.vector_load %arg11[%get3A_153, %get3A_154] {strides = array<i32>} : memref<64x128xf32, #tpu.memory_space<vmem>>, vector<1x16xf32>,
        %get3A_156 = vector.shape_cast %get3A_155 : vector<1x16xf32> to vector<16xf32>
        %get3A_157 = arith.index_cast %scan3A_140 : i32 to index
        %get3A_158 = arith.constant 16 : index
        %get3A_159 = tpu.vector_load %arg9[%get3A_157, %get3A_158] {strides = array<i32>} : memref<64x128xf32, #tpu.memory_space<vmem>>, vector<1x16xf32>,
        %get3A_160 = vector.shape_cast %get3A_159 : vector<1x16xf32> to vector<16xf32>
        %mul3A_161 = arith.mulf %get3A_156, %get3A_160 : vector<16xf32>
        %swap3A_162 = arith.index_cast %scan3A_140 : i32 to index
        %swap3A_163 = arith.constant 16 : index
        %swap3A_164 = tpu.vector_load %arg11[%swap3A_162, %swap3A_163] {strides = array<i32>} : memref<64x128xf32, #tpu.memory_space<vmem>>, vector<1x16xf32>,
        %swap3A_165 = vector.shape_cast %swap3A_164 : vector<1x16xf32> to vector<16xf32>
        %swap3A_166 = vector.shape_cast %mul3A_161 : vector<16xf32> to vector<1x16xf32>
        tpu.vector_store %arg11[%swap3A_162, %swap3A_163], %swap3A_166 {strides = array<i32>} : memref<64x128xf32, #tpu.memory_space<vmem>>, vector<1x16xf32>,
        %get3A_167 = arith.index_cast %scan3A_140 : i32 to index
        %get3A_168 = arith.constant 32 : index
        %get3A_169 = tpu.vector_load %arg11[%get3A_167, %get3A_168] {strides = array<i32>} : memref<64x128xf32, #tpu.memory_space<vmem>>, vector<1x16xf32>,
        %get3A_170 = vector.shape_cast %get3A_169 : vector<1x16xf32> to vector<16xf32>
        %get3A_171 = arith.index_cast %scan3A_140 : i32 to index
        %get3A_172 = arith.constant 32 : index
        %get3A_173 = tpu.vector_load %arg9[%get3A_171, %get3A_172] {strides = array<i32>} : memref<64x128xf32, #tpu.memory_space<vmem>>, vector<1x16xf32>,
        %get3A_174 = vector.shape_cast %get3A_173 : vector<1x16xf32> to vector<16xf32>
        %mul3A_175 = arith.mulf %get3A_170, %get3A_174 : vector<16xf32>
        %swap3A_176 = arith.index_cast %scan3A_140 : i32 to index
        %swap3A_177 = arith.constant 32 : index
        %swap3A_178 = tpu.vector_load %arg11[%swap3A_176, %swap3A_177] {strides = array<i32>} : memref<64x128xf32, #tpu.memory_space<vmem>>, vector<1x16xf32>,
        %swap3A_179 = vector.shape_cast %swap3A_178 : vector<1x16xf32> to vector<16xf32>
        %swap3A_180 = vector.shape_cast %mul3A_175 : vector<16xf32> to vector<1x16xf32>
        tpu.vector_store %arg11[%swap3A_176, %swap3A_177], %swap3A_180 {strides = array<i32>} : memref<64x128xf32, #tpu.memory_space<vmem>>, vector<1x16xf32>,
        %get3A_181 = arith.index_cast %scan3A_140 : i32 to index
        %get3A_182 = arith.constant 48 : index
        %get3A_183 = tpu.vector_load %arg11[%get3A_181, %get3A_182] {strides = array<i32>} : memref<64x128xf32, #tpu.memory_space<vmem>>, vector<1x16xf32>,
        %get3A_184 = vector.shape_cast %get3A_183 : vector<1x16xf32> to vector<16xf32>
        %get3A_185 = arith.index_cast %scan3A_140 : i32 to index
        %get3A_186 = arith.constant 48 : index
        %get3A_187 = tpu.vector_load %arg9[%get3A_185, %get3A_186] {strides = array<i32>} : memref<64x128xf32, #tpu.memory_space<vmem>>, vector<1x16xf32>,
        %get3A_188 = vector.shape_cast %get3A_187 : vector<1x16xf32> to vector<16xf32>
        %mul3A_189 = arith.mulf %get3A_184, %get3A_188 : vector<16xf32>
        %swap3A_190 = arith.index_cast %scan3A_140 : i32 to index
        %swap3A_191 = arith.constant 48 : index
        %swap3A_192 = tpu.vector_load %arg11[%swap3A_190, %swap3A_191] {strides = array<i32>} : memref<64x128xf32, #tpu.memory_space<vmem>>, vector<1x16xf32>,
        %swap3A_193 = vector.shape_cast %swap3A_192 : vector<1x16xf32> to vector<16xf32>
        %swap3A_194 = vector.shape_cast %mul3A_189 : vector<16xf32> to vector<1x16xf32>
        tpu.vector_store %arg11[%swap3A_190, %swap3A_191], %swap3A_194 {strides = array<i32>} : memref<64x128xf32, #tpu.memory_space<vmem>>, vector<1x16xf32>,
        %get3A_195 = arith.index_cast %scan3A_140 : i32 to index
        %get3A_196 = arith.constant 64 : index
        %get3A_197 = tpu.vector_load %arg11[%get3A_195, %get3A_196] {strides = array<i32>} : memref<64x128xf32, #tpu.memory_space<vmem>>, vector<1x16xf32>,
        %get3A_198 = vector.shape_cast %get3A_197 : vector<1x16xf32> to vector<16xf32>
        %get3A_199 = arith.index_cast %scan3A_140 : i32 to index
        %get3A_200 = arith.constant 64 : index
        %get3A_201 = tpu.vector_load %arg9[%get3A_199, %get3A_200] {strides = array<i32>} : memref<64x128xf32, #tpu.memory_space<vmem>>, vector<1x16xf32>,
        %get3A_202 = vector.shape_cast %get3A_201 : vector<1x16xf32> to vector<16xf32>
        %mul3A_203 = arith.mulf %get3A_198, %get3A_202 : vector<16xf32>
        %swap3A_204 = arith.index_cast %scan3A_140 : i32 to index
        %swap3A_205 = arith.constant 64 : index
        %swap3A_206 = tpu.vector_load %arg11[%swap3A_204, %swap3A_205] {strides = array<i32>} : memref<64x128xf32, #tpu.memory_space<vmem>>, vector<1x16xf32>,
        %swap3A_207 = vector.shape_cast %swap3A_206 : vector<1x16xf32> to vector<16xf32>
        %swap3A_208 = vector.shape_cast %mul3A_203 : vector<16xf32> to vector<1x16xf32>
        tpu.vector_store %arg11[%swap3A_204, %swap3A_205], %swap3A_208 {strides = array<i32>} : memref<64x128xf32, #tpu.memory_space<vmem>>, vector<1x16xf32>,
        %get3A_209 = arith.index_cast %scan3A_140 : i32 to index
        %get3A_210 = arith.constant 80 : index
        %get3A_211 = tpu.vector_load %arg11[%get3A_209, %get3A_210] {strides = array<i32>} : memref<64x128xf32, #tpu.memory_space<vmem>>, vector<1x16xf32>,
        %get3A_212 = vector.shape_cast %get3A_211 : vector<1x16xf32> to vector<16xf32>
        %get3A_213 = arith.index_cast %scan3A_140 : i32 to index
        %get3A_214 = arith.constant 80 : index
        %get3A_215 = tpu.vector_load %arg9[%get3A_213, %get3A_214] {strides = array<i32>} : memref<64x128xf32, #tpu.memory_space<vmem>>, vector<1x16xf32>,
        %get3A_216 = vector.shape_cast %get3A_215 : vector<1x16xf32> to vector<16xf32>
        %mul3A_217 = arith.mulf %get3A_212, %get3A_216 : vector<16xf32>
        %swap3A_218 = arith.index_cast %scan3A_140 : i32 to index
        %swap3A_219 = arith.constant 80 : index
        %swap3A_220 = tpu.vector_load %arg11[%swap3A_218, %swap3A_219] {strides = array<i32>} : memref<64x128xf32, #tpu.memory_space<vmem>>, vector<1x16xf32>,
        %swap3A_221 = vector.shape_cast %swap3A_220 : vector<1x16xf32> to vector<16xf32>
        %swap3A_222 = vector.shape_cast %mul3A_217 : vector<16xf32> to vector<1x16xf32>
        tpu.vector_store %arg11[%swap3A_218, %swap3A_219], %swap3A_222 {strides = array<i32>} : memref<64x128xf32, #tpu.memory_space<vmem>>, vector<1x16xf32>,
        %get3A_223 = arith.index_cast %scan3A_140 : i32 to index
        %get3A_224 = arith.constant 96 : index
        %get3A_225 = tpu.vector_load %arg11[%get3A_223, %get3A_224] {strides = array<i32>} : memref<64x128xf32, #tpu.memory_space<vmem>>, vector<1x16xf32>,
        %get3A_226 = vector.shape_cast %get3A_225 : vector<1x16xf32> to vector<16xf32>
        %get3A_227 = arith.index_cast %scan3A_140 : i32 to index
        %get3A_228 = arith.constant 96 : index
        %get3A_229 = tpu.vector_load %arg9[%get3A_227, %get3A_228] {strides = array<i32>} : memref<64x128xf32, #tpu.memory_space<vmem>>, vector<1x16xf32>,
        %get3A_230 = vector.shape_cast %get3A_229 : vector<1x16xf32> to vector<16xf32>
        %mul3A_231 = arith.mulf %get3A_226, %get3A_230 : vector<16xf32>
        %swap3A_232 = arith.index_cast %scan3A_140 : i32 to index
        %swap3A_233 = arith.constant 96 : index
        %swap3A_234 = tpu.vector_load %arg11[%swap3A_232, %swap3A_233] {strides = array<i32>} : memref<64x128xf32, #tpu.memory_space<vmem>>, vector<1x16xf32>,
        %swap3A_235 = vector.shape_cast %swap3A_234 : vector<1x16xf32> to vector<16xf32>
        %swap3A_236 = vector.shape_cast %mul3A_231 : vector<16xf32> to vector<1x16xf32>
        tpu.vector_store %arg11[%swap3A_232, %swap3A_233], %swap3A_236 {strides = array<i32>} : memref<64x128xf32, #tpu.memory_space<vmem>>, vector<1x16xf32>,
        %get3A_237 = arith.index_cast %scan3A_140 : i32 to index
        %get3A_238 = arith.constant 112 : index
        %get3A_239 = tpu.vector_load %arg11[%get3A_237, %get3A_238] {strides = array<i32>} : memref<64x128xf32, #tpu.memory_space<vmem>>, vector<1x16xf32>,
        %get3A_240 = vector.shape_cast %get3A_239 : vector<1x16xf32> to vector<16xf32>
        %get3A_241 = arith.index_cast %scan3A_140 : i32 to index
        %get3A_242 = arith.constant 112 : index
        %get3A_243 = tpu.vector_load %arg9[%get3A_241, %get3A_242] {strides = array<i32>} : memref<64x128xf32, #tpu.memory_space<vmem>>, vector<1x16xf32>,
        %get3A_244 = vector.shape_cast %get3A_243 : vector<1x16xf32> to vector<16xf32>
        %mul3A_245 = arith.mulf %get3A_240, %get3A_244 : vector<16xf32>
        %swap3A_246 = arith.index_cast %scan3A_140 : i32 to index
        %swap3A_247 = arith.constant 112 : index
        %swap3A_248 = tpu.vector_load %arg11[%swap3A_246, %swap3A_247] {strides = array<i32>} : memref<64x128xf32, #tpu.memory_space<vmem>>, vector<1x16xf32>,
        %swap3A_249 = vector.shape_cast %swap3A_248 : vector<1x16xf32> to vector<16xf32>
        %swap3A_250 = vector.shape_cast %mul3A_245 : vector<16xf32> to vector<1x16xf32>
        tpu.vector_store %arg11[%swap3A_246, %swap3A_247], %swap3A_250 {strides = array<i32>} : memref<64x128xf32, #tpu.memory_space<vmem>>, vector<1x16xf32>,
      }
      %scan3A_103 = arith.constant 64 : i32
      %dma_wait3A_104 = arith.constant 0 : i32
      %dma_wait3A_105 = tpu.memref_slice %arg4[%dma_wait3A_104] : memref<640000xi32, #tpu.memory_space<hbm>> -> memref<64xi32, #tpu.memory_space<hbm>>
      %dma_wait3A_106 = arith.constant 0 : i32
      %dma_wait3A_107 = tpu.memref_slice %arg4[%dma_wait3A_106] : memref<640000xi32, #tpu.memory_space<hbm>> -> memref<64xi32, #tpu.memory_space<hbm>>
      tpu.wait_dma2 semaphore(%arg21 : memref<!tpu.dma_semaphore, #tpu.memory_space<semaphore_mem>>) src(%dma_wait3A_107 : memref<64xi32, #tpu.memory_space<hbm>>) dst(%arg7 : memref<64xi32, #tpu.memory_space<vmem>>)
      "tpu.region"() ({
        %run_scoped3A = tpu.sem_alloc : memref<!tpu.dma_semaphore, #tpu.memory_space<semaphore_mem>>
        %dma_start3A_140 = arith.constant 0 : i32
        %dma_start3A_141 = arith.constant 0 : i32
        %dma_start3A_142 = tpu.memref_slice %arg16[%dma_start3A_140, %dma_start3A_141] : memref<10240x128xf32, #tpu.memory_space<vmem_shared>> -> memref<10240x128xf32, #tpu.memory_space<vmem_shared>>
        tpu.enqueue_indirect_dma source(%arg11 : memref<64x128xf32, #tpu.memory_space<vmem>>) target(%dma_start3A_142 : memref<10240x128xf32, #tpu.memory_space<vmem_shared>>) offsets(%arg7 : memref<64xi32, #tpu.memory_space<vmem>>) semaphore(%run_scoped3A : memref<!tpu.dma_semaphore, #tpu.memory_space<semaphore_mem>>) {add = true}
        %dma_wait3A_143 = arith.constant 0 : i32
        %dma_wait3A_144 = arith.constant 0 : i32
        %dma_wait3A_145 = tpu.memref_slice %arg16[%dma_wait3A_143, %dma_wait3A_144] : memref<10240x128xf32, #tpu.memory_space<vmem_shared>> -> memref<10240x128xf32, #tpu.memory_space<vmem_shared>>
        tpu.wait_indirect_dma semaphore(%run_scoped3A : memref<!tpu.dma_semaphore, #tpu.memory_space<semaphore_mem>>) src(%arg11 : memref<64x128xf32, #tpu.memory_space<vmem>>) dst(%dma_wait3A_145 : memref<10240x128xf32, #tpu.memory_space<vmem_shared>>)
        tpu.yield
      }) : () -> ()
      %add3A_108 = arith.constant 2 : i32
      %add3A_109 = arith.addi %mul3A_86, %add3A_108 : i32
      %lt3A = arith.constant 78 : i32
      %lt3A_110 = arith.cmpi slt, %add3A_109, %lt3A : i32
      %convert_element_type3A = arith.extui %lt3A_110 : i1 to i32
      %cond3A = arith.constant 0 : i32
      %cond3A_111 = arith.cmpi ne, %convert_element_type3A, %cond3A : i32
      scf.if %cond3A_111 {
        %add3A_140 = arith.constant 2 : i32
        %add3A_141 = arith.addi %mul3A_86, %add3A_140 : i32
        %mul3A_142 = arith.constant 64 : i32
        %mul3A_143 = arith.muli %add3A_141, %mul3A_142 : i32
        %add3A_144 = arith.addi %mul3A_2, %mul3A_143 : i32
        %add3A_145 = arith.constant 480000 : i32
        %add3A_146 = arith.addi %add3A_145, %add3A_144 : i32
        %dma_start3A_147 = tpu.memref_slice %arg4[%add3A_146] : memref<640000xi32, #tpu.memory_space<hbm>> -> memref<64xi32, #tpu.memory_space<hbm>>
        %dma_start3A_148 = tpu.memref_slice %arg4[%add3A_146] : memref<640000xi32, #tpu.memory_space<hbm>> -> memref<64xi32, #tpu.memory_space<hbm>>
        tpu.enqueue_dma source(%dma_start3A_148 : memref<64xi32, #tpu.memory_space<hbm>>) target(%arg7 : memref<64xi32, #tpu.memory_space<vmem>>) target_semaphore(%arg21 : memref<!tpu.dma_semaphore, #tpu.memory_space<semaphore_mem>>)
        %dma_start3A_149 = arith.constant 0 : i32
        %dma_start3A_150 = tpu.memref_slice %arg3[%add3A_144, %dma_start3A_149] : memref<160000x128xf32, #tpu.memory_space<hbm>> -> memref<64x128xf32, #tpu.memory_space<hbm>>
        %dma_start3A_151 = arith.constant 0 : i32
        %dma_start3A_152 = tpu.memref_slice %arg3[%add3A_144, %dma_start3A_151] : memref<160000x128xf32, #tpu.memory_space<hbm>> -> memref<64x128xf32, #tpu.memory_space<hbm>>
        tpu.enqueue_dma source(%dma_start3A_152 : memref<64x128xf32, #tpu.memory_space<hbm>>) target(%arg11 : memref<64x128xf32, #tpu.memory_space<vmem>>) target_semaphore(%arg19 : memref<!tpu.dma_semaphore, #tpu.memory_space<semaphore_mem>>)
        %mul3A_153 = arith.constant 64 : i32
        %mul3A_154 = arith.muli %add3A_141, %mul3A_153 : i32
        %dma_start3A_155 = tpu.memref_slice %arg6[%mul3A_154] : memref<5000xi32, #tpu.memory_space<vmem>> -> memref<64xi32, #tpu.memory_space<vmem>>
        %dma_start3A_156 = arith.constant 0 : i32
        %dma_start3A_157 = arith.constant 0 : i32
        %dma_start3A_158 = tpu.memref_slice %arg2[%dma_start3A_156, %dma_start3A_157] : memref<10000x128xf32, #tpu.memory_space<hbm>> -> memref<10000x128xf32, #tpu.memory_space<hbm>>
        tpu.enqueue_indirect_dma source(%dma_start3A_158 : memref<10000x128xf32, #tpu.memory_space<hbm>>) target(%arg9 : memref<64x128xf32, #tpu.memory_space<vmem>>) offsets(%dma_start3A_155 : memref<64xi32, #tpu.memory_space<vmem>>) semaphore(%arg17 : memref<!tpu.dma_semaphore, #tpu.memory_space<semaphore_mem>>)
      } else {
      }
      %dma_wait3A_112 = arith.constant 0 : i32
      %dma_wait3A_113 = arith.constant 0 : i32
      %dma_wait3A_114 = tpu.memref_slice %arg3[%dma_wait3A_112, %dma_wait3A_113] : memref<160000x128xf32, #tpu.memory_space<hbm>> -> memref<64x128xf32, #tpu.memory_space<hbm>>
      %dma_wait3A_115 = arith.constant 0 : i32
      %dma_wait3A_116 = arith.constant 0 : i32
      %dma_wait3A_117 = tpu.memref_slice %arg3[%dma_wait3A_115, %dma_wait3A_116] : memref<160000x128xf32, #tpu.memory_space<hbm>> -> memref<64x128xf32, #tpu.memory_space<hbm>>
      tpu.wait_dma2 semaphore(%arg20 : memref<!tpu.dma_semaphore, #tpu.memory_space<semaphore_mem>>) src(%dma_wait3A_117 : memref<64x128xf32, #tpu.memory_space<hbm>>) dst(%arg12 : memref<64x128xf32, #tpu.memory_space<vmem>>)
      %dma_wait3A_118 = arith.constant 0 : i32
      %dma_wait3A_119 = arith.constant 0 : i32
      %dma_wait3A_120 = tpu.memref_slice %arg2[%dma_wait3A_118, %dma_wait3A_119] : memref<10000x128xf32, #tpu.memory_space<hbm>> -> memref<64x128xf32, #tpu.memory_space<hbm>>
      %dma_wait3A_121 = arith.constant 0 : i32
      %dma_wait3A_122 = arith.constant 0 : i32
      %dma_wait3A_123 = tpu.memref_slice %arg2[%dma_wait3A_121, %dma_wait3A_122] : memref<10000x128xf32, #tpu.memory_space<hbm>> -> memref<64x128xf32, #tpu.memory_space<hbm>>
      tpu.wait_dma2 semaphore(%arg18 : memref<!tpu.dma_semaphore, #tpu.memory_space<semaphore_mem>>) src(%dma_wait3A_123 : memref<64x128xf32, #tpu.memory_space<hbm>>) dst(%arg10 : memref<64x128xf32, #tpu.memory_space<vmem>>)
      %scan3A_124 = arith.constant 0 : i32
      %scan3A_125 = arith.constant 64 : i32
      %scan3A_126 = arith.addi %scan3A_124, %scan3A_125 : i32
      %scan3A_127 = arith.constant 1 : i32
      scf.for %scan3A_140 = %scan3A_124 to %scan3A_126 step %scan3A_127  : i32 {
        %get3A = arith.index_cast %scan3A_140 : i32 to index
        %get3A_141 = arith.constant 0 : index
        %get3A_142 = tpu.vector_load %arg12[%get3A, %get3A_141] {strides = array<i32>} : memref<64x128xf32, #tpu.memory_space<vmem>>, vector<1x16xf32>,
        %get3A_143 = vector.shape_cast %get3A_142 : vector<1x16xf32> to vector<16xf32>
        %get3A_144 = arith.index_cast %scan3A_140 : i32 to index
        %get3A_145 = arith.constant 0 : index
        %get3A_146 = tpu.vector_load %arg10[%get3A_144, %get3A_145] {strides = array<i32>} : memref<64x128xf32, #tpu.memory_space<vmem>>, vector<1x16xf32>,
        %get3A_147 = vector.shape_cast %get3A_146 : vector<1x16xf32> to vector<16xf32>
        %mul3A_148 = arith.mulf %get3A_143, %get3A_147 : vector<16xf32>
        %swap3A = arith.index_cast %scan3A_140 : i32 to index
        %swap3A_149 = arith.constant 0 : index
        %swap3A_150 = tpu.vector_load %arg12[%swap3A, %swap3A_149] {strides = array<i32>} : memref<64x128xf32, #tpu.memory_space<vmem>>, vector<1x16xf32>,
        %swap3A_151 = vector.shape_cast %swap3A_150 : vector<1x16xf32> to vector<16xf32>
        %swap3A_152 = vector.shape_cast %mul3A_148 : vector<16xf32> to vector<1x16xf32>
        tpu.vector_store %arg12[%swap3A, %swap3A_149], %swap3A_152 {strides = array<i32>} : memref<64x128xf32, #tpu.memory_space<vmem>>, vector<1x16xf32>,
        %get3A_153 = arith.index_cast %scan3A_140 : i32 to index
        %get3A_154 = arith.constant 16 : index
        %get3A_155 = tpu.vector_load %arg12[%get3A_153, %get3A_154] {strides = array<i32>} : memref<64x128xf32, #tpu.memory_space<vmem>>, vector<1x16xf32>,
        %get3A_156 = vector.shape_cast %get3A_155 : vector<1x16xf32> to vector<16xf32>
        %get3A_157 = arith.index_cast %scan3A_140 : i32 to index
        %get3A_158 = arith.constant 16 : index
        %get3A_159 = tpu.vector_load %arg10[%get3A_157, %get3A_158] {strides = array<i32>} : memref<64x128xf32, #tpu.memory_space<vmem>>, vector<1x16xf32>,
        %get3A_160 = vector.shape_cast %get3A_159 : vector<1x16xf32> to vector<16xf32>
        %mul3A_161 = arith.mulf %get3A_156, %get3A_160 : vector<16xf32>
        %swap3A_162 = arith.index_cast %scan3A_140 : i32 to index
        %swap3A_163 = arith.constant 16 : index
        %swap3A_164 = tpu.vector_load %arg12[%swap3A_162, %swap3A_163] {strides = array<i32>} : memref<64x128xf32, #tpu.memory_space<vmem>>, vector<1x16xf32>,
        %swap3A_165 = vector.shape_cast %swap3A_164 : vector<1x16xf32> to vector<16xf32>
        %swap3A_166 = vector.shape_cast %mul3A_161 : vector<16xf32> to vector<1x16xf32>
        tpu.vector_store %arg12[%swap3A_162, %swap3A_163], %swap3A_166 {strides = array<i32>} : memref<64x128xf32, #tpu.memory_space<vmem>>, vector<1x16xf32>,
        %get3A_167 = arith.index_cast %scan3A_140 : i32 to index
        %get3A_168 = arith.constant 32 : index
        %get3A_169 = tpu.vector_load %arg12[%get3A_167, %get3A_168] {strides = array<i32>} : memref<64x128xf32, #tpu.memory_space<vmem>>, vector<1x16xf32>,
        %get3A_170 = vector.shape_cast %get3A_169 : vector<1x16xf32> to vector<16xf32>
        %get3A_171 = arith.index_cast %scan3A_140 : i32 to index
        %get3A_172 = arith.constant 32 : index
        %get3A_173 = tpu.vector_load %arg10[%get3A_171, %get3A_172] {strides = array<i32>} : memref<64x128xf32, #tpu.memory_space<vmem>>, vector<1x16xf32>,
        %get3A_174 = vector.shape_cast %get3A_173 : vector<1x16xf32> to vector<16xf32>
        %mul3A_175 = arith.mulf %get3A_170, %get3A_174 : vector<16xf32>
        %swap3A_176 = arith.index_cast %scan3A_140 : i32 to index
        %swap3A_177 = arith.constant 32 : index
        %swap3A_178 = tpu.vector_load %arg12[%swap3A_176, %swap3A_177] {strides = array<i32>} : memref<64x128xf32, #tpu.memory_space<vmem>>, vector<1x16xf32>,
        %swap3A_179 = vector.shape_cast %swap3A_178 : vector<1x16xf32> to vector<16xf32>
        %swap3A_180 = vector.shape_cast %mul3A_175 : vector<16xf32> to vector<1x16xf32>
        tpu.vector_store %arg12[%swap3A_176, %swap3A_177], %swap3A_180 {strides = array<i32>} : memref<64x128xf32, #tpu.memory_space<vmem>>, vector<1x16xf32>,
        %get3A_181 = arith.index_cast %scan3A_140 : i32 to index
        %get3A_182 = arith.constant 48 : index
        %get3A_183 = tpu.vector_load %arg12[%get3A_181, %get3A_182] {strides = array<i32>} : memref<64x128xf32, #tpu.memory_space<vmem>>, vector<1x16xf32>,
        %get3A_184 = vector.shape_cast %get3A_183 : vector<1x16xf32> to vector<16xf32>
        %get3A_185 = arith.index_cast %scan3A_140 : i32 to index
        %get3A_186 = arith.constant 48 : index
        %get3A_187 = tpu.vector_load %arg10[%get3A_185, %get3A_186] {strides = array<i32>} : memref<64x128xf32, #tpu.memory_space<vmem>>, vector<1x16xf32>,
        %get3A_188 = vector.shape_cast %get3A_187 : vector<1x16xf32> to vector<16xf32>
        %mul3A_189 = arith.mulf %get3A_184, %get3A_188 : vector<16xf32>
        %swap3A_190 = arith.index_cast %scan3A_140 : i32 to index
        %swap3A_191 = arith.constant 48 : index
        %swap3A_192 = tpu.vector_load %arg12[%swap3A_190, %swap3A_191] {strides = array<i32>} : memref<64x128xf32, #tpu.memory_space<vmem>>, vector<1x16xf32>,
        %swap3A_193 = vector.shape_cast %swap3A_192 : vector<1x16xf32> to vector<16xf32>
        %swap3A_194 = vector.shape_cast %mul3A_189 : vector<16xf32> to vector<1x16xf32>
        tpu.vector_store %arg12[%swap3A_190, %swap3A_191], %swap3A_194 {strides = array<i32>} : memref<64x128xf32, #tpu.memory_space<vmem>>, vector<1x16xf32>,
        %get3A_195 = arith.index_cast %scan3A_140 : i32 to index
        %get3A_196 = arith.constant 64 : index
        %get3A_197 = tpu.vector_load %arg12[%get3A_195, %get3A_196] {strides = array<i32>} : memref<64x128xf32, #tpu.memory_space<vmem>>, vector<1x16xf32>,
        %get3A_198 = vector.shape_cast %get3A_197 : vector<1x16xf32> to vector<16xf32>
        %get3A_199 = arith.index_cast %scan3A_140 : i32 to index
        %get3A_200 = arith.constant 64 : index
        %get3A_201 = tpu.vector_load %arg10[%get3A_199, %get3A_200] {strides = array<i32>} : memref<64x128xf32, #tpu.memory_space<vmem>>, vector<1x16xf32>,
        %get3A_202 = vector.shape_cast %get3A_201 : vector<1x16xf32> to vector<16xf32>
        %mul3A_203 = arith.mulf %get3A_198, %get3A_202 : vector<16xf32>
        %swap3A_204 = arith.index_cast %scan3A_140 : i32 to index
        %swap3A_205 = arith.constant 64 : index
        %swap3A_206 = tpu.vector_load %arg12[%swap3A_204, %swap3A_205] {strides = array<i32>} : memref<64x128xf32, #tpu.memory_space<vmem>>, vector<1x16xf32>,
        %swap3A_207 = vector.shape_cast %swap3A_206 : vector<1x16xf32> to vector<16xf32>
        %swap3A_208 = vector.shape_cast %mul3A_203 : vector<16xf32> to vector<1x16xf32>
        tpu.vector_store %arg12[%swap3A_204, %swap3A_205], %swap3A_208 {strides = array<i32>} : memref<64x128xf32, #tpu.memory_space<vmem>>, vector<1x16xf32>,
        %get3A_209 = arith.index_cast %scan3A_140 : i32 to index
        %get3A_210 = arith.constant 80 : index
        %get3A_211 = tpu.vector_load %arg12[%get3A_209, %get3A_210] {strides = array<i32>} : memref<64x128xf32, #tpu.memory_space<vmem>>, vector<1x16xf32>,
        %get3A_212 = vector.shape_cast %get3A_211 : vector<1x16xf32> to vector<16xf32>
        %get3A_213 = arith.index_cast %scan3A_140 : i32 to index
        %get3A_214 = arith.constant 80 : index
        %get3A_215 = tpu.vector_load %arg10[%get3A_213, %get3A_214] {strides = array<i32>} : memref<64x128xf32, #tpu.memory_space<vmem>>, vector<1x16xf32>,
        %get3A_216 = vector.shape_cast %get3A_215 : vector<1x16xf32> to vector<16xf32>
        %mul3A_217 = arith.mulf %get3A_212, %get3A_216 : vector<16xf32>
        %swap3A_218 = arith.index_cast %scan3A_140 : i32 to index
        %swap3A_219 = arith.constant 80 : index
        %swap3A_220 = tpu.vector_load %arg12[%swap3A_218, %swap3A_219] {strides = array<i32>} : memref<64x128xf32, #tpu.memory_space<vmem>>, vector<1x16xf32>,
        %swap3A_221 = vector.shape_cast %swap3A_220 : vector<1x16xf32> to vector<16xf32>
        %swap3A_222 = vector.shape_cast %mul3A_217 : vector<16xf32> to vector<1x16xf32>
        tpu.vector_store %arg12[%swap3A_218, %swap3A_219], %swap3A_222 {strides = array<i32>} : memref<64x128xf32, #tpu.memory_space<vmem>>, vector<1x16xf32>,
        %get3A_223 = arith.index_cast %scan3A_140 : i32 to index
        %get3A_224 = arith.constant 96 : index
        %get3A_225 = tpu.vector_load %arg12[%get3A_223, %get3A_224] {strides = array<i32>} : memref<64x128xf32, #tpu.memory_space<vmem>>, vector<1x16xf32>,
        %get3A_226 = vector.shape_cast %get3A_225 : vector<1x16xf32> to vector<16xf32>
        %get3A_227 = arith.index_cast %scan3A_140 : i32 to index
        %get3A_228 = arith.constant 96 : index
        %get3A_229 = tpu.vector_load %arg10[%get3A_227, %get3A_228] {strides = array<i32>} : memref<64x128xf32, #tpu.memory_space<vmem>>, vector<1x16xf32>,
        %get3A_230 = vector.shape_cast %get3A_229 : vector<1x16xf32> to vector<16xf32>
        %mul3A_231 = arith.mulf %get3A_226, %get3A_230 : vector<16xf32>
        %swap3A_232 = arith.index_cast %scan3A_140 : i32 to index
        %swap3A_233 = arith.constant 96 : index
        %swap3A_234 = tpu.vector_load %arg12[%swap3A_232, %swap3A_233] {strides = array<i32>} : memref<64x128xf32, #tpu.memory_space<vmem>>, vector<1x16xf32>,
        %swap3A_235 = vector.shape_cast %swap3A_234 : vector<1x16xf32> to vector<16xf32>
        %swap3A_236 = vector.shape_cast %mul3A_231 : vector<16xf32> to vector<1x16xf32>
        tpu.vector_store %arg12[%swap3A_232, %swap3A_233], %swap3A_236 {strides = array<i32>} : memref<64x128xf32, #tpu.memory_space<vmem>>, vector<1x16xf32>,
        %get3A_237 = arith.index_cast %scan3A_140 : i32 to index
        %get3A_238 = arith.constant 112 : index
        %get3A_239 = tpu.vector_load %arg12[%get3A_237, %get3A_238] {strides = array<i32>} : memref<64x128xf32, #tpu.memory_space<vmem>>, vector<1x16xf32>,
        %get3A_240 = vector.shape_cast %get3A_239 : vector<1x16xf32> to vector<16xf32>
        %get3A_241 = arith.index_cast %scan3A_140 : i32 to index
        %get3A_242 = arith.constant 112 : index
        %get3A_243 = tpu.vector_load %arg10[%get3A_241, %get3A_242] {strides = array<i32>} : memref<64x128xf32, #tpu.memory_space<vmem>>, vector<1x16xf32>,
        %get3A_244 = vector.shape_cast %get3A_243 : vector<1x16xf32> to vector<16xf32>
        %mul3A_245 = arith.mulf %get3A_240, %get3A_244 : vector<16xf32>
        %swap3A_246 = arith.index_cast %scan3A_140 : i32 to index
        %swap3A_247 = arith.constant 112 : index
        %swap3A_248 = tpu.vector_load %arg12[%swap3A_246, %swap3A_247] {strides = array<i32>} : memref<64x128xf32, #tpu.memory_space<vmem>>, vector<1x16xf32>,
        %swap3A_249 = vector.shape_cast %swap3A_248 : vector<1x16xf32> to vector<16xf32>
        %swap3A_250 = vector.shape_cast %mul3A_245 : vector<16xf32> to vector<1x16xf32>
        tpu.vector_store %arg12[%swap3A_246, %swap3A_247], %swap3A_250 {strides = array<i32>} : memref<64x128xf32, #tpu.memory_space<vmem>>, vector<1x16xf32>,
      }
      %scan3A_128 = arith.constant 64 : i32
      %dma_wait3A_129 = arith.constant 0 : i32
      %dma_wait3A_130 = tpu.memref_slice %arg4[%dma_wait3A_129] : memref<640000xi32, #tpu.memory_space<hbm>> -> memref<64xi32, #tpu.memory_space<hbm>>
      %dma_wait3A_131 = arith.constant 0 : i32
      %dma_wait3A_132 = tpu.memref_slice %arg4[%dma_wait3A_131] : memref<640000xi32, #tpu.memory_space<hbm>> -> memref<64xi32, #tpu.memory_space<hbm>>
      tpu.wait_dma2 semaphore(%arg22 : memref<!tpu.dma_semaphore, #tpu.memory_space<semaphore_mem>>) src(%dma_wait3A_132 : memref<64xi32, #tpu.memory_space<hbm>>) dst(%arg8 : memref<64xi32, #tpu.memory_space<vmem>>)
      "tpu.region"() ({
        %run_scoped3A = tpu.sem_alloc : memref<!tpu.dma_semaphore, #tpu.memory_space<semaphore_mem>>
        %dma_start3A_140 = arith.constant 0 : i32
        %dma_start3A_141 = arith.constant 0 : i32
        %dma_start3A_142 = tpu.memref_slice %arg16[%dma_start3A_140, %dma_start3A_141] : memref<10240x128xf32, #tpu.memory_space<vmem_shared>> -> memref<10240x128xf32, #tpu.memory_space<vmem_shared>>
        tpu.enqueue_indirect_dma source(%arg12 : memref<64x128xf32, #tpu.memory_space<vmem>>) target(%dma_start3A_142 : memref<10240x128xf32, #tpu.memory_space<vmem_shared>>) offsets(%arg8 : memref<64xi32, #tpu.memory_space<vmem>>) semaphore(%run_scoped3A : memref<!tpu.dma_semaphore, #tpu.memory_space<semaphore_mem>>) {add = true}
        %dma_wait3A_143 = arith.constant 0 : i32
        %dma_wait3A_144 = arith.constant 0 : i32
        %dma_wait3A_145 = tpu.memref_slice %arg16[%dma_wait3A_143, %dma_wait3A_144] : memref<10240x128xf32, #tpu.memory_space<vmem_shared>> -> memref<10240x128xf32, #tpu.memory_space<vmem_shared>>
        tpu.wait_indirect_dma semaphore(%run_scoped3A : memref<!tpu.dma_semaphore, #tpu.memory_space<semaphore_mem>>) src(%arg12 : memref<64x128xf32, #tpu.memory_space<vmem>>) dst(%dma_wait3A_145 : memref<10240x128xf32, #tpu.memory_space<vmem_shared>>)
        tpu.yield
      }) : () -> ()
      %add3A_133 = arith.constant 3 : i32
      %add3A_134 = arith.addi %mul3A_86, %add3A_133 : i32
      %lt3A_135 = arith.constant 78 : i32
      %lt3A_136 = arith.cmpi slt, %add3A_134, %lt3A_135 : i32
      %convert_element_type3A_137 = arith.extui %lt3A_136 : i1 to i32
      %cond3A_138 = arith.constant 0 : i32
      %cond3A_139 = arith.cmpi ne, %convert_element_type3A_137, %cond3A_138 : i32
      scf.if %cond3A_139 {
        %add3A_140 = arith.constant 3 : i32
        %add3A_141 = arith.addi %mul3A_86, %add3A_140 : i32
        %mul3A_142 = arith.constant 64 : i32
        %mul3A_143 = arith.muli %add3A_141, %mul3A_142 : i32
        %add3A_144 = arith.addi %mul3A_2, %mul3A_143 : i32
        %add3A_145 = arith.constant 480000 : i32
        %add3A_146 = arith.addi %add3A_145, %add3A_144 : i32
        %dma_start3A_147 = tpu.memref_slice %arg4[%add3A_146] : memref<640000xi32, #tpu.memory_space<hbm>> -> memref<64xi32, #tpu.memory_space<hbm>>
        %dma_start3A_148 = tpu.memref_slice %arg4[%add3A_146] : memref<640000xi32, #tpu.memory_space<hbm>> -> memref<64xi32, #tpu.memory_space<hbm>>
        tpu.enqueue_dma source(%dma_start3A_148 : memref<64xi32, #tpu.memory_space<hbm>>) target(%arg8 : memref<64xi32, #tpu.memory_space<vmem>>) target_semaphore(%arg22 : memref<!tpu.dma_semaphore, #tpu.memory_space<semaphore_mem>>)
        %dma_start3A_149 = arith.constant 0 : i32
        %dma_start3A_150 = tpu.memref_slice %arg3[%add3A_144, %dma_start3A_149] : memref<160000x128xf32, #tpu.memory_space<hbm>> -> memref<64x128xf32, #tpu.memory_space<hbm>>
        %dma_start3A_151 = arith.constant 0 : i32
        %dma_start3A_152 = tpu.memref_slice %arg3[%add3A_144, %dma_start3A_151] : memref<160000x128xf32, #tpu.memory_space<hbm>> -> memref<64x128xf32, #tpu.memory_space<hbm>>
        tpu.enqueue_dma source(%dma_start3A_152 : memref<64x128xf32, #tpu.memory_space<hbm>>) target(%arg12 : memref<64x128xf32, #tpu.memory_space<vmem>>) target_semaphore(%arg20 : memref<!tpu.dma_semaphore, #tpu.memory_space<semaphore_mem>>)
        %mul3A_153 = arith.constant 64 : i32
        %mul3A_154 = arith.muli %add3A_141, %mul3A_153 : i32
        %dma_start3A_155 = tpu.memref_slice %arg6[%mul3A_154] : memref<5000xi32, #tpu.memory_space<vmem>> -> memref<64xi32, #tpu.memory_space<vmem>>
        %dma_start3A_156 = arith.constant 0 : i32
        %dma_start3A_157 = arith.constant 0 : i32
        %dma_start3A_158 = tpu.memref_slice %arg2[%dma_start3A_156, %dma_start3A_157] : memref<10000x128xf32, #tpu.memory_space<hbm>> -> memref<10000x128xf32, #tpu.memory_space<hbm>>
        tpu.enqueue_indirect_dma source(%dma_start3A_158 : memref<10000x128xf32, #tpu.memory_space<hbm>>) target(%arg10 : memref<64x128xf32, #tpu.memory_space<vmem>>) offsets(%dma_start3A_155 : memref<64xi32, #tpu.memory_space<vmem>>) semaphore(%arg18 : memref<!tpu.dma_semaphore, #tpu.memory_space<semaphore_mem>>)
      } else {
      }
    }
    %scan3A_64 = arith.constant 39 : i32
    %add3A_65 = arith.constant 4992 : i32
    %add3A_66 = arith.addi %mul3A_2, %add3A_65 : i32
    %add3A_67 = arith.constant 480000 : i32
    %add3A_68 = arith.addi %add3A_67, %add3A_66 : i32
    "tpu.region"() ({
      %run_scoped3A = tpu.sem_alloc : memref<!tpu.dma_semaphore, #tpu.memory_space<semaphore_mem>>
      %dma_start3A_84 = tpu.memref_slice %arg4[%add3A_68] : memref<640000xi32, #tpu.memory_space<hbm>> -> memref<8xi32, #tpu.memory_space<hbm>>
      %dma_start3A_85 = tpu.memref_slice %arg4[%add3A_68] : memref<640000xi32, #tpu.memory_space<hbm>> -> memref<8xi32, #tpu.memory_space<hbm>>
      tpu.enqueue_dma source(%dma_start3A_85 : memref<8xi32, #tpu.memory_space<hbm>>) target(%arg13 : memref<8xi32, #tpu.memory_space<vmem>>) target_semaphore(%run_scoped3A : memref<!tpu.dma_semaphore, #tpu.memory_space<semaphore_mem>>)
      %dma_wait3A_86 = tpu.memref_slice %arg4[%add3A_68] : memref<640000xi32, #tpu.memory_space<hbm>> -> memref<8xi32, #tpu.memory_space<hbm>>
      %dma_wait3A_87 = tpu.memref_slice %arg4[%add3A_68] : memref<640000xi32, #tpu.memory_space<hbm>> -> memref<8xi32, #tpu.memory_space<hbm>>
      tpu.wait_dma2 semaphore(%run_scoped3A : memref<!tpu.dma_semaphore, #tpu.memory_space<semaphore_mem>>) src(%dma_wait3A_87 : memref<8xi32, #tpu.memory_space<hbm>>) dst(%arg13 : memref<8xi32, #tpu.memory_space<vmem>>)
      tpu.yield
    }) : () -> ()
    %dma_start3A_69 = arith.constant 4992 : i32
    %dma_start3A_70 = tpu.memref_slice %arg6[%dma_start3A_69] : memref<5000xi32, #tpu.memory_space<vmem>> -> memref<8xi32, #tpu.memory_space<vmem>>
    %dma_start3A_71 = arith.constant 0 : i32
    %dma_start3A_72 = arith.constant 0 : i32
    %dma_start3A_73 = tpu.memref_slice %arg2[%dma_start3A_71, %dma_start3A_72] : memref<10000x128xf32, #tpu.memory_space<hbm>> -> memref<10000x128xf32, #tpu.memory_space<hbm>>
    tpu.enqueue_indirect_dma source(%dma_start3A_73 : memref<10000x128xf32, #tpu.memory_space<hbm>>) target(%arg14 : memref<8x128xf32, #tpu.memory_space<vmem>>) offsets(%dma_start3A_70 : memref<8xi32, #tpu.memory_space<vmem>>) semaphore(%arg17 : memref<!tpu.dma_semaphore, #tpu.memory_space<semaphore_mem>>)
    %dma_wait3A = arith.constant 4992 : i32
    %dma_wait3A_74 = tpu.memref_slice %arg6[%dma_wait3A] : memref<5000xi32, #tpu.memory_space<vmem>> -> memref<8xi32, #tpu.memory_space<vmem>>
    %dma_wait3A_75 = arith.constant 0 : i32
    %dma_wait3A_76 = arith.constant 0 : i32
    %dma_wait3A_77 = tpu.memref_slice %arg2[%dma_wait3A_75, %dma_wait3A_76] : memref<10000x128xf32, #tpu.memory_space<hbm>> -> memref<10000x128xf32, #tpu.memory_space<hbm>>
    tpu.wait_indirect_dma semaphore(%arg17 : memref<!tpu.dma_semaphore, #tpu.memory_space<semaphore_mem>>) src(%dma_wait3A_77 : memref<10000x128xf32, #tpu.memory_space<hbm>>) dst(%arg14 : memref<8x128xf32, #tpu.memory_space<vmem>>)
    "tpu.region"() ({
      %run_scoped3A = tpu.sem_alloc : memref<!tpu.dma_semaphore, #tpu.memory_space<semaphore_mem>>
      %dma_start3A_84 = arith.constant 0 : i32
      %dma_start3A_85 = tpu.memref_slice %arg3[%add3A_66, %dma_start3A_84] : memref<160000x128xf32, #tpu.memory_space<hbm>> -> memref<8x128xf32, #tpu.memory_space<hbm>>
      %dma_start3A_86 = arith.constant 0 : i32
      %dma_start3A_87 = tpu.memref_slice %arg3[%add3A_66, %dma_start3A_86] : memref<160000x128xf32, #tpu.memory_space<hbm>> -> memref<8x128xf32, #tpu.memory_space<hbm>>
      tpu.enqueue_dma source(%dma_start3A_87 : memref<8x128xf32, #tpu.memory_space<hbm>>) target(%arg15 : memref<8x128xf32, #tpu.memory_space<vmem>>) target_semaphore(%run_scoped3A : memref<!tpu.dma_semaphore, #tpu.memory_space<semaphore_mem>>)
      %dma_wait3A_88 = arith.constant 0 : i32
      %dma_wait3A_89 = tpu.memref_slice %arg3[%add3A_66, %dma_wait3A_88] : memref<160000x128xf32, #tpu.memory_space<hbm>> -> memref<8x128xf32, #tpu.memory_space<hbm>>
      %dma_wait3A_90 = arith.constant 0 : i32
      %dma_wait3A_91 = tpu.memref_slice %arg3[%add3A_66, %dma_wait3A_90] : memref<160000x128xf32, #tpu.memory_space<hbm>> -> memref<8x128xf32, #tpu.memory_space<hbm>>
      tpu.wait_dma2 semaphore(%run_scoped3A : memref<!tpu.dma_semaphore, #tpu.memory_space<semaphore_mem>>) src(%dma_wait3A_91 : memref<8x128xf32, #tpu.memory_space<hbm>>) dst(%arg15 : memref<8x128xf32, #tpu.memory_space<vmem>>)
      tpu.yield
    }) : () -> ()
    %scan3A_78 = arith.constant 0 : i32
    %scan3A_79 = arith.constant 8 : i32
    %scan3A_80 = arith.addi %scan3A_78, %scan3A_79 : i32
    %scan3A_81 = arith.constant 1 : i32
    scf.for %scan3A_84 = %scan3A_78 to %scan3A_80 step %scan3A_81  : i32 {
      %get3A = arith.index_cast %scan3A_84 : i32 to index
      %get3A_85 = arith.constant 0 : index
      %get3A_86 = tpu.vector_load %arg15[%get3A, %get3A_85] {strides = array<i32>} : memref<8x128xf32, #tpu.memory_space<vmem>>, vector<1x16xf32>,
      %get3A_87 = vector.shape_cast %get3A_86 : vector<1x16xf32> to vector<16xf32>
      %get3A_88 = arith.index_cast %scan3A_84 : i32 to index
      %get3A_89 = arith.constant 0 : index
      %get3A_90 = tpu.vector_load %arg14[%get3A_88, %get3A_89] {strides = array<i32>} : memref<8x128xf32, #tpu.memory_space<vmem>>, vector<1x16xf32>,
      %get3A_91 = vector.shape_cast %get3A_90 : vector<1x16xf32> to vector<16xf32>
      %mul3A_92 = arith.mulf %get3A_87, %get3A_91 : vector<16xf32>
      %swap3A = arith.index_cast %scan3A_84 : i32 to index
      %swap3A_93 = arith.constant 0 : index
      %swap3A_94 = tpu.vector_load %arg15[%swap3A, %swap3A_93] {strides = array<i32>} : memref<8x128xf32, #tpu.memory_space<vmem>>, vector<1x16xf32>,
      %swap3A_95 = vector.shape_cast %swap3A_94 : vector<1x16xf32> to vector<16xf32>
      %swap3A_96 = vector.shape_cast %mul3A_92 : vector<16xf32> to vector<1x16xf32>
      tpu.vector_store %arg15[%swap3A, %swap3A_93], %swap3A_96 {strides = array<i32>} : memref<8x128xf32, #tpu.memory_space<vmem>>, vector<1x16xf32>,
      %get3A_97 = arith.index_cast %scan3A_84 : i32 to index
      %get3A_98 = arith.constant 16 : index
      %get3A_99 = tpu.vector_load %arg15[%get3A_97, %get3A_98] {strides = array<i32>} : memref<8x128xf32, #tpu.memory_space<vmem>>, vector<1x16xf32>,
      %get3A_100 = vector.shape_cast %get3A_99 : vector<1x16xf32> to vector<16xf32>
      %get3A_101 = arith.index_cast %scan3A_84 : i32 to index
      %get3A_102 = arith.constant 16 : index
      %get3A_103 = tpu.vector_load %arg14[%get3A_101, %get3A_102] {strides = array<i32>} : memref<8x128xf32, #tpu.memory_space<vmem>>, vector<1x16xf32>,
      %get3A_104 = vector.shape_cast %get3A_103 : vector<1x16xf32> to vector<16xf32>
      %mul3A_105 = arith.mulf %get3A_100, %get3A_104 : vector<16xf32>
      %swap3A_106 = arith.index_cast %scan3A_84 : i32 to index
      %swap3A_107 = arith.constant 16 : index
      %swap3A_108 = tpu.vector_load %arg15[%swap3A_106, %swap3A_107] {strides = array<i32>} : memref<8x128xf32, #tpu.memory_space<vmem>>, vector<1x16xf32>,
      %swap3A_109 = vector.shape_cast %swap3A_108 : vector<1x16xf32> to vector<16xf32>
      %swap3A_110 = vector.shape_cast %mul3A_105 : vector<16xf32> to vector<1x16xf32>
      tpu.vector_store %arg15[%swap3A_106, %swap3A_107], %swap3A_110 {strides = array<i32>} : memref<8x128xf32, #tpu.memory_space<vmem>>, vector<1x16xf32>,
      %get3A_111 = arith.index_cast %scan3A_84 : i32 to index
      %get3A_112 = arith.constant 32 : index
      %get3A_113 = tpu.vector_load %arg15[%get3A_111, %get3A_112] {strides = array<i32>} : memref<8x128xf32, #tpu.memory_space<vmem>>, vector<1x16xf32>,
      %get3A_114 = vector.shape_cast %get3A_113 : vector<1x16xf32> to vector<16xf32>
      %get3A_115 = arith.index_cast %scan3A_84 : i32 to index
      %get3A_116 = arith.constant 32 : index
      %get3A_117 = tpu.vector_load %arg14[%get3A_115, %get3A_116] {strides = array<i32>} : memref<8x128xf32, #tpu.memory_space<vmem>>, vector<1x16xf32>,
      %get3A_118 = vector.shape_cast %get3A_117 : vector<1x16xf32> to vector<16xf32>
      %mul3A_119 = arith.mulf %get3A_114, %get3A_118 : vector<16xf32>
      %swap3A_120 = arith.index_cast %scan3A_84 : i32 to index
      %swap3A_121 = arith.constant 32 : index
      %swap3A_122 = tpu.vector_load %arg15[%swap3A_120, %swap3A_121] {strides = array<i32>} : memref<8x128xf32, #tpu.memory_space<vmem>>, vector<1x16xf32>,
      %swap3A_123 = vector.shape_cast %swap3A_122 : vector<1x16xf32> to vector<16xf32>
      %swap3A_124 = vector.shape_cast %mul3A_119 : vector<16xf32> to vector<1x16xf32>
      tpu.vector_store %arg15[%swap3A_120, %swap3A_121], %swap3A_124 {strides = array<i32>} : memref<8x128xf32, #tpu.memory_space<vmem>>, vector<1x16xf32>,
      %get3A_125 = arith.index_cast %scan3A_84 : i32 to index
      %get3A_126 = arith.constant 48 : index
      %get3A_127 = tpu.vector_load %arg15[%get3A_125, %get3A_126] {strides = array<i32>} : memref<8x128xf32, #tpu.memory_space<vmem>>, vector<1x16xf32>,
      %get3A_128 = vector.shape_cast %get3A_127 : vector<1x16xf32> to vector<16xf32>
      %get3A_129 = arith.index_cast %scan3A_84 : i32 to index
      %get3A_130 = arith.constant 48 : index
      %get3A_131 = tpu.vector_load %arg14[%get3A_129, %get3A_130] {strides = array<i32>} : memref<8x128xf32, #tpu.memory_space<vmem>>, vector<1x16xf32>,
      %get3A_132 = vector.shape_cast %get3A_131 : vector<1x16xf32> to vector<16xf32>
      %mul3A_133 = arith.mulf %get3A_128, %get3A_132 : vector<16xf32>
      %swap3A_134 = arith.index_cast %scan3A_84 : i32 to index
      %swap3A_135 = arith.constant 48 : index
      %swap3A_136 = tpu.vector_load %arg15[%swap3A_134, %swap3A_135] {strides = array<i32>} : memref<8x128xf32, #tpu.memory_space<vmem>>, vector<1x16xf32>,
      %swap3A_137 = vector.shape_cast %swap3A_136 : vector<1x16xf32> to vector<16xf32>
      %swap3A_138 = vector.shape_cast %mul3A_133 : vector<16xf32> to vector<1x16xf32>
      tpu.vector_store %arg15[%swap3A_134, %swap3A_135], %swap3A_138 {strides = array<i32>} : memref<8x128xf32, #tpu.memory_space<vmem>>, vector<1x16xf32>,
      %get3A_139 = arith.index_cast %scan3A_84 : i32 to index
      %get3A_140 = arith.constant 64 : index
      %get3A_141 = tpu.vector_load %arg15[%get3A_139, %get3A_140] {strides = array<i32>} : memref<8x128xf32, #tpu.memory_space<vmem>>, vector<1x16xf32>,
      %get3A_142 = vector.shape_cast %get3A_141 : vector<1x16xf32> to vector<16xf32>
      %get3A_143 = arith.index_cast %scan3A_84 : i32 to index
      %get3A_144 = arith.constant 64 : index
      %get3A_145 = tpu.vector_load %arg14[%get3A_143, %get3A_144] {strides = array<i32>} : memref<8x128xf32, #tpu.memory_space<vmem>>, vector<1x16xf32>,
      %get3A_146 = vector.shape_cast %get3A_145 : vector<1x16xf32> to vector<16xf32>
      %mul3A_147 = arith.mulf %get3A_142, %get3A_146 : vector<16xf32>
      %swap3A_148 = arith.index_cast %scan3A_84 : i32 to index
      %swap3A_149 = arith.constant 64 : index
      %swap3A_150 = tpu.vector_load %arg15[%swap3A_148, %swap3A_149] {strides = array<i32>} : memref<8x128xf32, #tpu.memory_space<vmem>>, vector<1x16xf32>,
      %swap3A_151 = vector.shape_cast %swap3A_150 : vector<1x16xf32> to vector<16xf32>
      %swap3A_152 = vector.shape_cast %mul3A_147 : vector<16xf32> to vector<1x16xf32>
      tpu.vector_store %arg15[%swap3A_148, %swap3A_149], %swap3A_152 {strides = array<i32>} : memref<8x128xf32, #tpu.memory_space<vmem>>, vector<1x16xf32>,
      %get3A_153 = arith.index_cast %scan3A_84 : i32 to index
      %get3A_154 = arith.constant 80 : index
      %get3A_155 = tpu.vector_load %arg15[%get3A_153, %get3A_154] {strides = array<i32>} : memref<8x128xf32, #tpu.memory_space<vmem>>, vector<1x16xf32>,
      %get3A_156 = vector.shape_cast %get3A_155 : vector<1x16xf32> to vector<16xf32>
      %get3A_157 = arith.index_cast %scan3A_84 : i32 to index
      %get3A_158 = arith.constant 80 : index
      %get3A_159 = tpu.vector_load %arg14[%get3A_157, %get3A_158] {strides = array<i32>} : memref<8x128xf32, #tpu.memory_space<vmem>>, vector<1x16xf32>,
      %get3A_160 = vector.shape_cast %get3A_159 : vector<1x16xf32> to vector<16xf32>
      %mul3A_161 = arith.mulf %get3A_156, %get3A_160 : vector<16xf32>
      %swap3A_162 = arith.index_cast %scan3A_84 : i32 to index
      %swap3A_163 = arith.constant 80 : index
      %swap3A_164 = tpu.vector_load %arg15[%swap3A_162, %swap3A_163] {strides = array<i32>} : memref<8x128xf32, #tpu.memory_space<vmem>>, vector<1x16xf32>,
      %swap3A_165 = vector.shape_cast %swap3A_164 : vector<1x16xf32> to vector<16xf32>
      %swap3A_166 = vector.shape_cast %mul3A_161 : vector<16xf32> to vector<1x16xf32>
      tpu.vector_store %arg15[%swap3A_162, %swap3A_163], %swap3A_166 {strides = array<i32>} : memref<8x128xf32, #tpu.memory_space<vmem>>, vector<1x16xf32>,
      %get3A_167 = arith.index_cast %scan3A_84 : i32 to index
      %get3A_168 = arith.constant 96 : index
      %get3A_169 = tpu.vector_load %arg15[%get3A_167, %get3A_168] {strides = array<i32>} : memref<8x128xf32, #tpu.memory_space<vmem>>, vector<1x16xf32>,
      %get3A_170 = vector.shape_cast %get3A_169 : vector<1x16xf32> to vector<16xf32>
      %get3A_171 = arith.index_cast %scan3A_84 : i32 to index
      %get3A_172 = arith.constant 96 : index
      %get3A_173 = tpu.vector_load %arg14[%get3A_171, %get3A_172] {strides = array<i32>} : memref<8x128xf32, #tpu.memory_space<vmem>>, vector<1x16xf32>,
      %get3A_174 = vector.shape_cast %get3A_173 : vector<1x16xf32> to vector<16xf32>
      %mul3A_175 = arith.mulf %get3A_170, %get3A_174 : vector<16xf32>
      %swap3A_176 = arith.index_cast %scan3A_84 : i32 to index
      %swap3A_177 = arith.constant 96 : index
      %swap3A_178 = tpu.vector_load %arg15[%swap3A_176, %swap3A_177] {strides = array<i32>} : memref<8x128xf32, #tpu.memory_space<vmem>>, vector<1x16xf32>,
      %swap3A_179 = vector.shape_cast %swap3A_178 : vector<1x16xf32> to vector<16xf32>
      %swap3A_180 = vector.shape_cast %mul3A_175 : vector<16xf32> to vector<1x16xf32>
      tpu.vector_store %arg15[%swap3A_176, %swap3A_177], %swap3A_180 {strides = array<i32>} : memref<8x128xf32, #tpu.memory_space<vmem>>, vector<1x16xf32>,
      %get3A_181 = arith.index_cast %scan3A_84 : i32 to index
      %get3A_182 = arith.constant 112 : index
      %get3A_183 = tpu.vector_load %arg15[%get3A_181, %get3A_182] {strides = array<i32>} : memref<8x128xf32, #tpu.memory_space<vmem>>, vector<1x16xf32>,
      %get3A_184 = vector.shape_cast %get3A_183 : vector<1x16xf32> to vector<16xf32>
      %get3A_185 = arith.index_cast %scan3A_84 : i32 to index
      %get3A_186 = arith.constant 112 : index
      %get3A_187 = tpu.vector_load %arg14[%get3A_185, %get3A_186] {strides = array<i32>} : memref<8x128xf32, #tpu.memory_space<vmem>>, vector<1x16xf32>,
      %get3A_188 = vector.shape_cast %get3A_187 : vector<1x16xf32> to vector<16xf32>
      %mul3A_189 = arith.mulf %get3A_184, %get3A_188 : vector<16xf32>
      %swap3A_190 = arith.index_cast %scan3A_84 : i32 to index
      %swap3A_191 = arith.constant 112 : index
      %swap3A_192 = tpu.vector_load %arg15[%swap3A_190, %swap3A_191] {strides = array<i32>} : memref<8x128xf32, #tpu.memory_space<vmem>>, vector<1x16xf32>,
      %swap3A_193 = vector.shape_cast %swap3A_192 : vector<1x16xf32> to vector<16xf32>
      %swap3A_194 = vector.shape_cast %mul3A_189 : vector<16xf32> to vector<1x16xf32>
      tpu.vector_store %arg15[%swap3A_190, %swap3A_191], %swap3A_194 {strides = array<i32>} : memref<8x128xf32, #tpu.memory_space<vmem>>, vector<1x16xf32>,
    }
    %scan3A_82 = arith.constant 8 : i32
    "tpu.region"() ({
      %run_scoped3A = tpu.sem_alloc : memref<!tpu.dma_semaphore, #tpu.memory_space<semaphore_mem>>
      %dma_start3A_84 = arith.constant 0 : i32
      %dma_start3A_85 = arith.constant 0 : i32
      %dma_start3A_86 = tpu.memref_slice %arg16[%dma_start3A_84, %dma_start3A_85] : memref<10240x128xf32, #tpu.memory_space<vmem_shared>> -> memref<10240x128xf32, #tpu.memory_space<vmem_shared>>
      tpu.enqueue_indirect_dma source(%arg15 : memref<8x128xf32, #tpu.memory_space<vmem>>) target(%dma_start3A_86 : memref<10240x128xf32, #tpu.memory_space<vmem_shared>>) offsets(%arg13 : memref<8xi32, #tpu.memory_space<vmem>>) semaphore(%run_scoped3A : memref<!tpu.dma_semaphore, #tpu.memory_space<semaphore_mem>>) {add = true}
      %dma_wait3A_87 = arith.constant 0 : i32
      %dma_wait3A_88 = arith.constant 0 : i32
      %dma_wait3A_89 = tpu.memref_slice %arg16[%dma_wait3A_87, %dma_wait3A_88] : memref<10240x128xf32, #tpu.memory_space<vmem_shared>> -> memref<10240x128xf32, #tpu.memory_space<vmem_shared>>
      tpu.wait_indirect_dma semaphore(%run_scoped3A : memref<!tpu.dma_semaphore, #tpu.memory_space<semaphore_mem>>) src(%arg15 : memref<8x128xf32, #tpu.memory_space<vmem>>) dst(%dma_wait3A_89 : memref<10240x128xf32, #tpu.memory_space<vmem_shared>>)
      tpu.yield
    }) : () -> ()
    %barrier3A_83 = arith.constant 0 : index
    tpu.barrier barrier_id(%barrier3A_83)
    "tpu.region"() ({
      %run_scoped3A = tpu.sem_alloc : memref<!tpu.dma_semaphore, #tpu.memory_space<semaphore_mem>>
      %dma_start3A_84 = arith.constant 0 : i32
      %dma_start3A_85 = tpu.memref_slice %arg5[%arg0, %mul3A_10, %dma_start3A_84] : memref<2x10240x128xf32, #tpu.memory_space<hbm>> -> memref<1x640x128xf32, #tpu.memory_space<hbm>>
      %dma_start3A_86 = tpu.memref_squeeze %dma_start3A_85 : memref<1x640x128xf32, #tpu.memory_space<hbm>> -> memref<640x128xf32, #tpu.memory_space<hbm>>
      %dma_start3A_87 = arith.constant 0 : i32
      %dma_start3A_88 = tpu.memref_slice %arg16[%mul3A_10, %dma_start3A_87] : memref<10240x128xf32, #tpu.memory_space<vmem_shared>> -> memref<640x128xf32, #tpu.memory_space<vmem_shared>>
      tpu.enqueue_dma source(%dma_start3A_88 : memref<640x128xf32, #tpu.memory_space<vmem_shared>>) target(%dma_start3A_86 : memref<640x128xf32, #tpu.memory_space<hbm>>) target_semaphore(%run_scoped3A : memref<!tpu.dma_semaphore, #tpu.memory_space<semaphore_mem>>)
      %dma_wait3A_89 = arith.constant 0 : i32
      %dma_wait3A_90 = tpu.memref_slice %arg5[%arg0, %mul3A_10, %dma_wait3A_89] : memref<2x10240x128xf32, #tpu.memory_space<hbm>> -> memref<1x640x128xf32, #tpu.memory_space<hbm>>
      %dma_wait3A_91 = tpu.memref_squeeze %dma_wait3A_90 : memref<1x640x128xf32, #tpu.memory_space<hbm>> -> memref<640x128xf32, #tpu.memory_space<hbm>>
      %dma_wait3A_92 = arith.constant 0 : i32
      %dma_wait3A_93 = tpu.memref_slice %arg16[%mul3A_10, %dma_wait3A_92] : memref<10240x128xf32, #tpu.memory_space<vmem_shared>> -> memref<640x128xf32, #tpu.memory_space<vmem_shared>>
      tpu.wait_dma2 semaphore(%run_scoped3A : memref<!tpu.dma_semaphore, #tpu.memory_space<semaphore_mem>>) src(%dma_wait3A_93 : memref<640x128xf32, #tpu.memory_space<vmem_shared>>) dst(%dma_wait3A_91 : memref<640x128xf32, #tpu.memory_space<hbm>>)
      tpu.yield
    }) : () -> ()
    return
  }
}

#map = affine_map<(d0, d1) -> (0, 0)>
#map1 = affine_map<(d0, d1) -> (0)>
#map2 = affine_map<(d0, d1) -> (0, 0, 0)>
module attributes {stable_mosaic.version = 14 : i64} {
  func.func @_scatter_body(%arg0: i32, %arg1: i32, %arg2: memref<10000x128xf32, #tpu.memory_space<hbm>>, %arg3: memref<160000x128xf32, #tpu.memory_space<hbm>>, %arg4: memref<640000xi32, #tpu.memory_space<hbm>>, %arg5: memref<2x10240x128xf32, #tpu.memory_space<hbm>>, %arg6: memref<5000xi32, #tpu.memory_space<vmem>>, %arg7: memref<64xi32, #tpu.memory_space<vmem>>, %arg8: memref<64xi32, #tpu.memory_space<vmem>>, %arg9: memref<64x128xf32, #tpu.memory_space<vmem>>, %arg10: memref<64x128xf32, #tpu.memory_space<vmem>>, %arg11: memref<64x128xf32, #tpu.memory_space<vmem>>, %arg12: memref<64x128xf32, #tpu.memory_space<vmem>>, %arg13: memref<8xi32, #tpu.memory_space<vmem>>, %arg14: memref<8x128xf32, #tpu.memory_space<vmem>>, %arg15: memref<8x128xf32, #tpu.memory_space<vmem>>, %arg16: memref<10240x128xf32, #tpu.memory_space<vmem_shared>>, %arg17: memref<!tpu.dma_semaphore, #tpu.memory_space<semaphore_mem>>, %arg18: memref<!tpu.dma_semaphore, #tpu.memory_space<semaphore_mem>>, %arg19: memref<!tpu.dma_semaphore, #tpu.memory_space<semaphore_mem>>, %arg20: memref<!tpu.dma_semaphore, #tpu.memory_space<semaphore_mem>>, %arg21: memref<!tpu.dma_semaphore, #tpu.memory_space<semaphore_mem>>, %arg22: memref<!tpu.dma_semaphore, #tpu.memory_space<semaphore_mem>>) attributes {dimension_semantics = [#tpu.dimension_semantics<core_parallel>, #tpu.dimension_semantics<subcore_parallel>], iteration_bounds = array<i64: 2, 16>, scalar_prefetch = 0 : i64, scratch_operands = 17 : i64, tpu.core_type = #tpu.core_type<sc_vector_subcore>, window_params = [{transform_indices = #map}, {transform_indices = #map}, {transform_indices = #map1}, {transform_indices = #map2}]} {
    %mul3A = arith.constant 16 : i32
    %mul3A_0 = arith.muli %arg0, %mul3A : i32
    %add3A = arith.addi %mul3A_0, %arg1 : i32
    %mul3A_1 = arith.constant 5000 : i32
    %mul3A_2 = arith.muli %add3A, %mul3A_1 : i32
    %add3A_3 = arith.constant 0 : i32
    %add3A_4 = arith.addi %add3A_3, %mul3A_2 : i32
    %scan3A = arith.constant 0 : i32
    %scan3A_5 = arith.constant 64 : i32
    %scan3A_6 = arith.addi %scan3A, %scan3A_5 : i32
    %scan3A_7 = arith.constant 1 : i32
    scf.for %scan3A_84 = %scan3A to %scan3A_6 step %scan3A_7  : i32 {
      %broadcast_in_dim3A = arith.constant 0.000000e+00 : f32
      %broadcast_in_dim3A_85 = vector.broadcast %broadcast_in_dim3A : f32 to vector<16xf32>
      %swap3A = arith.index_cast %scan3A_84 : i32 to index
      %swap3A_86 = arith.constant 0 : index
      %swap3A_87 = tpu.vector_load %arg9[%swap3A, %swap3A_86] {strides = array<i32>} : memref<64x128xf32, #tpu.memory_space<vmem>>, vector<1x16xf32>,
      %swap3A_88 = vector.shape_cast %swap3A_87 : vector<1x16xf32> to vector<16xf32>
      %swap3A_89 = vector.shape_cast %broadcast_in_dim3A_85 : vector<16xf32> to vector<1x16xf32>
      tpu.vector_store %arg9[%swap3A, %swap3A_86], %swap3A_89 {strides = array<i32>} : memref<64x128xf32, #tpu.memory_space<vmem>>, vector<1x16xf32>,
      %broadcast_in_dim3A_90 = arith.constant 0.000000e+00 : f32
      %broadcast_in_dim3A_91 = vector.broadcast %broadcast_in_dim3A_90 : f32 to vector<16xf32>
      %swap3A_92 = arith.index_cast %scan3A_84 : i32 to index
      %swap3A_93 = arith.constant 16 : index
      %swap3A_94 = tpu.vector_load %arg9[%swap3A_92, %swap3A_93] {strides = array<i32>} : memref<64x128xf32, #tpu.memory_space<vmem>>, vector<1x16xf32>,
      %swap3A_95 = vector.shape_cast %swap3A_94 : vector<1x16xf32> to vector<16xf32>
      %swap3A_96 = vector.shape_cast %broadcast_in_dim3A_91 : vector<16xf32> to vector<1x16xf32>
      tpu.vector_store %arg9[%swap3A_92, %swap3A_93], %swap3A_96 {strides = array<i32>} : memref<64x128xf32, #tpu.memory_space<vmem>>, vector<1x16xf32>,
      %broadcast_in_dim3A_97 = arith.constant 0.000000e+00 : f32
      %broadcast_in_dim3A_98 = vector.broadcast %broadcast_in_dim3A_97 : f32 to vector<16xf32>
      %swap3A_99 = arith.index_cast %scan3A_84 : i32 to index
      %swap3A_100 = arith.constant 32 : index
      %swap3A_101 = tpu.vector_load %arg9[%swap3A_99, %swap3A_100] {strides = array<i32>} : memref<64x128xf32, #tpu.memory_space<vmem>>, vector<1x16xf32>,
      %swap3A_102 = vector.shape_cast %swap3A_101 : vector<1x16xf32> to vector<16xf32>
      %swap3A_103 = vector.shape_cast %broadcast_in_dim3A_98 : vector<16xf32> to vector<1x16xf32>
      tpu.vector_store %arg9[%swap3A_99, %swap3A_100], %swap3A_103 {strides = array<i32>} : memref<64x128xf32, #tpu.memory_space<vmem>>, vector<1x16xf32>,
      %broadcast_in_dim3A_104 = arith.constant 0.000000e+00 : f32
      %broadcast_in_dim3A_105 = vector.broadcast %broadcast_in_dim3A_104 : f32 to vector<16xf32>
      %swap3A_106 = arith.index_cast %scan3A_84 : i32 to index
      %swap3A_107 = arith.constant 48 : index
      %swap3A_108 = tpu.vector_load %arg9[%swap3A_106, %swap3A_107] {strides = array<i32>} : memref<64x128xf32, #tpu.memory_space<vmem>>, vector<1x16xf32>,
      %swap3A_109 = vector.shape_cast %swap3A_108 : vector<1x16xf32> to vector<16xf32>
      %swap3A_110 = vector.shape_cast %broadcast_in_dim3A_105 : vector<16xf32> to vector<1x16xf32>
      tpu.vector_store %arg9[%swap3A_106, %swap3A_107], %swap3A_110 {strides = array<i32>} : memref<64x128xf32, #tpu.memory_space<vmem>>, vector<1x16xf32>,
      %broadcast_in_dim3A_111 = arith.constant 0.000000e+00 : f32
      %broadcast_in_dim3A_112 = vector.broadcast %broadcast_in_dim3A_111 : f32 to vector<16xf32>
      %swap3A_113 = arith.index_cast %scan3A_84 : i32 to index
      %swap3A_114 = arith.constant 64 : index
      %swap3A_115 = tpu.vector_load %arg9[%swap3A_113, %swap3A_114] {strides = array<i32>} : memref<64x128xf32, #tpu.memory_space<vmem>>, vector<1x16xf32>,
      %swap3A_116 = vector.shape_cast %swap3A_115 : vector<1x16xf32> to vector<16xf32>
      %swap3A_117 = vector.shape_cast %broadcast_in_dim3A_112 : vector<16xf32> to vector<1x16xf32>
      tpu.vector_store %arg9[%swap3A_113, %swap3A_114], %swap3A_117 {strides = array<i32>} : memref<64x128xf32, #tpu.memory_space<vmem>>, vector<1x16xf32>,
      %broadcast_in_dim3A_118 = arith.constant 0.000000e+00 : f32
      %broadcast_in_dim3A_119 = vector.broadcast %broadcast_in_dim3A_118 : f32 to vector<16xf32>
      %swap3A_120 = arith.index_cast %scan3A_84 : i32 to index
      %swap3A_121 = arith.constant 80 : index
      %swap3A_122 = tpu.vector_load %arg9[%swap3A_120, %swap3A_121] {strides = array<i32>} : memref<64x128xf32, #tpu.memory_space<vmem>>, vector<1x16xf32>,
      %swap3A_123 = vector.shape_cast %swap3A_122 : vector<1x16xf32> to vector<16xf32>
      %swap3A_124 = vector.shape_cast %broadcast_in_dim3A_119 : vector<16xf32> to vector<1x16xf32>
      tpu.vector_store %arg9[%swap3A_120, %swap3A_121], %swap3A_124 {strides = array<i32>} : memref<64x128xf32, #tpu.memory_space<vmem>>, vector<1x16xf32>,
      %broadcast_in_dim3A_125 = arith.constant 0.000000e+00 : f32
      %broadcast_in_dim3A_126 = vector.broadcast %broadcast_in_dim3A_125 : f32 to vector<16xf32>
      %swap3A_127 = arith.index_cast %scan3A_84 : i32 to index
      %swap3A_128 = arith.constant 96 : index
      %swap3A_129 = tpu.vector_load %arg9[%swap3A_127, %swap3A_128] {strides = array<i32>} : memref<64x128xf32, #tpu.memory_space<vmem>>, vector<1x16xf32>,
      %swap3A_130 = vector.shape_cast %swap3A_129 : vector<1x16xf32> to vector<16xf32>
      %swap3A_131 = vector.shape_cast %broadcast_in_dim3A_126 : vector<16xf32> to vector<1x16xf32>
      tpu.vector_store %arg9[%swap3A_127, %swap3A_128], %swap3A_131 {strides = array<i32>} : memref<64x128xf32, #tpu.memory_space<vmem>>, vector<1x16xf32>,
      %broadcast_in_dim3A_132 = arith.constant 0.000000e+00 : f32
      %broadcast_in_dim3A_133 = vector.broadcast %broadcast_in_dim3A_132 : f32 to vector<16xf32>
      %swap3A_134 = arith.index_cast %scan3A_84 : i32 to index
      %swap3A_135 = arith.constant 112 : index
      %swap3A_136 = tpu.vector_load %arg9[%swap3A_134, %swap3A_135] {strides = array<i32>} : memref<64x128xf32, #tpu.memory_space<vmem>>, vector<1x16xf32>,
      %swap3A_137 = vector.shape_cast %swap3A_136 : vector<1x16xf32> to vector<16xf32>
      %swap3A_138 = vector.shape_cast %broadcast_in_dim3A_133 : vector<16xf32> to vector<1x16xf32>
      tpu.vector_store %arg9[%swap3A_134, %swap3A_135], %swap3A_138 {strides = array<i32>} : memref<64x128xf32, #tpu.memory_space<vmem>>, vector<1x16xf32>,
    }
    %scan3A_8 = arith.constant 64 : i32
    %mul3A_9 = arith.constant 640 : i32
    %mul3A_10 = arith.muli %arg1, %mul3A_9 : i32
    %add3A_11 = arith.constant 0 : i32
    %add3A_12 = arith.addi %mul3A_10, %add3A_11 : i32
    "tpu.region"() ({
      %run_scoped3A = tpu.sem_alloc : memref<!tpu.dma_semaphore, #tpu.memory_space<semaphore_mem>>
      %dma_start3A_84 = arith.constant 0 : i32
      %dma_start3A_85 = tpu.memref_slice %arg16[%add3A_12, %dma_start3A_84] : memref<10240x128xf32, #tpu.memory_space<vmem_shared>> -> memref<64x128xf32, #tpu.memory_space<vmem_shared>>
      %dma_start3A_86 = arith.constant 0 : i32
      %dma_start3A_87 = tpu.memref_slice %arg16[%add3A_12, %dma_start3A_86] : memref<10240x128xf32, #tpu.memory_space<vmem_shared>> -> memref<64x128xf32, #tpu.memory_space<vmem_shared>>
      tpu.enqueue_dma source(%arg9 : memref<64x128xf32, #tpu.memory_space<vmem>>) target(%dma_start3A_87 : memref<64x128xf32, #tpu.memory_space<vmem_shared>>) target_semaphore(%run_scoped3A : memref<!tpu.dma_semaphore, #tpu.memory_space<semaphore_mem>>)
      %dma_wait3A_88 = arith.constant 0 : i32
      %dma_wait3A_89 = tpu.memref_slice %arg16[%add3A_12, %dma_wait3A_88] : memref<10240x128xf32, #tpu.memory_space<vmem_shared>> -> memref<64x128xf32, #tpu.memory_space<vmem_shared>>
      %dma_wait3A_90 = arith.constant 0 : i32
      %dma_wait3A_91 = tpu.memref_slice %arg16[%add3A_12, %dma_wait3A_90] : memref<10240x128xf32, #tpu.memory_space<vmem_shared>> -> memref<64x128xf32, #tpu.memory_space<vmem_shared>>
      tpu.wait_dma2 semaphore(%run_scoped3A : memref<!tpu.dma_semaphore, #tpu.memory_space<semaphore_mem>>) src(%arg9 : memref<64x128xf32, #tpu.memory_space<vmem>>) dst(%dma_wait3A_91 : memref<64x128xf32, #tpu.memory_space<vmem_shared>>)
      tpu.yield
    }) : () -> ()
    %add3A_13 = arith.constant 64 : i32
    %add3A_14 = arith.addi %mul3A_10, %add3A_13 : i32
    "tpu.region"() ({
      %run_scoped3A = tpu.sem_alloc : memref<!tpu.dma_semaphore, #tpu.memory_space<semaphore_mem>>
      %dma_start3A_84 = arith.constant 0 : i32
      %dma_start3A_85 = tpu.memref_slice %arg16[%add3A_14, %dma_start3A_84] : memref<10240x128xf32, #tpu.memory_space<vmem_shared>> -> memref<64x128xf32, #tpu.memory_space<vmem_shared>>
      %dma_start3A_86 = arith.constant 0 : i32
      %dma_start3A_87 = tpu.memref_slice %arg16[%add3A_14, %dma_start3A_86] : memref<10240x128xf32, #tpu.memory_space<vmem_shared>> -> memref<64x128xf32, #tpu.memory_space<vmem_shared>>
      tpu.enqueue_dma source(%arg9 : memref<64x128xf32, #tpu.memory_space<vmem>>) target(%dma_start3A_87 : memref<64x128xf32, #tpu.memory_space<vmem_shared>>) target_semaphore(%run_scoped3A : memref<!tpu.dma_semaphore, #tpu.memory_space<semaphore_mem>>)
      %dma_wait3A_88 = arith.constant 0 : i32
      %dma_wait3A_89 = tpu.memref_slice %arg16[%add3A_14, %dma_wait3A_88] : memref<10240x128xf32, #tpu.memory_space<vmem_shared>> -> memref<64x128xf32, #tpu.memory_space<vmem_shared>>
      %dma_wait3A_90 = arith.constant 0 : i32
      %dma_wait3A_91 = tpu.memref_slice %arg16[%add3A_14, %dma_wait3A_90] : memref<10240x128xf32, #tpu.memory_space<vmem_shared>> -> memref<64x128xf32, #tpu.memory_space<vmem_shared>>
      tpu.wait_dma2 semaphore(%run_scoped3A : memref<!tpu.dma_semaphore, #tpu.memory_space<semaphore_mem>>) src(%arg9 : memref<64x128xf32, #tpu.memory_space<vmem>>) dst(%dma_wait3A_91 : memref<64x128xf32, #tpu.memory_space<vmem_shared>>)
      tpu.yield
    }) : () -> ()
    %add3A_15 = arith.constant 128 : i32
    %add3A_16 = arith.addi %mul3A_10, %add3A_15 : i32
    "tpu.region"() ({
      %run_scoped3A = tpu.sem_alloc : memref<!tpu.dma_semaphore, #tpu.memory_space<semaphore_mem>>
      %dma_start3A_84 = arith.constant 0 : i32
      %dma_start3A_85 = tpu.memref_slice %arg16[%add3A_16, %dma_start3A_84] : memref<10240x128xf32, #tpu.memory_space<vmem_shared>> -> memref<64x128xf32, #tpu.memory_space<vmem_shared>>
      %dma_start3A_86 = arith.constant 0 : i32
      %dma_start3A_87 = tpu.memref_slice %arg16[%add3A_16, %dma_start3A_86] : memref<10240x128xf32, #tpu.memory_space<vmem_shared>> -> memref<64x128xf32, #tpu.memory_space<vmem_shared>>
      tpu.enqueue_dma source(%arg9 : memref<64x128xf32, #tpu.memory_space<vmem>>) target(%dma_start3A_87 : memref<64x128xf32, #tpu.memory_space<vmem_shared>>) target_semaphore(%run_scoped3A : memref<!tpu.dma_semaphore, #tpu.memory_space<semaphore_mem>>)
      %dma_wait3A_88 = arith.constant 0 : i32
      %dma_wait3A_89 = tpu.memref_slice %arg16[%add3A_16, %dma_wait3A_88] : memref<10240x128xf32, #tpu.memory_space<vmem_shared>> -> memref<64x128xf32, #tpu.memory_space<vmem_shared>>
      %dma_wait3A_90 = arith.constant 0 : i32
      %dma_wait3A_91 = tpu.memref_slice %arg16[%add3A_16, %dma_wait3A_90] : memref<10240x128xf32, #tpu.memory_space<vmem_shared>> -> memref<64x128xf32, #tpu.memory_space<vmem_shared>>
      tpu.wait_dma2 semaphore(%run_scoped3A : memref<!tpu.dma_semaphore, #tpu.memory_space<semaphore_mem>>) src(%arg9 : memref<64x128xf32, #tpu.memory_space<vmem>>) dst(%dma_wait3A_91 : memref<64x128xf32, #tpu.memory_space<vmem_shared>>)
      tpu.yield
    }) : () -> ()
    %add3A_17 = arith.constant 192 : i32
    %add3A_18 = arith.addi %mul3A_10, %add3A_17 : i32
    "tpu.region"() ({
      %run_scoped3A = tpu.sem_alloc : memref<!tpu.dma_semaphore, #tpu.memory_space<semaphore_mem>>
      %dma_start3A_84 = arith.constant 0 : i32
      %dma_start3A_85 = tpu.memref_slice %arg16[%add3A_18, %dma_start3A_84] : memref<10240x128xf32, #tpu.memory_space<vmem_shared>> -> memref<64x128xf32, #tpu.memory_space<vmem_shared>>
      %dma_start3A_86 = arith.constant 0 : i32
      %dma_start3A_87 = tpu.memref_slice %arg16[%add3A_18, %dma_start3A_86] : memref<10240x128xf32, #tpu.memory_space<vmem_shared>> -> memref<64x128xf32, #tpu.memory_space<vmem_shared>>
      tpu.enqueue_dma source(%arg9 : memref<64x128xf32, #tpu.memory_space<vmem>>) target(%dma_start3A_87 : memref<64x128xf32, #tpu.memory_space<vmem_shared>>) target_semaphore(%run_scoped3A : memref<!tpu.dma_semaphore, #tpu.memory_space<semaphore_mem>>)
      %dma_wait3A_88 = arith.constant 0 : i32
      %dma_wait3A_89 = tpu.memref_slice %arg16[%add3A_18, %dma_wait3A_88] : memref<10240x128xf32, #tpu.memory_space<vmem_shared>> -> memref<64x128xf32, #tpu.memory_space<vmem_shared>>
      %dma_wait3A_90 = arith.constant 0 : i32
      %dma_wait3A_91 = tpu.memref_slice %arg16[%add3A_18, %dma_wait3A_90] : memref<10240x128xf32, #tpu.memory_space<vmem_shared>> -> memref<64x128xf32, #tpu.memory_space<vmem_shared>>
      tpu.wait_dma2 semaphore(%run_scoped3A : memref<!tpu.dma_semaphore, #tpu.memory_space<semaphore_mem>>) src(%arg9 : memref<64x128xf32, #tpu.memory_space<vmem>>) dst(%dma_wait3A_91 : memref<64x128xf32, #tpu.memory_space<vmem_shared>>)
      tpu.yield
    }) : () -> ()
    %add3A_19 = arith.constant 256 : i32
    %add3A_20 = arith.addi %mul3A_10, %add3A_19 : i32
    "tpu.region"() ({
      %run_scoped3A = tpu.sem_alloc : memref<!tpu.dma_semaphore, #tpu.memory_space<semaphore_mem>>
      %dma_start3A_84 = arith.constant 0 : i32
      %dma_start3A_85 = tpu.memref_slice %arg16[%add3A_20, %dma_start3A_84] : memref<10240x128xf32, #tpu.memory_space<vmem_shared>> -> memref<64x128xf32, #tpu.memory_space<vmem_shared>>
      %dma_start3A_86 = arith.constant 0 : i32
      %dma_start3A_87 = tpu.memref_slice %arg16[%add3A_20, %dma_start3A_86] : memref<10240x128xf32, #tpu.memory_space<vmem_shared>> -> memref<64x128xf32, #tpu.memory_space<vmem_shared>>
      tpu.enqueue_dma source(%arg9 : memref<64x128xf32, #tpu.memory_space<vmem>>) target(%dma_start3A_87 : memref<64x128xf32, #tpu.memory_space<vmem_shared>>) target_semaphore(%run_scoped3A : memref<!tpu.dma_semaphore, #tpu.memory_space<semaphore_mem>>)
      %dma_wait3A_88 = arith.constant 0 : i32
      %dma_wait3A_89 = tpu.memref_slice %arg16[%add3A_20, %dma_wait3A_88] : memref<10240x128xf32, #tpu.memory_space<vmem_shared>> -> memref<64x128xf32, #tpu.memory_space<vmem_shared>>
      %dma_wait3A_90 = arith.constant 0 : i32
      %dma_wait3A_91 = tpu.memref_slice %arg16[%add3A_20, %dma_wait3A_90] : memref<10240x128xf32, #tpu.memory_space<vmem_shared>> -> memref<64x128xf32, #tpu.memory_space<vmem_shared>>
      tpu.wait_dma2 semaphore(%run_scoped3A : memref<!tpu.dma_semaphore, #tpu.memory_space<semaphore_mem>>) src(%arg9 : memref<64x128xf32, #tpu.memory_space<vmem>>) dst(%dma_wait3A_91 : memref<64x128xf32, #tpu.memory_space<vmem_shared>>)
      tpu.yield
    }) : () -> ()
    %add3A_21 = arith.constant 320 : i32
    %add3A_22 = arith.addi %mul3A_10, %add3A_21 : i32
    "tpu.region"() ({
      %run_scoped3A = tpu.sem_alloc : memref<!tpu.dma_semaphore, #tpu.memory_space<semaphore_mem>>
      %dma_start3A_84 = arith.constant 0 : i32
      %dma_start3A_85 = tpu.memref_slice %arg16[%add3A_22, %dma_start3A_84] : memref<10240x128xf32, #tpu.memory_space<vmem_shared>> -> memref<64x128xf32, #tpu.memory_space<vmem_shared>>
      %dma_start3A_86 = arith.constant 0 : i32
      %dma_start3A_87 = tpu.memref_slice %arg16[%add3A_22, %dma_start3A_86] : memref<10240x128xf32, #tpu.memory_space<vmem_shared>> -> memref<64x128xf32, #tpu.memory_space<vmem_shared>>
      tpu.enqueue_dma source(%arg9 : memref<64x128xf32, #tpu.memory_space<vmem>>) target(%dma_start3A_87 : memref<64x128xf32, #tpu.memory_space<vmem_shared>>) target_semaphore(%run_scoped3A : memref<!tpu.dma_semaphore, #tpu.memory_space<semaphore_mem>>)
      %dma_wait3A_88 = arith.constant 0 : i32
      %dma_wait3A_89 = tpu.memref_slice %arg16[%add3A_22, %dma_wait3A_88] : memref<10240x128xf32, #tpu.memory_space<vmem_shared>> -> memref<64x128xf32, #tpu.memory_space<vmem_shared>>
      %dma_wait3A_90 = arith.constant 0 : i32
      %dma_wait3A_91 = tpu.memref_slice %arg16[%add3A_22, %dma_wait3A_90] : memref<10240x128xf32, #tpu.memory_space<vmem_shared>> -> memref<64x128xf32, #tpu.memory_space<vmem_shared>>
      tpu.wait_dma2 semaphore(%run_scoped3A : memref<!tpu.dma_semaphore, #tpu.memory_space<semaphore_mem>>) src(%arg9 : memref<64x128xf32, #tpu.memory_space<vmem>>) dst(%dma_wait3A_91 : memref<64x128xf32, #tpu.memory_space<vmem_shared>>)
      tpu.yield
    }) : () -> ()
    %add3A_23 = arith.constant 384 : i32
    %add3A_24 = arith.addi %mul3A_10, %add3A_23 : i32
    "tpu.region"() ({
      %run_scoped3A = tpu.sem_alloc : memref<!tpu.dma_semaphore, #tpu.memory_space<semaphore_mem>>
      %dma_start3A_84 = arith.constant 0 : i32
      %dma_start3A_85 = tpu.memref_slice %arg16[%add3A_24, %dma_start3A_84] : memref<10240x128xf32, #tpu.memory_space<vmem_shared>> -> memref<64x128xf32, #tpu.memory_space<vmem_shared>>
      %dma_start3A_86 = arith.constant 0 : i32
      %dma_start3A_87 = tpu.memref_slice %arg16[%add3A_24, %dma_start3A_86] : memref<10240x128xf32, #tpu.memory_space<vmem_shared>> -> memref<64x128xf32, #tpu.memory_space<vmem_shared>>
      tpu.enqueue_dma source(%arg9 : memref<64x128xf32, #tpu.memory_space<vmem>>) target(%dma_start3A_87 : memref<64x128xf32, #tpu.memory_space<vmem_shared>>) target_semaphore(%run_scoped3A : memref<!tpu.dma_semaphore, #tpu.memory_space<semaphore_mem>>)
      %dma_wait3A_88 = arith.constant 0 : i32
      %dma_wait3A_89 = tpu.memref_slice %arg16[%add3A_24, %dma_wait3A_88] : memref<10240x128xf32, #tpu.memory_space<vmem_shared>> -> memref<64x128xf32, #tpu.memory_space<vmem_shared>>
      %dma_wait3A_90 = arith.constant 0 : i32
      %dma_wait3A_91 = tpu.memref_slice %arg16[%add3A_24, %dma_wait3A_90] : memref<10240x128xf32, #tpu.memory_space<vmem_shared>> -> memref<64x128xf32, #tpu.memory_space<vmem_shared>>
      tpu.wait_dma2 semaphore(%run_scoped3A : memref<!tpu.dma_semaphore, #tpu.memory_space<semaphore_mem>>) src(%arg9 : memref<64x128xf32, #tpu.memory_space<vmem>>) dst(%dma_wait3A_91 : memref<64x128xf32, #tpu.memory_space<vmem_shared>>)
      tpu.yield
    }) : () -> ()
    %add3A_25 = arith.constant 448 : i32
    %add3A_26 = arith.addi %mul3A_10, %add3A_25 : i32
    "tpu.region"() ({
      %run_scoped3A = tpu.sem_alloc : memref<!tpu.dma_semaphore, #tpu.memory_space<semaphore_mem>>
      %dma_start3A_84 = arith.constant 0 : i32
      %dma_start3A_85 = tpu.memref_slice %arg16[%add3A_26, %dma_start3A_84] : memref<10240x128xf32, #tpu.memory_space<vmem_shared>> -> memref<64x128xf32, #tpu.memory_space<vmem_shared>>
      %dma_start3A_86 = arith.constant 0 : i32
      %dma_start3A_87 = tpu.memref_slice %arg16[%add3A_26, %dma_start3A_86] : memref<10240x128xf32, #tpu.memory_space<vmem_shared>> -> memref<64x128xf32, #tpu.memory_space<vmem_shared>>
      tpu.enqueue_dma source(%arg9 : memref<64x128xf32, #tpu.memory_space<vmem>>) target(%dma_start3A_87 : memref<64x128xf32, #tpu.memory_space<vmem_shared>>) target_semaphore(%run_scoped3A : memref<!tpu.dma_semaphore, #tpu.memory_space<semaphore_mem>>)
      %dma_wait3A_88 = arith.constant 0 : i32
      %dma_wait3A_89 = tpu.memref_slice %arg16[%add3A_26, %dma_wait3A_88] : memref<10240x128xf32, #tpu.memory_space<vmem_shared>> -> memref<64x128xf32, #tpu.memory_space<vmem_shared>>
      %dma_wait3A_90 = arith.constant 0 : i32
      %dma_wait3A_91 = tpu.memref_slice %arg16[%add3A_26, %dma_wait3A_90] : memref<10240x128xf32, #tpu.memory_space<vmem_shared>> -> memref<64x128xf32, #tpu.memory_space<vmem_shared>>
      tpu.wait_dma2 semaphore(%run_scoped3A : memref<!tpu.dma_semaphore, #tpu.memory_space<semaphore_mem>>) src(%arg9 : memref<64x128xf32, #tpu.memory_space<vmem>>) dst(%dma_wait3A_91 : memref<64x128xf32, #tpu.memory_space<vmem_shared>>)
      tpu.yield
    }) : () -> ()
    %add3A_27 = arith.constant 512 : i32
    %add3A_28 = arith.addi %mul3A_10, %add3A_27 : i32
    "tpu.region"() ({
      %run_scoped3A = tpu.sem_alloc : memref<!tpu.dma_semaphore, #tpu.memory_space<semaphore_mem>>
      %dma_start3A_84 = arith.constant 0 : i32
      %dma_start3A_85 = tpu.memref_slice %arg16[%add3A_28, %dma_start3A_84] : memref<10240x128xf32, #tpu.memory_space<vmem_shared>> -> memref<64x128xf32, #tpu.memory_space<vmem_shared>>
      %dma_start3A_86 = arith.constant 0 : i32
      %dma_start3A_87 = tpu.memref_slice %arg16[%add3A_28, %dma_start3A_86] : memref<10240x128xf32, #tpu.memory_space<vmem_shared>> -> memref<64x128xf32, #tpu.memory_space<vmem_shared>>
      tpu.enqueue_dma source(%arg9 : memref<64x128xf32, #tpu.memory_space<vmem>>) target(%dma_start3A_87 : memref<64x128xf32, #tpu.memory_space<vmem_shared>>) target_semaphore(%run_scoped3A : memref<!tpu.dma_semaphore, #tpu.memory_space<semaphore_mem>>)
      %dma_wait3A_88 = arith.constant 0 : i32
      %dma_wait3A_89 = tpu.memref_slice %arg16[%add3A_28, %dma_wait3A_88] : memref<10240x128xf32, #tpu.memory_space<vmem_shared>> -> memref<64x128xf32, #tpu.memory_space<vmem_shared>>
      %dma_wait3A_90 = arith.constant 0 : i32
      %dma_wait3A_91 = tpu.memref_slice %arg16[%add3A_28, %dma_wait3A_90] : memref<10240x128xf32, #tpu.memory_space<vmem_shared>> -> memref<64x128xf32, #tpu.memory_space<vmem_shared>>
      tpu.wait_dma2 semaphore(%run_scoped3A : memref<!tpu.dma_semaphore, #tpu.memory_space<semaphore_mem>>) src(%arg9 : memref<64x128xf32, #tpu.memory_space<vmem>>) dst(%dma_wait3A_91 : memref<64x128xf32, #tpu.memory_space<vmem_shared>>)
      tpu.yield
    }) : () -> ()
    %add3A_29 = arith.constant 576 : i32
    %add3A_30 = arith.addi %mul3A_10, %add3A_29 : i32
    "tpu.region"() ({
      %run_scoped3A = tpu.sem_alloc : memref<!tpu.dma_semaphore, #tpu.memory_space<semaphore_mem>>
      %dma_start3A_84 = arith.constant 0 : i32
      %dma_start3A_85 = tpu.memref_slice %arg16[%add3A_30, %dma_start3A_84] : memref<10240x128xf32, #tpu.memory_space<vmem_shared>> -> memref<64x128xf32, #tpu.memory_space<vmem_shared>>
      %dma_start3A_86 = arith.constant 0 : i32
      %dma_start3A_87 = tpu.memref_slice %arg16[%add3A_30, %dma_start3A_86] : memref<10240x128xf32, #tpu.memory_space<vmem_shared>> -> memref<64x128xf32, #tpu.memory_space<vmem_shared>>
      tpu.enqueue_dma source(%arg9 : memref<64x128xf32, #tpu.memory_space<vmem>>) target(%dma_start3A_87 : memref<64x128xf32, #tpu.memory_space<vmem_shared>>) target_semaphore(%run_scoped3A : memref<!tpu.dma_semaphore, #tpu.memory_space<semaphore_mem>>)
      %dma_wait3A_88 = arith.constant 0 : i32
      %dma_wait3A_89 = tpu.memref_slice %arg16[%add3A_30, %dma_wait3A_88] : memref<10240x128xf32, #tpu.memory_space<vmem_shared>> -> memref<64x128xf32, #tpu.memory_space<vmem_shared>>
      %dma_wait3A_90 = arith.constant 0 : i32
      %dma_wait3A_91 = tpu.memref_slice %arg16[%add3A_30, %dma_wait3A_90] : memref<10240x128xf32, #tpu.memory_space<vmem_shared>> -> memref<64x128xf32, #tpu.memory_space<vmem_shared>>
      tpu.wait_dma2 semaphore(%run_scoped3A : memref<!tpu.dma_semaphore, #tpu.memory_space<semaphore_mem>>) src(%arg9 : memref<64x128xf32, #tpu.memory_space<vmem>>) dst(%dma_wait3A_91 : memref<64x128xf32, #tpu.memory_space<vmem_shared>>)
      tpu.yield
    }) : () -> ()
    %barrier3A = arith.constant 0 : index
    tpu.barrier barrier_id(%barrier3A)
    "tpu.region"() ({
      %run_scoped3A = tpu.sem_alloc : memref<!tpu.dma_semaphore, #tpu.memory_space<semaphore_mem>>
      %dma_start3A_84 = tpu.memref_slice %arg4[%add3A_4] : memref<640000xi32, #tpu.memory_space<hbm>> -> memref<5000xi32, #tpu.memory_space<hbm>>
      %dma_start3A_85 = tpu.memref_slice %arg4[%add3A_4] : memref<640000xi32, #tpu.memory_space<hbm>> -> memref<5000xi32, #tpu.memory_space<hbm>>
      tpu.enqueue_dma source(%dma_start3A_85 : memref<5000xi32, #tpu.memory_space<hbm>>) target(%arg6 : memref<5000xi32, #tpu.memory_space<vmem>>) target_semaphore(%run_scoped3A : memref<!tpu.dma_semaphore, #tpu.memory_space<semaphore_mem>>)
      %dma_wait3A_86 = tpu.memref_slice %arg4[%add3A_4] : memref<640000xi32, #tpu.memory_space<hbm>> -> memref<5000xi32, #tpu.memory_space<hbm>>
      %dma_wait3A_87 = tpu.memref_slice %arg4[%add3A_4] : memref<640000xi32, #tpu.memory_space<hbm>> -> memref<5000xi32, #tpu.memory_space<hbm>>
      tpu.wait_dma2 semaphore(%run_scoped3A : memref<!tpu.dma_semaphore, #tpu.memory_space<semaphore_mem>>) src(%dma_wait3A_87 : memref<5000xi32, #tpu.memory_space<hbm>>) dst(%arg6 : memref<5000xi32, #tpu.memory_space<vmem>>)
      tpu.yield
    }) : () -> ()
    %add3A_31 = arith.constant 0 : i32
    %add3A_32 = arith.addi %mul3A_2, %add3A_31 : i32
    %add3A_33 = arith.constant 320000 : i32
    %add3A_34 = arith.addi %add3A_33, %add3A_32 : i32
    %dma_start3A = tpu.memref_slice %arg4[%add3A_34] : memref<640000xi32, #tpu.memory_space<hbm>> -> memref<64xi32, #tpu.memory_space<hbm>>
    %dma_start3A_35 = tpu.memref_slice %arg4[%add3A_34] : memref<640000xi32, #tpu.memory_space<hbm>> -> memref<64xi32, #tpu.memory_space<hbm>>
    tpu.enqueue_dma source(%dma_start3A_35 : memref<64xi32, #tpu.memory_space<hbm>>) target(%arg7 : memref<64xi32, #tpu.memory_space<vmem>>) target_semaphore(%arg21 : memref<!tpu.dma_semaphore, #tpu.memory_space<semaphore_mem>>)
    %dma_start3A_36 = arith.constant 0 : i32
    %dma_start3A_37 = tpu.memref_slice %arg3[%add3A_32, %dma_start3A_36] : memref<160000x128xf32, #tpu.memory_space<hbm>> -> memref<64x128xf32, #tpu.memory_space<hbm>>
    %dma_start3A_38 = arith.constant 0 : i32
    %dma_start3A_39 = tpu.memref_slice %arg3[%add3A_32, %dma_start3A_38] : memref<160000x128xf32, #tpu.memory_space<hbm>> -> memref<64x128xf32, #tpu.memory_space<hbm>>
    tpu.enqueue_dma source(%dma_start3A_39 : memref<64x128xf32, #tpu.memory_space<hbm>>) target(%arg11 : memref<64x128xf32, #tpu.memory_space<vmem>>) target_semaphore(%arg19 : memref<!tpu.dma_semaphore, #tpu.memory_space<semaphore_mem>>)
    %dma_start3A_40 = arith.constant 0 : i32
    %dma_start3A_41 = tpu.memref_slice %arg6[%dma_start3A_40] : memref<5000xi32, #tpu.memory_space<vmem>> -> memref<64xi32, #tpu.memory_space<vmem>>
    %dma_start3A_42 = arith.constant 0 : i32
    %dma_start3A_43 = arith.constant 0 : i32
    %dma_start3A_44 = tpu.memref_slice %arg2[%dma_start3A_42, %dma_start3A_43] : memref<10000x128xf32, #tpu.memory_space<hbm>> -> memref<10000x128xf32, #tpu.memory_space<hbm>>
    tpu.enqueue_indirect_dma source(%dma_start3A_44 : memref<10000x128xf32, #tpu.memory_space<hbm>>) target(%arg9 : memref<64x128xf32, #tpu.memory_space<vmem>>) offsets(%dma_start3A_41 : memref<64xi32, #tpu.memory_space<vmem>>) semaphore(%arg17 : memref<!tpu.dma_semaphore, #tpu.memory_space<semaphore_mem>>)
    %add3A_45 = arith.constant 64 : i32
    %add3A_46 = arith.addi %mul3A_2, %add3A_45 : i32
    %add3A_47 = arith.constant 320000 : i32
    %add3A_48 = arith.addi %add3A_47, %add3A_46 : i32
    %dma_start3A_49 = tpu.memref_slice %arg4[%add3A_48] : memref<640000xi32, #tpu.memory_space<hbm>> -> memref<64xi32, #tpu.memory_space<hbm>>
    %dma_start3A_50 = tpu.memref_slice %arg4[%add3A_48] : memref<640000xi32, #tpu.memory_space<hbm>> -> memref<64xi32, #tpu.memory_space<hbm>>
    tpu.enqueue_dma source(%dma_start3A_50 : memref<64xi32, #tpu.memory_space<hbm>>) target(%arg8 : memref<64xi32, #tpu.memory_space<vmem>>) target_semaphore(%arg22 : memref<!tpu.dma_semaphore, #tpu.memory_space<semaphore_mem>>)
    %dma_start3A_51 = arith.constant 0 : i32
    %dma_start3A_52 = tpu.memref_slice %arg3[%add3A_46, %dma_start3A_51] : memref<160000x128xf32, #tpu.memory_space<hbm>> -> memref<64x128xf32, #tpu.memory_space<hbm>>
    %dma_start3A_53 = arith.constant 0 : i32
    %dma_start3A_54 = tpu.memref_slice %arg3[%add3A_46, %dma_start3A_53] : memref<160000x128xf32, #tpu.memory_space<hbm>> -> memref<64x128xf32, #tpu.memory_space<hbm>>
    tpu.enqueue_dma source(%dma_start3A_54 : memref<64x128xf32, #tpu.memory_space<hbm>>) target(%arg12 : memref<64x128xf32, #tpu.memory_space<vmem>>) target_semaphore(%arg20 : memref<!tpu.dma_semaphore, #tpu.memory_space<semaphore_mem>>)
    %dma_start3A_55 = arith.constant 64 : i32
    %dma_start3A_56 = tpu.memref_slice %arg6[%dma_start3A_55] : memref<5000xi32, #tpu.memory_space<vmem>> -> memref<64xi32, #tpu.memory_space<vmem>>
    %dma_start3A_57 = arith.constant 0 : i32
    %dma_start3A_58 = arith.constant 0 : i32
    %dma_start3A_59 = tpu.memref_slice %arg2[%dma_start3A_57, %dma_start3A_58] : memref<10000x128xf32, #tpu.memory_space<hbm>> -> memref<10000x128xf32, #tpu.memory_space<hbm>>
    tpu.enqueue_indirect_dma source(%dma_start3A_59 : memref<10000x128xf32, #tpu.memory_space<hbm>>) target(%arg10 : memref<64x128xf32, #tpu.memory_space<vmem>>) offsets(%dma_start3A_56 : memref<64xi32, #tpu.memory_space<vmem>>) semaphore(%arg18 : memref<!tpu.dma_semaphore, #tpu.memory_space<semaphore_mem>>)
    %scan3A_60 = arith.constant 0 : i32
    %scan3A_61 = arith.constant 39 : i32
    %scan3A_62 = arith.addi %scan3A_60, %scan3A_61 : i32
    %scan3A_63 = arith.constant 1 : i32
    scf.for %scan3A_84 = %scan3A_60 to %scan3A_62 step %scan3A_63  : i32 {
      %mul3A_85 = arith.constant 2 : i32
      %mul3A_86 = arith.muli %mul3A_85, %scan3A_84 : i32
      %dma_wait3A_87 = arith.constant 0 : i32
      %dma_wait3A_88 = arith.constant 0 : i32
      %dma_wait3A_89 = tpu.memref_slice %arg3[%dma_wait3A_87, %dma_wait3A_88] : memref<160000x128xf32, #tpu.memory_space<hbm>> -> memref<64x128xf32, #tpu.memory_space<hbm>>
      %dma_wait3A_90 = arith.constant 0 : i32
      %dma_wait3A_91 = arith.constant 0 : i32
      %dma_wait3A_92 = tpu.memref_slice %arg3[%dma_wait3A_90, %dma_wait3A_91] : memref<160000x128xf32, #tpu.memory_space<hbm>> -> memref<64x128xf32, #tpu.memory_space<hbm>>
      tpu.wait_dma2 semaphore(%arg19 : memref<!tpu.dma_semaphore, #tpu.memory_space<semaphore_mem>>) src(%dma_wait3A_92 : memref<64x128xf32, #tpu.memory_space<hbm>>) dst(%arg11 : memref<64x128xf32, #tpu.memory_space<vmem>>)
      %dma_wait3A_93 = arith.constant 0 : i32
      %dma_wait3A_94 = arith.constant 0 : i32
      %dma_wait3A_95 = tpu.memref_slice %arg2[%dma_wait3A_93, %dma_wait3A_94] : memref<10000x128xf32, #tpu.memory_space<hbm>> -> memref<64x128xf32, #tpu.memory_space<hbm>>
      %dma_wait3A_96 = arith.constant 0 : i32
      %dma_wait3A_97 = arith.constant 0 : i32
      %dma_wait3A_98 = tpu.memref_slice %arg2[%dma_wait3A_96, %dma_wait3A_97] : memref<10000x128xf32, #tpu.memory_space<hbm>> -> memref<64x128xf32, #tpu.memory_space<hbm>>
      tpu.wait_dma2 semaphore(%arg17 : memref<!tpu.dma_semaphore, #tpu.memory_space<semaphore_mem>>) src(%dma_wait3A_98 : memref<64x128xf32, #tpu.memory_space<hbm>>) dst(%arg9 : memref<64x128xf32, #tpu.memory_space<vmem>>)
      %scan3A_99 = arith.constant 0 : i32
      %scan3A_100 = arith.constant 64 : i32
      %scan3A_101 = arith.addi %scan3A_99, %scan3A_100 : i32
      %scan3A_102 = arith.constant 1 : i32
      scf.for %scan3A_140 = %scan3A_99 to %scan3A_101 step %scan3A_102  : i32 {
        %get3A = arith.index_cast %scan3A_140 : i32 to index
        %get3A_141 = arith.constant 0 : index
        %get3A_142 = tpu.vector_load %arg11[%get3A, %get3A_141] {strides = array<i32>} : memref<64x128xf32, #tpu.memory_space<vmem>>, vector<1x16xf32>,
        %get3A_143 = vector.shape_cast %get3A_142 : vector<1x16xf32> to vector<16xf32>
        %get3A_144 = arith.index_cast %scan3A_140 : i32 to index
        %get3A_145 = arith.constant 0 : index
        %get3A_146 = tpu.vector_load %arg9[%get3A_144, %get3A_145] {strides = array<i32>} : memref<64x128xf32, #tpu.memory_space<vmem>>, vector<1x16xf32>,
        %get3A_147 = vector.shape_cast %get3A_146 : vector<1x16xf32> to vector<16xf32>
        %mul3A_148 = arith.mulf %get3A_143, %get3A_147 : vector<16xf32>
        %swap3A = arith.index_cast %scan3A_140 : i32 to index
        %swap3A_149 = arith.constant 0 : index
        %swap3A_150 = tpu.vector_load %arg11[%swap3A, %swap3A_149] {strides = array<i32>} : memref<64x128xf32, #tpu.memory_space<vmem>>, vector<1x16xf32>,
        %swap3A_151 = vector.shape_cast %swap3A_150 : vector<1x16xf32> to vector<16xf32>
        %swap3A_152 = vector.shape_cast %mul3A_148 : vector<16xf32> to vector<1x16xf32>
        tpu.vector_store %arg11[%swap3A, %swap3A_149], %swap3A_152 {strides = array<i32>} : memref<64x128xf32, #tpu.memory_space<vmem>>, vector<1x16xf32>,
        %get3A_153 = arith.index_cast %scan3A_140 : i32 to index
        %get3A_154 = arith.constant 16 : index
        %get3A_155 = tpu.vector_load %arg11[%get3A_153, %get3A_154] {strides = array<i32>} : memref<64x128xf32, #tpu.memory_space<vmem>>, vector<1x16xf32>,
        %get3A_156 = vector.shape_cast %get3A_155 : vector<1x16xf32> to vector<16xf32>
        %get3A_157 = arith.index_cast %scan3A_140 : i32 to index
        %get3A_158 = arith.constant 16 : index
        %get3A_159 = tpu.vector_load %arg9[%get3A_157, %get3A_158] {strides = array<i32>} : memref<64x128xf32, #tpu.memory_space<vmem>>, vector<1x16xf32>,
        %get3A_160 = vector.shape_cast %get3A_159 : vector<1x16xf32> to vector<16xf32>
        %mul3A_161 = arith.mulf %get3A_156, %get3A_160 : vector<16xf32>
        %swap3A_162 = arith.index_cast %scan3A_140 : i32 to index
        %swap3A_163 = arith.constant 16 : index
        %swap3A_164 = tpu.vector_load %arg11[%swap3A_162, %swap3A_163] {strides = array<i32>} : memref<64x128xf32, #tpu.memory_space<vmem>>, vector<1x16xf32>,
        %swap3A_165 = vector.shape_cast %swap3A_164 : vector<1x16xf32> to vector<16xf32>
        %swap3A_166 = vector.shape_cast %mul3A_161 : vector<16xf32> to vector<1x16xf32>
        tpu.vector_store %arg11[%swap3A_162, %swap3A_163], %swap3A_166 {strides = array<i32>} : memref<64x128xf32, #tpu.memory_space<vmem>>, vector<1x16xf32>,
        %get3A_167 = arith.index_cast %scan3A_140 : i32 to index
        %get3A_168 = arith.constant 32 : index
        %get3A_169 = tpu.vector_load %arg11[%get3A_167, %get3A_168] {strides = array<i32>} : memref<64x128xf32, #tpu.memory_space<vmem>>, vector<1x16xf32>,
        %get3A_170 = vector.shape_cast %get3A_169 : vector<1x16xf32> to vector<16xf32>
        %get3A_171 = arith.index_cast %scan3A_140 : i32 to index
        %get3A_172 = arith.constant 32 : index
        %get3A_173 = tpu.vector_load %arg9[%get3A_171, %get3A_172] {strides = array<i32>} : memref<64x128xf32, #tpu.memory_space<vmem>>, vector<1x16xf32>,
        %get3A_174 = vector.shape_cast %get3A_173 : vector<1x16xf32> to vector<16xf32>
        %mul3A_175 = arith.mulf %get3A_170, %get3A_174 : vector<16xf32>
        %swap3A_176 = arith.index_cast %scan3A_140 : i32 to index
        %swap3A_177 = arith.constant 32 : index
        %swap3A_178 = tpu.vector_load %arg11[%swap3A_176, %swap3A_177] {strides = array<i32>} : memref<64x128xf32, #tpu.memory_space<vmem>>, vector<1x16xf32>,
        %swap3A_179 = vector.shape_cast %swap3A_178 : vector<1x16xf32> to vector<16xf32>
        %swap3A_180 = vector.shape_cast %mul3A_175 : vector<16xf32> to vector<1x16xf32>
        tpu.vector_store %arg11[%swap3A_176, %swap3A_177], %swap3A_180 {strides = array<i32>} : memref<64x128xf32, #tpu.memory_space<vmem>>, vector<1x16xf32>,
        %get3A_181 = arith.index_cast %scan3A_140 : i32 to index
        %get3A_182 = arith.constant 48 : index
        %get3A_183 = tpu.vector_load %arg11[%get3A_181, %get3A_182] {strides = array<i32>} : memref<64x128xf32, #tpu.memory_space<vmem>>, vector<1x16xf32>,
        %get3A_184 = vector.shape_cast %get3A_183 : vector<1x16xf32> to vector<16xf32>
        %get3A_185 = arith.index_cast %scan3A_140 : i32 to index
        %get3A_186 = arith.constant 48 : index
        %get3A_187 = tpu.vector_load %arg9[%get3A_185, %get3A_186] {strides = array<i32>} : memref<64x128xf32, #tpu.memory_space<vmem>>, vector<1x16xf32>,
        %get3A_188 = vector.shape_cast %get3A_187 : vector<1x16xf32> to vector<16xf32>
        %mul3A_189 = arith.mulf %get3A_184, %get3A_188 : vector<16xf32>
        %swap3A_190 = arith.index_cast %scan3A_140 : i32 to index
        %swap3A_191 = arith.constant 48 : index
        %swap3A_192 = tpu.vector_load %arg11[%swap3A_190, %swap3A_191] {strides = array<i32>} : memref<64x128xf32, #tpu.memory_space<vmem>>, vector<1x16xf32>,
        %swap3A_193 = vector.shape_cast %swap3A_192 : vector<1x16xf32> to vector<16xf32>
        %swap3A_194 = vector.shape_cast %mul3A_189 : vector<16xf32> to vector<1x16xf32>
        tpu.vector_store %arg11[%swap3A_190, %swap3A_191], %swap3A_194 {strides = array<i32>} : memref<64x128xf32, #tpu.memory_space<vmem>>, vector<1x16xf32>,
        %get3A_195 = arith.index_cast %scan3A_140 : i32 to index
        %get3A_196 = arith.constant 64 : index
        %get3A_197 = tpu.vector_load %arg11[%get3A_195, %get3A_196] {strides = array<i32>} : memref<64x128xf32, #tpu.memory_space<vmem>>, vector<1x16xf32>,
        %get3A_198 = vector.shape_cast %get3A_197 : vector<1x16xf32> to vector<16xf32>
        %get3A_199 = arith.index_cast %scan3A_140 : i32 to index
        %get3A_200 = arith.constant 64 : index
        %get3A_201 = tpu.vector_load %arg9[%get3A_199, %get3A_200] {strides = array<i32>} : memref<64x128xf32, #tpu.memory_space<vmem>>, vector<1x16xf32>,
        %get3A_202 = vector.shape_cast %get3A_201 : vector<1x16xf32> to vector<16xf32>
        %mul3A_203 = arith.mulf %get3A_198, %get3A_202 : vector<16xf32>
        %swap3A_204 = arith.index_cast %scan3A_140 : i32 to index
        %swap3A_205 = arith.constant 64 : index
        %swap3A_206 = tpu.vector_load %arg11[%swap3A_204, %swap3A_205] {strides = array<i32>} : memref<64x128xf32, #tpu.memory_space<vmem>>, vector<1x16xf32>,
        %swap3A_207 = vector.shape_cast %swap3A_206 : vector<1x16xf32> to vector<16xf32>
        %swap3A_208 = vector.shape_cast %mul3A_203 : vector<16xf32> to vector<1x16xf32>
        tpu.vector_store %arg11[%swap3A_204, %swap3A_205], %swap3A_208 {strides = array<i32>} : memref<64x128xf32, #tpu.memory_space<vmem>>, vector<1x16xf32>,
        %get3A_209 = arith.index_cast %scan3A_140 : i32 to index
        %get3A_210 = arith.constant 80 : index
        %get3A_211 = tpu.vector_load %arg11[%get3A_209, %get3A_210] {strides = array<i32>} : memref<64x128xf32, #tpu.memory_space<vmem>>, vector<1x16xf32>,
        %get3A_212 = vector.shape_cast %get3A_211 : vector<1x16xf32> to vector<16xf32>
        %get3A_213 = arith.index_cast %scan3A_140 : i32 to index
        %get3A_214 = arith.constant 80 : index
        %get3A_215 = tpu.vector_load %arg9[%get3A_213, %get3A_214] {strides = array<i32>} : memref<64x128xf32, #tpu.memory_space<vmem>>, vector<1x16xf32>,
        %get3A_216 = vector.shape_cast %get3A_215 : vector<1x16xf32> to vector<16xf32>
        %mul3A_217 = arith.mulf %get3A_212, %get3A_216 : vector<16xf32>
        %swap3A_218 = arith.index_cast %scan3A_140 : i32 to index
        %swap3A_219 = arith.constant 80 : index
        %swap3A_220 = tpu.vector_load %arg11[%swap3A_218, %swap3A_219] {strides = array<i32>} : memref<64x128xf32, #tpu.memory_space<vmem>>, vector<1x16xf32>,
        %swap3A_221 = vector.shape_cast %swap3A_220 : vector<1x16xf32> to vector<16xf32>
        %swap3A_222 = vector.shape_cast %mul3A_217 : vector<16xf32> to vector<1x16xf32>
        tpu.vector_store %arg11[%swap3A_218, %swap3A_219], %swap3A_222 {strides = array<i32>} : memref<64x128xf32, #tpu.memory_space<vmem>>, vector<1x16xf32>,
        %get3A_223 = arith.index_cast %scan3A_140 : i32 to index
        %get3A_224 = arith.constant 96 : index
        %get3A_225 = tpu.vector_load %arg11[%get3A_223, %get3A_224] {strides = array<i32>} : memref<64x128xf32, #tpu.memory_space<vmem>>, vector<1x16xf32>,
        %get3A_226 = vector.shape_cast %get3A_225 : vector<1x16xf32> to vector<16xf32>
        %get3A_227 = arith.index_cast %scan3A_140 : i32 to index
        %get3A_228 = arith.constant 96 : index
        %get3A_229 = tpu.vector_load %arg9[%get3A_227, %get3A_228] {strides = array<i32>} : memref<64x128xf32, #tpu.memory_space<vmem>>, vector<1x16xf32>,
        %get3A_230 = vector.shape_cast %get3A_229 : vector<1x16xf32> to vector<16xf32>
        %mul3A_231 = arith.mulf %get3A_226, %get3A_230 : vector<16xf32>
        %swap3A_232 = arith.index_cast %scan3A_140 : i32 to index
        %swap3A_233 = arith.constant 96 : index
        %swap3A_234 = tpu.vector_load %arg11[%swap3A_232, %swap3A_233] {strides = array<i32>} : memref<64x128xf32, #tpu.memory_space<vmem>>, vector<1x16xf32>,
        %swap3A_235 = vector.shape_cast %swap3A_234 : vector<1x16xf32> to vector<16xf32>
        %swap3A_236 = vector.shape_cast %mul3A_231 : vector<16xf32> to vector<1x16xf32>
        tpu.vector_store %arg11[%swap3A_232, %swap3A_233], %swap3A_236 {strides = array<i32>} : memref<64x128xf32, #tpu.memory_space<vmem>>, vector<1x16xf32>,
        %get3A_237 = arith.index_cast %scan3A_140 : i32 to index
        %get3A_238 = arith.constant 112 : index
        %get3A_239 = tpu.vector_load %arg11[%get3A_237, %get3A_238] {strides = array<i32>} : memref<64x128xf32, #tpu.memory_space<vmem>>, vector<1x16xf32>,
        %get3A_240 = vector.shape_cast %get3A_239 : vector<1x16xf32> to vector<16xf32>
        %get3A_241 = arith.index_cast %scan3A_140 : i32 to index
        %get3A_242 = arith.constant 112 : index
        %get3A_243 = tpu.vector_load %arg9[%get3A_241, %get3A_242] {strides = array<i32>} : memref<64x128xf32, #tpu.memory_space<vmem>>, vector<1x16xf32>,
        %get3A_244 = vector.shape_cast %get3A_243 : vector<1x16xf32> to vector<16xf32>
        %mul3A_245 = arith.mulf %get3A_240, %get3A_244 : vector<16xf32>
        %swap3A_246 = arith.index_cast %scan3A_140 : i32 to index
        %swap3A_247 = arith.constant 112 : index
        %swap3A_248 = tpu.vector_load %arg11[%swap3A_246, %swap3A_247] {strides = array<i32>} : memref<64x128xf32, #tpu.memory_space<vmem>>, vector<1x16xf32>,
        %swap3A_249 = vector.shape_cast %swap3A_248 : vector<1x16xf32> to vector<16xf32>
        %swap3A_250 = vector.shape_cast %mul3A_245 : vector<16xf32> to vector<1x16xf32>
        tpu.vector_store %arg11[%swap3A_246, %swap3A_247], %swap3A_250 {strides = array<i32>} : memref<64x128xf32, #tpu.memory_space<vmem>>, vector<1x16xf32>,
      }
      %scan3A_103 = arith.constant 64 : i32
      %dma_wait3A_104 = arith.constant 0 : i32
      %dma_wait3A_105 = tpu.memref_slice %arg4[%dma_wait3A_104] : memref<640000xi32, #tpu.memory_space<hbm>> -> memref<64xi32, #tpu.memory_space<hbm>>
      %dma_wait3A_106 = arith.constant 0 : i32
      %dma_wait3A_107 = tpu.memref_slice %arg4[%dma_wait3A_106] : memref<640000xi32, #tpu.memory_space<hbm>> -> memref<64xi32, #tpu.memory_space<hbm>>
      tpu.wait_dma2 semaphore(%arg21 : memref<!tpu.dma_semaphore, #tpu.memory_space<semaphore_mem>>) src(%dma_wait3A_107 : memref<64xi32, #tpu.memory_space<hbm>>) dst(%arg7 : memref<64xi32, #tpu.memory_space<vmem>>)
      "tpu.region"() ({
        %run_scoped3A = tpu.sem_alloc : memref<!tpu.dma_semaphore, #tpu.memory_space<semaphore_mem>>
        %dma_start3A_140 = arith.constant 0 : i32
        %dma_start3A_141 = arith.constant 0 : i32
        %dma_start3A_142 = tpu.memref_slice %arg16[%dma_start3A_140, %dma_start3A_141] : memref<10240x128xf32, #tpu.memory_space<vmem_shared>> -> memref<10240x128xf32, #tpu.memory_space<vmem_shared>>
        tpu.enqueue_indirect_dma source(%arg11 : memref<64x128xf32, #tpu.memory_space<vmem>>) target(%dma_start3A_142 : memref<10240x128xf32, #tpu.memory_space<vmem_shared>>) offsets(%arg7 : memref<64xi32, #tpu.memory_space<vmem>>) semaphore(%run_scoped3A : memref<!tpu.dma_semaphore, #tpu.memory_space<semaphore_mem>>) {add = true}
        %dma_wait3A_143 = arith.constant 0 : i32
        %dma_wait3A_144 = arith.constant 0 : i32
        %dma_wait3A_145 = tpu.memref_slice %arg16[%dma_wait3A_143, %dma_wait3A_144] : memref<10240x128xf32, #tpu.memory_space<vmem_shared>> -> memref<10240x128xf32, #tpu.memory_space<vmem_shared>>
        tpu.wait_indirect_dma semaphore(%run_scoped3A : memref<!tpu.dma_semaphore, #tpu.memory_space<semaphore_mem>>) src(%arg11 : memref<64x128xf32, #tpu.memory_space<vmem>>) dst(%dma_wait3A_145 : memref<10240x128xf32, #tpu.memory_space<vmem_shared>>)
        tpu.yield
      }) : () -> ()
      %add3A_108 = arith.constant 2 : i32
      %add3A_109 = arith.addi %mul3A_86, %add3A_108 : i32
      %lt3A = arith.constant 78 : i32
      %lt3A_110 = arith.cmpi slt, %add3A_109, %lt3A : i32
      %convert_element_type3A = arith.extui %lt3A_110 : i1 to i32
      %cond3A = arith.constant 0 : i32
      %cond3A_111 = arith.cmpi ne, %convert_element_type3A, %cond3A : i32
      scf.if %cond3A_111 {
        %add3A_140 = arith.constant 2 : i32
        %add3A_141 = arith.addi %mul3A_86, %add3A_140 : i32
        %mul3A_142 = arith.constant 64 : i32
        %mul3A_143 = arith.muli %add3A_141, %mul3A_142 : i32
        %add3A_144 = arith.addi %mul3A_2, %mul3A_143 : i32
        %add3A_145 = arith.constant 320000 : i32
        %add3A_146 = arith.addi %add3A_145, %add3A_144 : i32
        %dma_start3A_147 = tpu.memref_slice %arg4[%add3A_146] : memref<640000xi32, #tpu.memory_space<hbm>> -> memref<64xi32, #tpu.memory_space<hbm>>
        %dma_start3A_148 = tpu.memref_slice %arg4[%add3A_146] : memref<640000xi32, #tpu.memory_space<hbm>> -> memref<64xi32, #tpu.memory_space<hbm>>
        tpu.enqueue_dma source(%dma_start3A_148 : memref<64xi32, #tpu.memory_space<hbm>>) target(%arg7 : memref<64xi32, #tpu.memory_space<vmem>>) target_semaphore(%arg21 : memref<!tpu.dma_semaphore, #tpu.memory_space<semaphore_mem>>)
        %dma_start3A_149 = arith.constant 0 : i32
        %dma_start3A_150 = tpu.memref_slice %arg3[%add3A_144, %dma_start3A_149] : memref<160000x128xf32, #tpu.memory_space<hbm>> -> memref<64x128xf32, #tpu.memory_space<hbm>>
        %dma_start3A_151 = arith.constant 0 : i32
        %dma_start3A_152 = tpu.memref_slice %arg3[%add3A_144, %dma_start3A_151] : memref<160000x128xf32, #tpu.memory_space<hbm>> -> memref<64x128xf32, #tpu.memory_space<hbm>>
        tpu.enqueue_dma source(%dma_start3A_152 : memref<64x128xf32, #tpu.memory_space<hbm>>) target(%arg11 : memref<64x128xf32, #tpu.memory_space<vmem>>) target_semaphore(%arg19 : memref<!tpu.dma_semaphore, #tpu.memory_space<semaphore_mem>>)
        %mul3A_153 = arith.constant 64 : i32
        %mul3A_154 = arith.muli %add3A_141, %mul3A_153 : i32
        %dma_start3A_155 = tpu.memref_slice %arg6[%mul3A_154] : memref<5000xi32, #tpu.memory_space<vmem>> -> memref<64xi32, #tpu.memory_space<vmem>>
        %dma_start3A_156 = arith.constant 0 : i32
        %dma_start3A_157 = arith.constant 0 : i32
        %dma_start3A_158 = tpu.memref_slice %arg2[%dma_start3A_156, %dma_start3A_157] : memref<10000x128xf32, #tpu.memory_space<hbm>> -> memref<10000x128xf32, #tpu.memory_space<hbm>>
        tpu.enqueue_indirect_dma source(%dma_start3A_158 : memref<10000x128xf32, #tpu.memory_space<hbm>>) target(%arg9 : memref<64x128xf32, #tpu.memory_space<vmem>>) offsets(%dma_start3A_155 : memref<64xi32, #tpu.memory_space<vmem>>) semaphore(%arg17 : memref<!tpu.dma_semaphore, #tpu.memory_space<semaphore_mem>>)
      } else {
      }
      %dma_wait3A_112 = arith.constant 0 : i32
      %dma_wait3A_113 = arith.constant 0 : i32
      %dma_wait3A_114 = tpu.memref_slice %arg3[%dma_wait3A_112, %dma_wait3A_113] : memref<160000x128xf32, #tpu.memory_space<hbm>> -> memref<64x128xf32, #tpu.memory_space<hbm>>
      %dma_wait3A_115 = arith.constant 0 : i32
      %dma_wait3A_116 = arith.constant 0 : i32
      %dma_wait3A_117 = tpu.memref_slice %arg3[%dma_wait3A_115, %dma_wait3A_116] : memref<160000x128xf32, #tpu.memory_space<hbm>> -> memref<64x128xf32, #tpu.memory_space<hbm>>
      tpu.wait_dma2 semaphore(%arg20 : memref<!tpu.dma_semaphore, #tpu.memory_space<semaphore_mem>>) src(%dma_wait3A_117 : memref<64x128xf32, #tpu.memory_space<hbm>>) dst(%arg12 : memref<64x128xf32, #tpu.memory_space<vmem>>)
      %dma_wait3A_118 = arith.constant 0 : i32
      %dma_wait3A_119 = arith.constant 0 : i32
      %dma_wait3A_120 = tpu.memref_slice %arg2[%dma_wait3A_118, %dma_wait3A_119] : memref<10000x128xf32, #tpu.memory_space<hbm>> -> memref<64x128xf32, #tpu.memory_space<hbm>>
      %dma_wait3A_121 = arith.constant 0 : i32
      %dma_wait3A_122 = arith.constant 0 : i32
      %dma_wait3A_123 = tpu.memref_slice %arg2[%dma_wait3A_121, %dma_wait3A_122] : memref<10000x128xf32, #tpu.memory_space<hbm>> -> memref<64x128xf32, #tpu.memory_space<hbm>>
      tpu.wait_dma2 semaphore(%arg18 : memref<!tpu.dma_semaphore, #tpu.memory_space<semaphore_mem>>) src(%dma_wait3A_123 : memref<64x128xf32, #tpu.memory_space<hbm>>) dst(%arg10 : memref<64x128xf32, #tpu.memory_space<vmem>>)
      %scan3A_124 = arith.constant 0 : i32
      %scan3A_125 = arith.constant 64 : i32
      %scan3A_126 = arith.addi %scan3A_124, %scan3A_125 : i32
      %scan3A_127 = arith.constant 1 : i32
      scf.for %scan3A_140 = %scan3A_124 to %scan3A_126 step %scan3A_127  : i32 {
        %get3A = arith.index_cast %scan3A_140 : i32 to index
        %get3A_141 = arith.constant 0 : index
        %get3A_142 = tpu.vector_load %arg12[%get3A, %get3A_141] {strides = array<i32>} : memref<64x128xf32, #tpu.memory_space<vmem>>, vector<1x16xf32>,
        %get3A_143 = vector.shape_cast %get3A_142 : vector<1x16xf32> to vector<16xf32>
        %get3A_144 = arith.index_cast %scan3A_140 : i32 to index
        %get3A_145 = arith.constant 0 : index
        %get3A_146 = tpu.vector_load %arg10[%get3A_144, %get3A_145] {strides = array<i32>} : memref<64x128xf32, #tpu.memory_space<vmem>>, vector<1x16xf32>,
        %get3A_147 = vector.shape_cast %get3A_146 : vector<1x16xf32> to vector<16xf32>
        %mul3A_148 = arith.mulf %get3A_143, %get3A_147 : vector<16xf32>
        %swap3A = arith.index_cast %scan3A_140 : i32 to index
        %swap3A_149 = arith.constant 0 : index
        %swap3A_150 = tpu.vector_load %arg12[%swap3A, %swap3A_149] {strides = array<i32>} : memref<64x128xf32, #tpu.memory_space<vmem>>, vector<1x16xf32>,
        %swap3A_151 = vector.shape_cast %swap3A_150 : vector<1x16xf32> to vector<16xf32>
        %swap3A_152 = vector.shape_cast %mul3A_148 : vector<16xf32> to vector<1x16xf32>
        tpu.vector_store %arg12[%swap3A, %swap3A_149], %swap3A_152 {strides = array<i32>} : memref<64x128xf32, #tpu.memory_space<vmem>>, vector<1x16xf32>,
        %get3A_153 = arith.index_cast %scan3A_140 : i32 to index
        %get3A_154 = arith.constant 16 : index
        %get3A_155 = tpu.vector_load %arg12[%get3A_153, %get3A_154] {strides = array<i32>} : memref<64x128xf32, #tpu.memory_space<vmem>>, vector<1x16xf32>,
        %get3A_156 = vector.shape_cast %get3A_155 : vector<1x16xf32> to vector<16xf32>
        %get3A_157 = arith.index_cast %scan3A_140 : i32 to index
        %get3A_158 = arith.constant 16 : index
        %get3A_159 = tpu.vector_load %arg10[%get3A_157, %get3A_158] {strides = array<i32>} : memref<64x128xf32, #tpu.memory_space<vmem>>, vector<1x16xf32>,
        %get3A_160 = vector.shape_cast %get3A_159 : vector<1x16xf32> to vector<16xf32>
        %mul3A_161 = arith.mulf %get3A_156, %get3A_160 : vector<16xf32>
        %swap3A_162 = arith.index_cast %scan3A_140 : i32 to index
        %swap3A_163 = arith.constant 16 : index
        %swap3A_164 = tpu.vector_load %arg12[%swap3A_162, %swap3A_163] {strides = array<i32>} : memref<64x128xf32, #tpu.memory_space<vmem>>, vector<1x16xf32>,
        %swap3A_165 = vector.shape_cast %swap3A_164 : vector<1x16xf32> to vector<16xf32>
        %swap3A_166 = vector.shape_cast %mul3A_161 : vector<16xf32> to vector<1x16xf32>
        tpu.vector_store %arg12[%swap3A_162, %swap3A_163], %swap3A_166 {strides = array<i32>} : memref<64x128xf32, #tpu.memory_space<vmem>>, vector<1x16xf32>,
        %get3A_167 = arith.index_cast %scan3A_140 : i32 to index
        %get3A_168 = arith.constant 32 : index
        %get3A_169 = tpu.vector_load %arg12[%get3A_167, %get3A_168] {strides = array<i32>} : memref<64x128xf32, #tpu.memory_space<vmem>>, vector<1x16xf32>,
        %get3A_170 = vector.shape_cast %get3A_169 : vector<1x16xf32> to vector<16xf32>
        %get3A_171 = arith.index_cast %scan3A_140 : i32 to index
        %get3A_172 = arith.constant 32 : index
        %get3A_173 = tpu.vector_load %arg10[%get3A_171, %get3A_172] {strides = array<i32>} : memref<64x128xf32, #tpu.memory_space<vmem>>, vector<1x16xf32>,
        %get3A_174 = vector.shape_cast %get3A_173 : vector<1x16xf32> to vector<16xf32>
        %mul3A_175 = arith.mulf %get3A_170, %get3A_174 : vector<16xf32>
        %swap3A_176 = arith.index_cast %scan3A_140 : i32 to index
        %swap3A_177 = arith.constant 32 : index
        %swap3A_178 = tpu.vector_load %arg12[%swap3A_176, %swap3A_177] {strides = array<i32>} : memref<64x128xf32, #tpu.memory_space<vmem>>, vector<1x16xf32>,
        %swap3A_179 = vector.shape_cast %swap3A_178 : vector<1x16xf32> to vector<16xf32>
        %swap3A_180 = vector.shape_cast %mul3A_175 : vector<16xf32> to vector<1x16xf32>
        tpu.vector_store %arg12[%swap3A_176, %swap3A_177], %swap3A_180 {strides = array<i32>} : memref<64x128xf32, #tpu.memory_space<vmem>>, vector<1x16xf32>,
        %get3A_181 = arith.index_cast %scan3A_140 : i32 to index
        %get3A_182 = arith.constant 48 : index
        %get3A_183 = tpu.vector_load %arg12[%get3A_181, %get3A_182] {strides = array<i32>} : memref<64x128xf32, #tpu.memory_space<vmem>>, vector<1x16xf32>,
        %get3A_184 = vector.shape_cast %get3A_183 : vector<1x16xf32> to vector<16xf32>
        %get3A_185 = arith.index_cast %scan3A_140 : i32 to index
        %get3A_186 = arith.constant 48 : index
        %get3A_187 = tpu.vector_load %arg10[%get3A_185, %get3A_186] {strides = array<i32>} : memref<64x128xf32, #tpu.memory_space<vmem>>, vector<1x16xf32>,
        %get3A_188 = vector.shape_cast %get3A_187 : vector<1x16xf32> to vector<16xf32>
        %mul3A_189 = arith.mulf %get3A_184, %get3A_188 : vector<16xf32>
        %swap3A_190 = arith.index_cast %scan3A_140 : i32 to index
        %swap3A_191 = arith.constant 48 : index
        %swap3A_192 = tpu.vector_load %arg12[%swap3A_190, %swap3A_191] {strides = array<i32>} : memref<64x128xf32, #tpu.memory_space<vmem>>, vector<1x16xf32>,
        %swap3A_193 = vector.shape_cast %swap3A_192 : vector<1x16xf32> to vector<16xf32>
        %swap3A_194 = vector.shape_cast %mul3A_189 : vector<16xf32> to vector<1x16xf32>
        tpu.vector_store %arg12[%swap3A_190, %swap3A_191], %swap3A_194 {strides = array<i32>} : memref<64x128xf32, #tpu.memory_space<vmem>>, vector<1x16xf32>,
        %get3A_195 = arith.index_cast %scan3A_140 : i32 to index
        %get3A_196 = arith.constant 64 : index
        %get3A_197 = tpu.vector_load %arg12[%get3A_195, %get3A_196] {strides = array<i32>} : memref<64x128xf32, #tpu.memory_space<vmem>>, vector<1x16xf32>,
        %get3A_198 = vector.shape_cast %get3A_197 : vector<1x16xf32> to vector<16xf32>
        %get3A_199 = arith.index_cast %scan3A_140 : i32 to index
        %get3A_200 = arith.constant 64 : index
        %get3A_201 = tpu.vector_load %arg10[%get3A_199, %get3A_200] {strides = array<i32>} : memref<64x128xf32, #tpu.memory_space<vmem>>, vector<1x16xf32>,
        %get3A_202 = vector.shape_cast %get3A_201 : vector<1x16xf32> to vector<16xf32>
        %mul3A_203 = arith.mulf %get3A_198, %get3A_202 : vector<16xf32>
        %swap3A_204 = arith.index_cast %scan3A_140 : i32 to index
        %swap3A_205 = arith.constant 64 : index
        %swap3A_206 = tpu.vector_load %arg12[%swap3A_204, %swap3A_205] {strides = array<i32>} : memref<64x128xf32, #tpu.memory_space<vmem>>, vector<1x16xf32>,
        %swap3A_207 = vector.shape_cast %swap3A_206 : vector<1x16xf32> to vector<16xf32>
        %swap3A_208 = vector.shape_cast %mul3A_203 : vector<16xf32> to vector<1x16xf32>
        tpu.vector_store %arg12[%swap3A_204, %swap3A_205], %swap3A_208 {strides = array<i32>} : memref<64x128xf32, #tpu.memory_space<vmem>>, vector<1x16xf32>,
        %get3A_209 = arith.index_cast %scan3A_140 : i32 to index
        %get3A_210 = arith.constant 80 : index
        %get3A_211 = tpu.vector_load %arg12[%get3A_209, %get3A_210] {strides = array<i32>} : memref<64x128xf32, #tpu.memory_space<vmem>>, vector<1x16xf32>,
        %get3A_212 = vector.shape_cast %get3A_211 : vector<1x16xf32> to vector<16xf32>
        %get3A_213 = arith.index_cast %scan3A_140 : i32 to index
        %get3A_214 = arith.constant 80 : index
        %get3A_215 = tpu.vector_load %arg10[%get3A_213, %get3A_214] {strides = array<i32>} : memref<64x128xf32, #tpu.memory_space<vmem>>, vector<1x16xf32>,
        %get3A_216 = vector.shape_cast %get3A_215 : vector<1x16xf32> to vector<16xf32>
        %mul3A_217 = arith.mulf %get3A_212, %get3A_216 : vector<16xf32>
        %swap3A_218 = arith.index_cast %scan3A_140 : i32 to index
        %swap3A_219 = arith.constant 80 : index
        %swap3A_220 = tpu.vector_load %arg12[%swap3A_218, %swap3A_219] {strides = array<i32>} : memref<64x128xf32, #tpu.memory_space<vmem>>, vector<1x16xf32>,
        %swap3A_221 = vector.shape_cast %swap3A_220 : vector<1x16xf32> to vector<16xf32>
        %swap3A_222 = vector.shape_cast %mul3A_217 : vector<16xf32> to vector<1x16xf32>
        tpu.vector_store %arg12[%swap3A_218, %swap3A_219], %swap3A_222 {strides = array<i32>} : memref<64x128xf32, #tpu.memory_space<vmem>>, vector<1x16xf32>,
        %get3A_223 = arith.index_cast %scan3A_140 : i32 to index
        %get3A_224 = arith.constant 96 : index
        %get3A_225 = tpu.vector_load %arg12[%get3A_223, %get3A_224] {strides = array<i32>} : memref<64x128xf32, #tpu.memory_space<vmem>>, vector<1x16xf32>,
        %get3A_226 = vector.shape_cast %get3A_225 : vector<1x16xf32> to vector<16xf32>
        %get3A_227 = arith.index_cast %scan3A_140 : i32 to index
        %get3A_228 = arith.constant 96 : index
        %get3A_229 = tpu.vector_load %arg10[%get3A_227, %get3A_228] {strides = array<i32>} : memref<64x128xf32, #tpu.memory_space<vmem>>, vector<1x16xf32>,
        %get3A_230 = vector.shape_cast %get3A_229 : vector<1x16xf32> to vector<16xf32>
        %mul3A_231 = arith.mulf %get3A_226, %get3A_230 : vector<16xf32>
        %swap3A_232 = arith.index_cast %scan3A_140 : i32 to index
        %swap3A_233 = arith.constant 96 : index
        %swap3A_234 = tpu.vector_load %arg12[%swap3A_232, %swap3A_233] {strides = array<i32>} : memref<64x128xf32, #tpu.memory_space<vmem>>, vector<1x16xf32>,
        %swap3A_235 = vector.shape_cast %swap3A_234 : vector<1x16xf32> to vector<16xf32>
        %swap3A_236 = vector.shape_cast %mul3A_231 : vector<16xf32> to vector<1x16xf32>
        tpu.vector_store %arg12[%swap3A_232, %swap3A_233], %swap3A_236 {strides = array<i32>} : memref<64x128xf32, #tpu.memory_space<vmem>>, vector<1x16xf32>,
        %get3A_237 = arith.index_cast %scan3A_140 : i32 to index
        %get3A_238 = arith.constant 112 : index
        %get3A_239 = tpu.vector_load %arg12[%get3A_237, %get3A_238] {strides = array<i32>} : memref<64x128xf32, #tpu.memory_space<vmem>>, vector<1x16xf32>,
        %get3A_240 = vector.shape_cast %get3A_239 : vector<1x16xf32> to vector<16xf32>
        %get3A_241 = arith.index_cast %scan3A_140 : i32 to index
        %get3A_242 = arith.constant 112 : index
        %get3A_243 = tpu.vector_load %arg10[%get3A_241, %get3A_242] {strides = array<i32>} : memref<64x128xf32, #tpu.memory_space<vmem>>, vector<1x16xf32>,
        %get3A_244 = vector.shape_cast %get3A_243 : vector<1x16xf32> to vector<16xf32>
        %mul3A_245 = arith.mulf %get3A_240, %get3A_244 : vector<16xf32>
        %swap3A_246 = arith.index_cast %scan3A_140 : i32 to index
        %swap3A_247 = arith.constant 112 : index
        %swap3A_248 = tpu.vector_load %arg12[%swap3A_246, %swap3A_247] {strides = array<i32>} : memref<64x128xf32, #tpu.memory_space<vmem>>, vector<1x16xf32>,
        %swap3A_249 = vector.shape_cast %swap3A_248 : vector<1x16xf32> to vector<16xf32>
        %swap3A_250 = vector.shape_cast %mul3A_245 : vector<16xf32> to vector<1x16xf32>
        tpu.vector_store %arg12[%swap3A_246, %swap3A_247], %swap3A_250 {strides = array<i32>} : memref<64x128xf32, #tpu.memory_space<vmem>>, vector<1x16xf32>,
      }
      %scan3A_128 = arith.constant 64 : i32
      %dma_wait3A_129 = arith.constant 0 : i32
      %dma_wait3A_130 = tpu.memref_slice %arg4[%dma_wait3A_129] : memref<640000xi32, #tpu.memory_space<hbm>> -> memref<64xi32, #tpu.memory_space<hbm>>
      %dma_wait3A_131 = arith.constant 0 : i32
      %dma_wait3A_132 = tpu.memref_slice %arg4[%dma_wait3A_131] : memref<640000xi32, #tpu.memory_space<hbm>> -> memref<64xi32, #tpu.memory_space<hbm>>
      tpu.wait_dma2 semaphore(%arg22 : memref<!tpu.dma_semaphore, #tpu.memory_space<semaphore_mem>>) src(%dma_wait3A_132 : memref<64xi32, #tpu.memory_space<hbm>>) dst(%arg8 : memref<64xi32, #tpu.memory_space<vmem>>)
      "tpu.region"() ({
        %run_scoped3A = tpu.sem_alloc : memref<!tpu.dma_semaphore, #tpu.memory_space<semaphore_mem>>
        %dma_start3A_140 = arith.constant 0 : i32
        %dma_start3A_141 = arith.constant 0 : i32
        %dma_start3A_142 = tpu.memref_slice %arg16[%dma_start3A_140, %dma_start3A_141] : memref<10240x128xf32, #tpu.memory_space<vmem_shared>> -> memref<10240x128xf32, #tpu.memory_space<vmem_shared>>
        tpu.enqueue_indirect_dma source(%arg12 : memref<64x128xf32, #tpu.memory_space<vmem>>) target(%dma_start3A_142 : memref<10240x128xf32, #tpu.memory_space<vmem_shared>>) offsets(%arg8 : memref<64xi32, #tpu.memory_space<vmem>>) semaphore(%run_scoped3A : memref<!tpu.dma_semaphore, #tpu.memory_space<semaphore_mem>>) {add = true}
        %dma_wait3A_143 = arith.constant 0 : i32
        %dma_wait3A_144 = arith.constant 0 : i32
        %dma_wait3A_145 = tpu.memref_slice %arg16[%dma_wait3A_143, %dma_wait3A_144] : memref<10240x128xf32, #tpu.memory_space<vmem_shared>> -> memref<10240x128xf32, #tpu.memory_space<vmem_shared>>
        tpu.wait_indirect_dma semaphore(%run_scoped3A : memref<!tpu.dma_semaphore, #tpu.memory_space<semaphore_mem>>) src(%arg12 : memref<64x128xf32, #tpu.memory_space<vmem>>) dst(%dma_wait3A_145 : memref<10240x128xf32, #tpu.memory_space<vmem_shared>>)
        tpu.yield
      }) : () -> ()
      %add3A_133 = arith.constant 3 : i32
      %add3A_134 = arith.addi %mul3A_86, %add3A_133 : i32
      %lt3A_135 = arith.constant 78 : i32
      %lt3A_136 = arith.cmpi slt, %add3A_134, %lt3A_135 : i32
      %convert_element_type3A_137 = arith.extui %lt3A_136 : i1 to i32
      %cond3A_138 = arith.constant 0 : i32
      %cond3A_139 = arith.cmpi ne, %convert_element_type3A_137, %cond3A_138 : i32
      scf.if %cond3A_139 {
        %add3A_140 = arith.constant 3 : i32
        %add3A_141 = arith.addi %mul3A_86, %add3A_140 : i32
        %mul3A_142 = arith.constant 64 : i32
        %mul3A_143 = arith.muli %add3A_141, %mul3A_142 : i32
        %add3A_144 = arith.addi %mul3A_2, %mul3A_143 : i32
        %add3A_145 = arith.constant 320000 : i32
        %add3A_146 = arith.addi %add3A_145, %add3A_144 : i32
        %dma_start3A_147 = tpu.memref_slice %arg4[%add3A_146] : memref<640000xi32, #tpu.memory_space<hbm>> -> memref<64xi32, #tpu.memory_space<hbm>>
        %dma_start3A_148 = tpu.memref_slice %arg4[%add3A_146] : memref<640000xi32, #tpu.memory_space<hbm>> -> memref<64xi32, #tpu.memory_space<hbm>>
        tpu.enqueue_dma source(%dma_start3A_148 : memref<64xi32, #tpu.memory_space<hbm>>) target(%arg8 : memref<64xi32, #tpu.memory_space<vmem>>) target_semaphore(%arg22 : memref<!tpu.dma_semaphore, #tpu.memory_space<semaphore_mem>>)
        %dma_start3A_149 = arith.constant 0 : i32
        %dma_start3A_150 = tpu.memref_slice %arg3[%add3A_144, %dma_start3A_149] : memref<160000x128xf32, #tpu.memory_space<hbm>> -> memref<64x128xf32, #tpu.memory_space<hbm>>
        %dma_start3A_151 = arith.constant 0 : i32
        %dma_start3A_152 = tpu.memref_slice %arg3[%add3A_144, %dma_start3A_151] : memref<160000x128xf32, #tpu.memory_space<hbm>> -> memref<64x128xf32, #tpu.memory_space<hbm>>
        tpu.enqueue_dma source(%dma_start3A_152 : memref<64x128xf32, #tpu.memory_space<hbm>>) target(%arg12 : memref<64x128xf32, #tpu.memory_space<vmem>>) target_semaphore(%arg20 : memref<!tpu.dma_semaphore, #tpu.memory_space<semaphore_mem>>)
        %mul3A_153 = arith.constant 64 : i32
        %mul3A_154 = arith.muli %add3A_141, %mul3A_153 : i32
        %dma_start3A_155 = tpu.memref_slice %arg6[%mul3A_154] : memref<5000xi32, #tpu.memory_space<vmem>> -> memref<64xi32, #tpu.memory_space<vmem>>
        %dma_start3A_156 = arith.constant 0 : i32
        %dma_start3A_157 = arith.constant 0 : i32
        %dma_start3A_158 = tpu.memref_slice %arg2[%dma_start3A_156, %dma_start3A_157] : memref<10000x128xf32, #tpu.memory_space<hbm>> -> memref<10000x128xf32, #tpu.memory_space<hbm>>
        tpu.enqueue_indirect_dma source(%dma_start3A_158 : memref<10000x128xf32, #tpu.memory_space<hbm>>) target(%arg10 : memref<64x128xf32, #tpu.memory_space<vmem>>) offsets(%dma_start3A_155 : memref<64xi32, #tpu.memory_space<vmem>>) semaphore(%arg18 : memref<!tpu.dma_semaphore, #tpu.memory_space<semaphore_mem>>)
      } else {
      }
    }
    %scan3A_64 = arith.constant 39 : i32
    %add3A_65 = arith.constant 4992 : i32
    %add3A_66 = arith.addi %mul3A_2, %add3A_65 : i32
    %add3A_67 = arith.constant 320000 : i32
    %add3A_68 = arith.addi %add3A_67, %add3A_66 : i32
    "tpu.region"() ({
      %run_scoped3A = tpu.sem_alloc : memref<!tpu.dma_semaphore, #tpu.memory_space<semaphore_mem>>
      %dma_start3A_84 = tpu.memref_slice %arg4[%add3A_68] : memref<640000xi32, #tpu.memory_space<hbm>> -> memref<8xi32, #tpu.memory_space<hbm>>
      %dma_start3A_85 = tpu.memref_slice %arg4[%add3A_68] : memref<640000xi32, #tpu.memory_space<hbm>> -> memref<8xi32, #tpu.memory_space<hbm>>
      tpu.enqueue_dma source(%dma_start3A_85 : memref<8xi32, #tpu.memory_space<hbm>>) target(%arg13 : memref<8xi32, #tpu.memory_space<vmem>>) target_semaphore(%run_scoped3A : memref<!tpu.dma_semaphore, #tpu.memory_space<semaphore_mem>>)
      %dma_wait3A_86 = tpu.memref_slice %arg4[%add3A_68] : memref<640000xi32, #tpu.memory_space<hbm>> -> memref<8xi32, #tpu.memory_space<hbm>>
      %dma_wait3A_87 = tpu.memref_slice %arg4[%add3A_68] : memref<640000xi32, #tpu.memory_space<hbm>> -> memref<8xi32, #tpu.memory_space<hbm>>
      tpu.wait_dma2 semaphore(%run_scoped3A : memref<!tpu.dma_semaphore, #tpu.memory_space<semaphore_mem>>) src(%dma_wait3A_87 : memref<8xi32, #tpu.memory_space<hbm>>) dst(%arg13 : memref<8xi32, #tpu.memory_space<vmem>>)
      tpu.yield
    }) : () -> ()
    %dma_start3A_69 = arith.constant 4992 : i32
    %dma_start3A_70 = tpu.memref_slice %arg6[%dma_start3A_69] : memref<5000xi32, #tpu.memory_space<vmem>> -> memref<8xi32, #tpu.memory_space<vmem>>
    %dma_start3A_71 = arith.constant 0 : i32
    %dma_start3A_72 = arith.constant 0 : i32
    %dma_start3A_73 = tpu.memref_slice %arg2[%dma_start3A_71, %dma_start3A_72] : memref<10000x128xf32, #tpu.memory_space<hbm>> -> memref<10000x128xf32, #tpu.memory_space<hbm>>
    tpu.enqueue_indirect_dma source(%dma_start3A_73 : memref<10000x128xf32, #tpu.memory_space<hbm>>) target(%arg14 : memref<8x128xf32, #tpu.memory_space<vmem>>) offsets(%dma_start3A_70 : memref<8xi32, #tpu.memory_space<vmem>>) semaphore(%arg17 : memref<!tpu.dma_semaphore, #tpu.memory_space<semaphore_mem>>)
    %dma_wait3A = arith.constant 4992 : i32
    %dma_wait3A_74 = tpu.memref_slice %arg6[%dma_wait3A] : memref<5000xi32, #tpu.memory_space<vmem>> -> memref<8xi32, #tpu.memory_space<vmem>>
    %dma_wait3A_75 = arith.constant 0 : i32
    %dma_wait3A_76 = arith.constant 0 : i32
    %dma_wait3A_77 = tpu.memref_slice %arg2[%dma_wait3A_75, %dma_wait3A_76] : memref<10000x128xf32, #tpu.memory_space<hbm>> -> memref<10000x128xf32, #tpu.memory_space<hbm>>
    tpu.wait_indirect_dma semaphore(%arg17 : memref<!tpu.dma_semaphore, #tpu.memory_space<semaphore_mem>>) src(%dma_wait3A_77 : memref<10000x128xf32, #tpu.memory_space<hbm>>) dst(%arg14 : memref<8x128xf32, #tpu.memory_space<vmem>>)
    "tpu.region"() ({
      %run_scoped3A = tpu.sem_alloc : memref<!tpu.dma_semaphore, #tpu.memory_space<semaphore_mem>>
      %dma_start3A_84 = arith.constant 0 : i32
      %dma_start3A_85 = tpu.memref_slice %arg3[%add3A_66, %dma_start3A_84] : memref<160000x128xf32, #tpu.memory_space<hbm>> -> memref<8x128xf32, #tpu.memory_space<hbm>>
      %dma_start3A_86 = arith.constant 0 : i32
      %dma_start3A_87 = tpu.memref_slice %arg3[%add3A_66, %dma_start3A_86] : memref<160000x128xf32, #tpu.memory_space<hbm>> -> memref<8x128xf32, #tpu.memory_space<hbm>>
      tpu.enqueue_dma source(%dma_start3A_87 : memref<8x128xf32, #tpu.memory_space<hbm>>) target(%arg15 : memref<8x128xf32, #tpu.memory_space<vmem>>) target_semaphore(%run_scoped3A : memref<!tpu.dma_semaphore, #tpu.memory_space<semaphore_mem>>)
      %dma_wait3A_88 = arith.constant 0 : i32
      %dma_wait3A_89 = tpu.memref_slice %arg3[%add3A_66, %dma_wait3A_88] : memref<160000x128xf32, #tpu.memory_space<hbm>> -> memref<8x128xf32, #tpu.memory_space<hbm>>
      %dma_wait3A_90 = arith.constant 0 : i32
      %dma_wait3A_91 = tpu.memref_slice %arg3[%add3A_66, %dma_wait3A_90] : memref<160000x128xf32, #tpu.memory_space<hbm>> -> memref<8x128xf32, #tpu.memory_space<hbm>>
      tpu.wait_dma2 semaphore(%run_scoped3A : memref<!tpu.dma_semaphore, #tpu.memory_space<semaphore_mem>>) src(%dma_wait3A_91 : memref<8x128xf32, #tpu.memory_space<hbm>>) dst(%arg15 : memref<8x128xf32, #tpu.memory_space<vmem>>)
      tpu.yield
    }) : () -> ()
    %scan3A_78 = arith.constant 0 : i32
    %scan3A_79 = arith.constant 8 : i32
    %scan3A_80 = arith.addi %scan3A_78, %scan3A_79 : i32
    %scan3A_81 = arith.constant 1 : i32
    scf.for %scan3A_84 = %scan3A_78 to %scan3A_80 step %scan3A_81  : i32 {
      %get3A = arith.index_cast %scan3A_84 : i32 to index
      %get3A_85 = arith.constant 0 : index
      %get3A_86 = tpu.vector_load %arg15[%get3A, %get3A_85] {strides = array<i32>} : memref<8x128xf32, #tpu.memory_space<vmem>>, vector<1x16xf32>,
      %get3A_87 = vector.shape_cast %get3A_86 : vector<1x16xf32> to vector<16xf32>
      %get3A_88 = arith.index_cast %scan3A_84 : i32 to index
      %get3A_89 = arith.constant 0 : index
      %get3A_90 = tpu.vector_load %arg14[%get3A_88, %get3A_89] {strides = array<i32>} : memref<8x128xf32, #tpu.memory_space<vmem>>, vector<1x16xf32>,
      %get3A_91 = vector.shape_cast %get3A_90 : vector<1x16xf32> to vector<16xf32>
      %mul3A_92 = arith.mulf %get3A_87, %get3A_91 : vector<16xf32>
      %swap3A = arith.index_cast %scan3A_84 : i32 to index
      %swap3A_93 = arith.constant 0 : index
      %swap3A_94 = tpu.vector_load %arg15[%swap3A, %swap3A_93] {strides = array<i32>} : memref<8x128xf32, #tpu.memory_space<vmem>>, vector<1x16xf32>,
      %swap3A_95 = vector.shape_cast %swap3A_94 : vector<1x16xf32> to vector<16xf32>
      %swap3A_96 = vector.shape_cast %mul3A_92 : vector<16xf32> to vector<1x16xf32>
      tpu.vector_store %arg15[%swap3A, %swap3A_93], %swap3A_96 {strides = array<i32>} : memref<8x128xf32, #tpu.memory_space<vmem>>, vector<1x16xf32>,
      %get3A_97 = arith.index_cast %scan3A_84 : i32 to index
      %get3A_98 = arith.constant 16 : index
      %get3A_99 = tpu.vector_load %arg15[%get3A_97, %get3A_98] {strides = array<i32>} : memref<8x128xf32, #tpu.memory_space<vmem>>, vector<1x16xf32>,
      %get3A_100 = vector.shape_cast %get3A_99 : vector<1x16xf32> to vector<16xf32>
      %get3A_101 = arith.index_cast %scan3A_84 : i32 to index
      %get3A_102 = arith.constant 16 : index
      %get3A_103 = tpu.vector_load %arg14[%get3A_101, %get3A_102] {strides = array<i32>} : memref<8x128xf32, #tpu.memory_space<vmem>>, vector<1x16xf32>,
      %get3A_104 = vector.shape_cast %get3A_103 : vector<1x16xf32> to vector<16xf32>
      %mul3A_105 = arith.mulf %get3A_100, %get3A_104 : vector<16xf32>
      %swap3A_106 = arith.index_cast %scan3A_84 : i32 to index
      %swap3A_107 = arith.constant 16 : index
      %swap3A_108 = tpu.vector_load %arg15[%swap3A_106, %swap3A_107] {strides = array<i32>} : memref<8x128xf32, #tpu.memory_space<vmem>>, vector<1x16xf32>,
      %swap3A_109 = vector.shape_cast %swap3A_108 : vector<1x16xf32> to vector<16xf32>
      %swap3A_110 = vector.shape_cast %mul3A_105 : vector<16xf32> to vector<1x16xf32>
      tpu.vector_store %arg15[%swap3A_106, %swap3A_107], %swap3A_110 {strides = array<i32>} : memref<8x128xf32, #tpu.memory_space<vmem>>, vector<1x16xf32>,
      %get3A_111 = arith.index_cast %scan3A_84 : i32 to index
      %get3A_112 = arith.constant 32 : index
      %get3A_113 = tpu.vector_load %arg15[%get3A_111, %get3A_112] {strides = array<i32>} : memref<8x128xf32, #tpu.memory_space<vmem>>, vector<1x16xf32>,
      %get3A_114 = vector.shape_cast %get3A_113 : vector<1x16xf32> to vector<16xf32>
      %get3A_115 = arith.index_cast %scan3A_84 : i32 to index
      %get3A_116 = arith.constant 32 : index
      %get3A_117 = tpu.vector_load %arg14[%get3A_115, %get3A_116] {strides = array<i32>} : memref<8x128xf32, #tpu.memory_space<vmem>>, vector<1x16xf32>,
      %get3A_118 = vector.shape_cast %get3A_117 : vector<1x16xf32> to vector<16xf32>
      %mul3A_119 = arith.mulf %get3A_114, %get3A_118 : vector<16xf32>
      %swap3A_120 = arith.index_cast %scan3A_84 : i32 to index
      %swap3A_121 = arith.constant 32 : index
      %swap3A_122 = tpu.vector_load %arg15[%swap3A_120, %swap3A_121] {strides = array<i32>} : memref<8x128xf32, #tpu.memory_space<vmem>>, vector<1x16xf32>,
      %swap3A_123 = vector.shape_cast %swap3A_122 : vector<1x16xf32> to vector<16xf32>
      %swap3A_124 = vector.shape_cast %mul3A_119 : vector<16xf32> to vector<1x16xf32>
      tpu.vector_store %arg15[%swap3A_120, %swap3A_121], %swap3A_124 {strides = array<i32>} : memref<8x128xf32, #tpu.memory_space<vmem>>, vector<1x16xf32>,
      %get3A_125 = arith.index_cast %scan3A_84 : i32 to index
      %get3A_126 = arith.constant 48 : index
      %get3A_127 = tpu.vector_load %arg15[%get3A_125, %get3A_126] {strides = array<i32>} : memref<8x128xf32, #tpu.memory_space<vmem>>, vector<1x16xf32>,
      %get3A_128 = vector.shape_cast %get3A_127 : vector<1x16xf32> to vector<16xf32>
      %get3A_129 = arith.index_cast %scan3A_84 : i32 to index
      %get3A_130 = arith.constant 48 : index
      %get3A_131 = tpu.vector_load %arg14[%get3A_129, %get3A_130] {strides = array<i32>} : memref<8x128xf32, #tpu.memory_space<vmem>>, vector<1x16xf32>,
      %get3A_132 = vector.shape_cast %get3A_131 : vector<1x16xf32> to vector<16xf32>
      %mul3A_133 = arith.mulf %get3A_128, %get3A_132 : vector<16xf32>
      %swap3A_134 = arith.index_cast %scan3A_84 : i32 to index
      %swap3A_135 = arith.constant 48 : index
      %swap3A_136 = tpu.vector_load %arg15[%swap3A_134, %swap3A_135] {strides = array<i32>} : memref<8x128xf32, #tpu.memory_space<vmem>>, vector<1x16xf32>,
      %swap3A_137 = vector.shape_cast %swap3A_136 : vector<1x16xf32> to vector<16xf32>
      %swap3A_138 = vector.shape_cast %mul3A_133 : vector<16xf32> to vector<1x16xf32>
      tpu.vector_store %arg15[%swap3A_134, %swap3A_135], %swap3A_138 {strides = array<i32>} : memref<8x128xf32, #tpu.memory_space<vmem>>, vector<1x16xf32>,
      %get3A_139 = arith.index_cast %scan3A_84 : i32 to index
      %get3A_140 = arith.constant 64 : index
      %get3A_141 = tpu.vector_load %arg15[%get3A_139, %get3A_140] {strides = array<i32>} : memref<8x128xf32, #tpu.memory_space<vmem>>, vector<1x16xf32>,
      %get3A_142 = vector.shape_cast %get3A_141 : vector<1x16xf32> to vector<16xf32>
      %get3A_143 = arith.index_cast %scan3A_84 : i32 to index
      %get3A_144 = arith.constant 64 : index
      %get3A_145 = tpu.vector_load %arg14[%get3A_143, %get3A_144] {strides = array<i32>} : memref<8x128xf32, #tpu.memory_space<vmem>>, vector<1x16xf32>,
      %get3A_146 = vector.shape_cast %get3A_145 : vector<1x16xf32> to vector<16xf32>
      %mul3A_147 = arith.mulf %get3A_142, %get3A_146 : vector<16xf32>
      %swap3A_148 = arith.index_cast %scan3A_84 : i32 to index
      %swap3A_149 = arith.constant 64 : index
      %swap3A_150 = tpu.vector_load %arg15[%swap3A_148, %swap3A_149] {strides = array<i32>} : memref<8x128xf32, #tpu.memory_space<vmem>>, vector<1x16xf32>,
      %swap3A_151 = vector.shape_cast %swap3A_150 : vector<1x16xf32> to vector<16xf32>
      %swap3A_152 = vector.shape_cast %mul3A_147 : vector<16xf32> to vector<1x16xf32>
      tpu.vector_store %arg15[%swap3A_148, %swap3A_149], %swap3A_152 {strides = array<i32>} : memref<8x128xf32, #tpu.memory_space<vmem>>, vector<1x16xf32>,
      %get3A_153 = arith.index_cast %scan3A_84 : i32 to index
      %get3A_154 = arith.constant 80 : index
      %get3A_155 = tpu.vector_load %arg15[%get3A_153, %get3A_154] {strides = array<i32>} : memref<8x128xf32, #tpu.memory_space<vmem>>, vector<1x16xf32>,
      %get3A_156 = vector.shape_cast %get3A_155 : vector<1x16xf32> to vector<16xf32>
      %get3A_157 = arith.index_cast %scan3A_84 : i32 to index
      %get3A_158 = arith.constant 80 : index
      %get3A_159 = tpu.vector_load %arg14[%get3A_157, %get3A_158] {strides = array<i32>} : memref<8x128xf32, #tpu.memory_space<vmem>>, vector<1x16xf32>,
      %get3A_160 = vector.shape_cast %get3A_159 : vector<1x16xf32> to vector<16xf32>
      %mul3A_161 = arith.mulf %get3A_156, %get3A_160 : vector<16xf32>
      %swap3A_162 = arith.index_cast %scan3A_84 : i32 to index
      %swap3A_163 = arith.constant 80 : index
      %swap3A_164 = tpu.vector_load %arg15[%swap3A_162, %swap3A_163] {strides = array<i32>} : memref<8x128xf32, #tpu.memory_space<vmem>>, vector<1x16xf32>,
      %swap3A_165 = vector.shape_cast %swap3A_164 : vector<1x16xf32> to vector<16xf32>
      %swap3A_166 = vector.shape_cast %mul3A_161 : vector<16xf32> to vector<1x16xf32>
      tpu.vector_store %arg15[%swap3A_162, %swap3A_163], %swap3A_166 {strides = array<i32>} : memref<8x128xf32, #tpu.memory_space<vmem>>, vector<1x16xf32>,
      %get3A_167 = arith.index_cast %scan3A_84 : i32 to index
      %get3A_168 = arith.constant 96 : index
      %get3A_169 = tpu.vector_load %arg15[%get3A_167, %get3A_168] {strides = array<i32>} : memref<8x128xf32, #tpu.memory_space<vmem>>, vector<1x16xf32>,
      %get3A_170 = vector.shape_cast %get3A_169 : vector<1x16xf32> to vector<16xf32>
      %get3A_171 = arith.index_cast %scan3A_84 : i32 to index
      %get3A_172 = arith.constant 96 : index
      %get3A_173 = tpu.vector_load %arg14[%get3A_171, %get3A_172] {strides = array<i32>} : memref<8x128xf32, #tpu.memory_space<vmem>>, vector<1x16xf32>,
      %get3A_174 = vector.shape_cast %get3A_173 : vector<1x16xf32> to vector<16xf32>
      %mul3A_175 = arith.mulf %get3A_170, %get3A_174 : vector<16xf32>
      %swap3A_176 = arith.index_cast %scan3A_84 : i32 to index
      %swap3A_177 = arith.constant 96 : index
      %swap3A_178 = tpu.vector_load %arg15[%swap3A_176, %swap3A_177] {strides = array<i32>} : memref<8x128xf32, #tpu.memory_space<vmem>>, vector<1x16xf32>,
      %swap3A_179 = vector.shape_cast %swap3A_178 : vector<1x16xf32> to vector<16xf32>
      %swap3A_180 = vector.shape_cast %mul3A_175 : vector<16xf32> to vector<1x16xf32>
      tpu.vector_store %arg15[%swap3A_176, %swap3A_177], %swap3A_180 {strides = array<i32>} : memref<8x128xf32, #tpu.memory_space<vmem>>, vector<1x16xf32>,
      %get3A_181 = arith.index_cast %scan3A_84 : i32 to index
      %get3A_182 = arith.constant 112 : index
      %get3A_183 = tpu.vector_load %arg15[%get3A_181, %get3A_182] {strides = array<i32>} : memref<8x128xf32, #tpu.memory_space<vmem>>, vector<1x16xf32>,
      %get3A_184 = vector.shape_cast %get3A_183 : vector<1x16xf32> to vector<16xf32>
      %get3A_185 = arith.index_cast %scan3A_84 : i32 to index
      %get3A_186 = arith.constant 112 : index
      %get3A_187 = tpu.vector_load %arg14[%get3A_185, %get3A_186] {strides = array<i32>} : memref<8x128xf32, #tpu.memory_space<vmem>>, vector<1x16xf32>,
      %get3A_188 = vector.shape_cast %get3A_187 : vector<1x16xf32> to vector<16xf32>
      %mul3A_189 = arith.mulf %get3A_184, %get3A_188 : vector<16xf32>
      %swap3A_190 = arith.index_cast %scan3A_84 : i32 to index
      %swap3A_191 = arith.constant 112 : index
      %swap3A_192 = tpu.vector_load %arg15[%swap3A_190, %swap3A_191] {strides = array<i32>} : memref<8x128xf32, #tpu.memory_space<vmem>>, vector<1x16xf32>,
      %swap3A_193 = vector.shape_cast %swap3A_192 : vector<1x16xf32> to vector<16xf32>
      %swap3A_194 = vector.shape_cast %mul3A_189 : vector<16xf32> to vector<1x16xf32>
      tpu.vector_store %arg15[%swap3A_190, %swap3A_191], %swap3A_194 {strides = array<i32>} : memref<8x128xf32, #tpu.memory_space<vmem>>, vector<1x16xf32>,
    }
    %scan3A_82 = arith.constant 8 : i32
    "tpu.region"() ({
      %run_scoped3A = tpu.sem_alloc : memref<!tpu.dma_semaphore, #tpu.memory_space<semaphore_mem>>
      %dma_start3A_84 = arith.constant 0 : i32
      %dma_start3A_85 = arith.constant 0 : i32
      %dma_start3A_86 = tpu.memref_slice %arg16[%dma_start3A_84, %dma_start3A_85] : memref<10240x128xf32, #tpu.memory_space<vmem_shared>> -> memref<10240x128xf32, #tpu.memory_space<vmem_shared>>
      tpu.enqueue_indirect_dma source(%arg15 : memref<8x128xf32, #tpu.memory_space<vmem>>) target(%dma_start3A_86 : memref<10240x128xf32, #tpu.memory_space<vmem_shared>>) offsets(%arg13 : memref<8xi32, #tpu.memory_space<vmem>>) semaphore(%run_scoped3A : memref<!tpu.dma_semaphore, #tpu.memory_space<semaphore_mem>>) {add = true}
      %dma_wait3A_87 = arith.constant 0 : i32
      %dma_wait3A_88 = arith.constant 0 : i32
      %dma_wait3A_89 = tpu.memref_slice %arg16[%dma_wait3A_87, %dma_wait3A_88] : memref<10240x128xf32, #tpu.memory_space<vmem_shared>> -> memref<10240x128xf32, #tpu.memory_space<vmem_shared>>
      tpu.wait_indirect_dma semaphore(%run_scoped3A : memref<!tpu.dma_semaphore, #tpu.memory_space<semaphore_mem>>) src(%arg15 : memref<8x128xf32, #tpu.memory_space<vmem>>) dst(%dma_wait3A_89 : memref<10240x128xf32, #tpu.memory_space<vmem_shared>>)
      tpu.yield
    }) : () -> ()
    %barrier3A_83 = arith.constant 0 : index
    tpu.barrier barrier_id(%barrier3A_83)
    "tpu.region"() ({
      %run_scoped3A = tpu.sem_alloc : memref<!tpu.dma_semaphore, #tpu.memory_space<semaphore_mem>>
      %dma_start3A_84 = arith.constant 0 : i32
      %dma_start3A_85 = tpu.memref_slice %arg5[%arg0, %mul3A_10, %dma_start3A_84] : memref<2x10240x128xf32, #tpu.memory_space<hbm>> -> memref<1x640x128xf32, #tpu.memory_space<hbm>>
      %dma_start3A_86 = tpu.memref_squeeze %dma_start3A_85 : memref<1x640x128xf32, #tpu.memory_space<hbm>> -> memref<640x128xf32, #tpu.memory_space<hbm>>
      %dma_start3A_87 = arith.constant 0 : i32
      %dma_start3A_88 = tpu.memref_slice %arg16[%mul3A_10, %dma_start3A_87] : memref<10240x128xf32, #tpu.memory_space<vmem_shared>> -> memref<640x128xf32, #tpu.memory_space<vmem_shared>>
      tpu.enqueue_dma source(%dma_start3A_88 : memref<640x128xf32, #tpu.memory_space<vmem_shared>>) target(%dma_start3A_86 : memref<640x128xf32, #tpu.memory_space<hbm>>) target_semaphore(%run_scoped3A : memref<!tpu.dma_semaphore, #tpu.memory_space<semaphore_mem>>)
      %dma_wait3A_89 = arith.constant 0 : i32
      %dma_wait3A_90 = tpu.memref_slice %arg5[%arg0, %mul3A_10, %dma_wait3A_89] : memref<2x10240x128xf32, #tpu.memory_space<hbm>> -> memref<1x640x128xf32, #tpu.memory_space<hbm>>
      %dma_wait3A_91 = tpu.memref_squeeze %dma_wait3A_90 : memref<1x640x128xf32, #tpu.memory_space<hbm>> -> memref<640x128xf32, #tpu.memory_space<hbm>>
      %dma_wait3A_92 = arith.constant 0 : i32
      %dma_wait3A_93 = tpu.memref_slice %arg16[%mul3A_10, %dma_wait3A_92] : memref<10240x128xf32, #tpu.memory_space<vmem_shared>> -> memref<640x128xf32, #tpu.memory_space<vmem_shared>>
      tpu.wait_dma2 semaphore(%run_scoped3A : memref<!tpu.dma_semaphore, #tpu.memory_space<semaphore_mem>>) src(%dma_wait3A_93 : memref<640x128xf32, #tpu.memory_space<vmem_shared>>) dst(%dma_wait3A_91 : memref<640x128xf32, #tpu.memory_space<hbm>>)
      tpu.yield
    }) : () -> ()
    return
  }
}

module attributes {stable_mosaic.version = 14 : i64} {
  func.func @_radial_body(%arg0: i32, %arg1: memref<16x6400xf32, #tpu.memory_space<vmem>>, %arg2: memref<1x6400xf32, #tpu.memory_space<vmem>>, %arg3: memref<16x32xf32, #tpu.memory_space<vmem>>, %arg4: memref<32x1xf32, #tpu.memory_space<vmem>>, %arg5: memref<32x128xf32, #tpu.memory_space<vmem>>, %arg6: memref<1x128xf32, #tpu.memory_space<vmem>>, %arg7: memref<6400x128xf32, #tpu.memory_space<vmem>>) attributes {dimension_semantics = [#tpu.dimension_semantics<arbitrary>], iteration_bounds = array<i64: 25>, scalar_prefetch = 0 : i64, scratch_operands = 0 : i64, tpu.core_type = #tpu.core_type<tc>, window_params = [{transform_indices = @transform_0, window_bounds = array<i64: 16, 6400>}, {transform_indices = @transform_1, window_bounds = array<i64: 1, 6400>}, {pipeline_mode = #tpu.pipeline_mode<synchronous>, transform_indices = @transform_2, window_bounds = array<i64: 16, 32>}, {pipeline_mode = #tpu.pipeline_mode<synchronous>, transform_indices = @transform_3, window_bounds = array<i64: 32, 1>}, {pipeline_mode = #tpu.pipeline_mode<synchronous>, transform_indices = @transform_4, window_bounds = array<i64: 32, 128>}, {pipeline_mode = #tpu.pipeline_mode<synchronous>, transform_indices = @transform_5, window_bounds = array<i64: 1, 128>}, {transform_indices = @transform_6, window_bounds = array<i64: 6400, 128>}]} {
    %get3A = arith.constant 0 : index
    %get3A_0 = arith.constant 0 : index
    %get3A_1 = vector.load %arg3[%get3A, %get3A_0] : memref<16x32xf32, #tpu.memory_space<vmem>>, vector<16x32xf32>
    %get3A_2 = arith.constant 0 : index
    %get3A_3 = arith.constant 0 : index
    %get3A_4 = vector.load %arg1[%get3A_2, %get3A_3] : memref<16x6400xf32, #tpu.memory_space<vmem>>, vector<16x6400xf32>
    %dot_general3A = arith.constant dense<0.000000e+00> : vector<32x6400xf32>
    %dot_general3A_5 = tpu.matmul %get3A_1, %get3A_4, %dot_general3A {dimension_numbers = #tpu.dot_dimension_numbers<[0], [0], [1], [1], [0, 1, 1, 1], [], []>, transpose_lhs_hint = false} : vector<16x32xf32>, vector<16x6400xf32>, vector<32x6400xf32> -> vector<32x6400xf32>
    %get3A_6 = arith.constant 0 : index
    %get3A_7 = arith.constant 0 : index
    %get3A_8 = vector.load %arg4[%get3A_6, %get3A_7] : memref<32x1xf32, #tpu.memory_space<vmem>>, vector<32x1xf32>
    %add3A = vector.broadcast %get3A_8 : vector<32x1xf32> to vector<32x6400xf32>
    %add3A_9 = arith.addf %dot_general3A_5, %add3A : vector<32x6400xf32>
    %max3A = arith.constant 0.000000e+00 : f32
    %max3A_10 = vector.broadcast %max3A : f32 to vector<32x6400xf32>
    %max3A_11 = arith.maximumf %add3A_9, %max3A_10 : vector<32x6400xf32>
    %get3A_12 = arith.constant 0 : index
    %get3A_13 = arith.constant 0 : index
    %get3A_14 = vector.load %arg2[%get3A_12, %get3A_13] : memref<1x6400xf32, #tpu.memory_space<vmem>>, vector<1x6400xf32>
    %mul3A = vector.broadcast %get3A_14 : vector<1x6400xf32> to vector<32x6400xf32>
    %mul3A_15 = arith.mulf %max3A_11, %mul3A : vector<32x6400xf32>
    %get3A_16 = arith.constant 0 : index
    %get3A_17 = arith.constant 0 : index
    %get3A_18 = vector.load %arg5[%get3A_16, %get3A_17] : memref<32x128xf32, #tpu.memory_space<vmem>>, vector<32x128xf32>
    %dot_general3A_19 = arith.constant dense<0.000000e+00> : vector<6400x128xf32>
    %dot_general3A_20 = tpu.matmul %mul3A_15, %get3A_18, %dot_general3A_19 {dimension_numbers = #tpu.dot_dimension_numbers<[0], [0], [1], [1], [0, 1, 1, 1], [], []>, transpose_lhs_hint = false} : vector<32x6400xf32>, vector<32x128xf32>, vector<6400x128xf32> -> vector<6400x128xf32>
    %get3A_21 = arith.constant 0 : index
    %get3A_22 = arith.constant 0 : index
    %get3A_23 = vector.load %arg2[%get3A_21, %get3A_22] : memref<1x6400xf32, #tpu.memory_space<vmem>>, vector<1x6400xf32>
    %get3A_24 = arith.constant 0 : index
    %get3A_25 = arith.constant 0 : index
    %get3A_26 = vector.load %arg6[%get3A_24, %get3A_25] : memref<1x128xf32, #tpu.memory_space<vmem>>, vector<1x128xf32>
    %dot_general3A_27 = arith.constant dense<0.000000e+00> : vector<6400x128xf32>
    %dot_general3A_28 = tpu.matmul %get3A_23, %get3A_26, %dot_general3A_27 {dimension_numbers = #tpu.dot_dimension_numbers<[0], [0], [1], [1], [0, 1, 1, 1], [], []>, transpose_lhs_hint = false} : vector<1x6400xf32>, vector<1x128xf32>, vector<6400x128xf32> -> vector<6400x128xf32>
    %add3A_29 = arith.addf %dot_general3A_20, %dot_general3A_28 : vector<6400x128xf32>
    %swap3A = arith.constant 0 : index
    %swap3A_30 = arith.constant 0 : index
    %swap3A_31 = vector.load %arg7[%swap3A, %swap3A_30] : memref<6400x128xf32, #tpu.memory_space<vmem>>, vector<6400x128xf32>
    tpu.vector_store %arg7[%swap3A, %swap3A_30], %add3A_29 {strides = array<i32>} : memref<6400x128xf32, #tpu.memory_space<vmem>>, vector<6400x128xf32>,
    return
  }
  func.func @transform_0(%arg0: i32) -> (i32, i32) {
    %add3A = arith.constant 0 : i32
    %add3A_0 = arith.addi %arg0, %add3A : i32
    %c0_i32 = arith.constant 0 : i32
    %c0_i32_1 = arith.constant 0 : i32
    return %c0_i32, %add3A_0 : i32, i32
  }
  func.func @transform_1(%arg0: i32) -> (i32, i32) {
    %add3A = arith.constant 0 : i32
    %add3A_0 = arith.addi %arg0, %add3A : i32
    %c0_i32 = arith.constant 0 : i32
    %c0_i32_1 = arith.constant 0 : i32
    return %c0_i32, %add3A_0 : i32, i32
  }
  func.func @transform_2(%arg0: i32) -> (i32, i32) {
    %c0_i32 = arith.constant 0 : i32
    %c0_i32_0 = arith.constant 0 : i32
    %c0_i32_1 = arith.constant 0 : i32
    return %c0_i32, %c0_i32_0 : i32, i32
  }
  func.func @transform_3(%arg0: i32) -> (i32, i32) {
    %c0_i32 = arith.constant 0 : i32
    %c0_i32_0 = arith.constant 0 : i32
    %c0_i32_1 = arith.constant 0 : i32
    return %c0_i32, %c0_i32_0 : i32, i32
  }
  func.func @transform_4(%arg0: i32) -> (i32, i32) {
    %c0_i32 = arith.constant 0 : i32
    %c0_i32_0 = arith.constant 0 : i32
    %c0_i32_1 = arith.constant 0 : i32
    return %c0_i32, %c0_i32_0 : i32, i32
  }
  func.func @transform_5(%arg0: i32) -> (i32, i32) {
    %c0_i32 = arith.constant 0 : i32
    %c0_i32_0 = arith.constant 0 : i32
    %c0_i32_1 = arith.constant 0 : i32
    return %c0_i32, %c0_i32_0 : i32, i32
  }
  func.func @transform_6(%arg0: i32) -> (i32, i32) {
    %c0_i32 = arith.constant 0 : i32
    %c0_i32_0 = arith.constant 0 : i32
    return %arg0, %c0_i32 : i32, i32
  }
}

module attributes {stable_mosaic.version = 14 : i64} {
  func.func @_radial_body(%arg0: i32, %arg1: memref<16x6400xf32, #tpu.memory_space<vmem>>, %arg2: memref<1x6400xf32, #tpu.memory_space<vmem>>, %arg3: memref<16x32xf32, #tpu.memory_space<vmem>>, %arg4: memref<32x1xf32, #tpu.memory_space<vmem>>, %arg5: memref<32x128xf32, #tpu.memory_space<vmem>>, %arg6: memref<1x128xf32, #tpu.memory_space<vmem>>, %arg7: memref<6400x128xf32, #tpu.memory_space<vmem>>) attributes {dimension_semantics = [#tpu.dimension_semantics<arbitrary>], iteration_bounds = array<i64: 25>, scalar_prefetch = 0 : i64, scratch_operands = 0 : i64, tpu.core_type = #tpu.core_type<tc>, window_params = [{transform_indices = @transform_0, window_bounds = array<i64: 16, 6400>}, {transform_indices = @transform_1, window_bounds = array<i64: 1, 6400>}, {pipeline_mode = #tpu.pipeline_mode<synchronous>, transform_indices = @transform_2, window_bounds = array<i64: 16, 32>}, {pipeline_mode = #tpu.pipeline_mode<synchronous>, transform_indices = @transform_3, window_bounds = array<i64: 32, 1>}, {pipeline_mode = #tpu.pipeline_mode<synchronous>, transform_indices = @transform_4, window_bounds = array<i64: 32, 128>}, {pipeline_mode = #tpu.pipeline_mode<synchronous>, transform_indices = @transform_5, window_bounds = array<i64: 1, 128>}, {transform_indices = @transform_6, window_bounds = array<i64: 6400, 128>}]} {
    %get3A = arith.constant 0 : index
    %get3A_0 = arith.constant 0 : index
    %get3A_1 = vector.load %arg3[%get3A, %get3A_0] : memref<16x32xf32, #tpu.memory_space<vmem>>, vector<16x32xf32>
    %get3A_2 = arith.constant 0 : index
    %get3A_3 = arith.constant 0 : index
    %get3A_4 = vector.load %arg1[%get3A_2, %get3A_3] : memref<16x6400xf32, #tpu.memory_space<vmem>>, vector<16x6400xf32>
    %dot_general3A = arith.constant dense<0.000000e+00> : vector<32x6400xf32>
    %dot_general3A_5 = tpu.matmul %get3A_1, %get3A_4, %dot_general3A {dimension_numbers = #tpu.dot_dimension_numbers<[0], [0], [1], [1], [0, 1, 1, 1], [], []>, transpose_lhs_hint = false} : vector<16x32xf32>, vector<16x6400xf32>, vector<32x6400xf32> -> vector<32x6400xf32>
    %get3A_6 = arith.constant 0 : index
    %get3A_7 = arith.constant 0 : index
    %get3A_8 = vector.load %arg4[%get3A_6, %get3A_7] : memref<32x1xf32, #tpu.memory_space<vmem>>, vector<32x1xf32>
    %add3A = vector.broadcast %get3A_8 : vector<32x1xf32> to vector<32x6400xf32>
    %add3A_9 = arith.addf %dot_general3A_5, %add3A : vector<32x6400xf32>
    %max3A = arith.constant 0.000000e+00 : f32
    %max3A_10 = vector.broadcast %max3A : f32 to vector<32x6400xf32>
    %max3A_11 = arith.maximumf %add3A_9, %max3A_10 : vector<32x6400xf32>
    %get3A_12 = arith.constant 0 : index
    %get3A_13 = arith.constant 0 : index
    %get3A_14 = vector.load %arg2[%get3A_12, %get3A_13] : memref<1x6400xf32, #tpu.memory_space<vmem>>, vector<1x6400xf32>
    %mul3A = vector.broadcast %get3A_14 : vector<1x6400xf32> to vector<32x6400xf32>
    %mul3A_15 = arith.mulf %max3A_11, %mul3A : vector<32x6400xf32>
    %get3A_16 = arith.constant 0 : index
    %get3A_17 = arith.constant 0 : index
    %get3A_18 = vector.load %arg5[%get3A_16, %get3A_17] : memref<32x128xf32, #tpu.memory_space<vmem>>, vector<32x128xf32>
    %dot_general3A_19 = arith.constant dense<0.000000e+00> : vector<6400x128xf32>
    %dot_general3A_20 = tpu.matmul %mul3A_15, %get3A_18, %dot_general3A_19 {dimension_numbers = #tpu.dot_dimension_numbers<[0], [0], [1], [1], [0, 1, 1, 1], [], []>, transpose_lhs_hint = false} : vector<32x6400xf32>, vector<32x128xf32>, vector<6400x128xf32> -> vector<6400x128xf32>
    %get3A_21 = arith.constant 0 : index
    %get3A_22 = arith.constant 0 : index
    %get3A_23 = vector.load %arg2[%get3A_21, %get3A_22] : memref<1x6400xf32, #tpu.memory_space<vmem>>, vector<1x6400xf32>
    %get3A_24 = arith.constant 0 : index
    %get3A_25 = arith.constant 0 : index
    %get3A_26 = vector.load %arg6[%get3A_24, %get3A_25] : memref<1x128xf32, #tpu.memory_space<vmem>>, vector<1x128xf32>
    %dot_general3A_27 = arith.constant dense<0.000000e+00> : vector<6400x128xf32>
    %dot_general3A_28 = tpu.matmul %get3A_23, %get3A_26, %dot_general3A_27 {dimension_numbers = #tpu.dot_dimension_numbers<[0], [0], [1], [1], [0, 1, 1, 1], [], []>, transpose_lhs_hint = false} : vector<1x6400xf32>, vector<1x128xf32>, vector<6400x128xf32> -> vector<6400x128xf32>
    %add3A_29 = arith.addf %dot_general3A_20, %dot_general3A_28 : vector<6400x128xf32>
    %swap3A = arith.constant 0 : index
    %swap3A_30 = arith.constant 0 : index
    %swap3A_31 = vector.load %arg7[%swap3A, %swap3A_30] : memref<6400x128xf32, #tpu.memory_space<vmem>>, vector<6400x128xf32>
    tpu.vector_store %arg7[%swap3A, %swap3A_30], %add3A_29 {strides = array<i32>} : memref<6400x128xf32, #tpu.memory_space<vmem>>, vector<6400x128xf32>,
    return
  }
  func.func @transform_0(%arg0: i32) -> (i32, i32) {
    %add3A = arith.constant 25 : i32
    %add3A_0 = arith.addi %arg0, %add3A : i32
    %c0_i32 = arith.constant 0 : i32
    %c0_i32_1 = arith.constant 0 : i32
    return %c0_i32, %add3A_0 : i32, i32
  }
  func.func @transform_1(%arg0: i32) -> (i32, i32) {
    %add3A = arith.constant 25 : i32
    %add3A_0 = arith.addi %arg0, %add3A : i32
    %c0_i32 = arith.constant 0 : i32
    %c0_i32_1 = arith.constant 0 : i32
    return %c0_i32, %add3A_0 : i32, i32
  }
  func.func @transform_2(%arg0: i32) -> (i32, i32) {
    %c0_i32 = arith.constant 0 : i32
    %c0_i32_0 = arith.constant 0 : i32
    %c0_i32_1 = arith.constant 0 : i32
    return %c0_i32, %c0_i32_0 : i32, i32
  }
  func.func @transform_3(%arg0: i32) -> (i32, i32) {
    %c0_i32 = arith.constant 0 : i32
    %c0_i32_0 = arith.constant 0 : i32
    %c0_i32_1 = arith.constant 0 : i32
    return %c0_i32, %c0_i32_0 : i32, i32
  }
  func.func @transform_4(%arg0: i32) -> (i32, i32) {
    %c0_i32 = arith.constant 0 : i32
    %c0_i32_0 = arith.constant 0 : i32
    %c0_i32_1 = arith.constant 0 : i32
    return %c0_i32, %c0_i32_0 : i32, i32
  }
  func.func @transform_5(%arg0: i32) -> (i32, i32) {
    %c0_i32 = arith.constant 0 : i32
    %c0_i32_0 = arith.constant 0 : i32
    %c0_i32_1 = arith.constant 0 : i32
    return %c0_i32, %c0_i32_0 : i32, i32
  }
  func.func @transform_6(%arg0: i32) -> (i32, i32) {
    %c0_i32 = arith.constant 0 : i32
    %c0_i32_0 = arith.constant 0 : i32
    return %arg0, %c0_i32 : i32, i32
  }
}

module attributes {stable_mosaic.version = 14 : i64} {
  func.func @_node_body(%arg0: i32, %arg1: memref<2x1000x128xf32, #tpu.memory_space<vmem>>, %arg2: memref<2x1000x128xf32, #tpu.memory_space<vmem>>, %arg3: memref<1000x128xf32, #tpu.memory_space<vmem>>, %arg4: memref<1000x128xf32, #tpu.memory_space<vmem>>, %arg5: memref<128x128xf32, #tpu.memory_space<vmem>>, %arg6: memref<128x128xf32, #tpu.memory_space<vmem>>, %arg7: memref<128x128xf32, #tpu.memory_space<vmem>>, %arg8: memref<128xf32, #tpu.memory_space<vmem>>, %arg9: memref<128xf32, #tpu.memory_space<vmem>>, %arg10: memref<128xf32, #tpu.memory_space<vmem>>, %arg11: memref<128x128xf32, #tpu.memory_space<vmem>>, %arg12: memref<1000x128xf32, #tpu.memory_space<vmem>>) attributes {dimension_semantics = [#tpu.dimension_semantics<arbitrary>], iteration_bounds = array<i64: 10>, scalar_prefetch = 0 : i64, scratch_operands = 0 : i64, tpu.core_type = #tpu.core_type<tc>, window_params = [{transform_indices = @transform_0, window_bounds = array<i64: 2, 1000, 128>}, {transform_indices = @transform_1, window_bounds = array<i64: 2, 1000, 128>}, {transform_indices = @transform_2, window_bounds = array<i64: 1000, 128>}, {transform_indices = @transform_3, window_bounds = array<i64: 1000, 128>}, {pipeline_mode = #tpu.pipeline_mode<synchronous>, transform_indices = @transform_4, window_bounds = array<i64: 128, 128>}, {pipeline_mode = #tpu.pipeline_mode<synchronous>, transform_indices = @transform_5, window_bounds = array<i64: 128, 128>}, {pipeline_mode = #tpu.pipeline_mode<synchronous>, transform_indices = @transform_6, window_bounds = array<i64: 128, 128>}, {pipeline_mode = #tpu.pipeline_mode<synchronous>, transform_indices = @transform_7, window_bounds = array<i64: 128>}, {pipeline_mode = #tpu.pipeline_mode<synchronous>, transform_indices = @transform_8, window_bounds = array<i64: 128>}, {pipeline_mode = #tpu.pipeline_mode<synchronous>, transform_indices = @transform_9, window_bounds = array<i64: 128>}, {pipeline_mode = #tpu.pipeline_mode<synchronous>, transform_indices = @transform_10, window_bounds = array<i64: 128, 128>}, {transform_indices = @transform_11, window_bounds = array<i64: 1000, 128>}]} {
    %get3A = arith.constant 0 : index
    %get3A_0 = arith.constant 0 : index
    %get3A_1 = arith.constant 0 : index
    %get3A_2 = vector.load %arg1[%get3A, %get3A_0, %get3A_1] : memref<2x1000x128xf32, #tpu.memory_space<vmem>>, vector<1x1000x128xf32>
    %get3A_3 = vector.shape_cast %get3A_2 : vector<1x1000x128xf32> to vector<1000x128xf32>
    %get3A_4 = arith.constant 1 : index
    %get3A_5 = arith.constant 0 : index
    %get3A_6 = arith.constant 0 : index
    %get3A_7 = vector.load %arg1[%get3A_4, %get3A_5, %get3A_6] : memref<2x1000x128xf32, #tpu.memory_space<vmem>>, vector<1x1000x128xf32>
    %get3A_8 = vector.shape_cast %get3A_7 : vector<1x1000x128xf32> to vector<1000x128xf32>
    %add3A = arith.addf %get3A_3, %get3A_8 : vector<1000x128xf32>
    %get3A_9 = arith.constant 0 : index
    %get3A_10 = arith.constant 0 : index
    %get3A_11 = arith.constant 0 : index
    %get3A_12 = vector.load %arg2[%get3A_9, %get3A_10, %get3A_11] : memref<2x1000x128xf32, #tpu.memory_space<vmem>>, vector<1x1000x128xf32>
    %get3A_13 = vector.shape_cast %get3A_12 : vector<1x1000x128xf32> to vector<1000x128xf32>
    %add3A_14 = arith.addf %add3A, %get3A_13 : vector<1000x128xf32>
    %get3A_15 = arith.constant 1 : index
    %get3A_16 = arith.constant 0 : index
    %get3A_17 = arith.constant 0 : index
    %get3A_18 = vector.load %arg2[%get3A_15, %get3A_16, %get3A_17] : memref<2x1000x128xf32, #tpu.memory_space<vmem>>, vector<1x1000x128xf32>
    %get3A_19 = vector.shape_cast %get3A_18 : vector<1x1000x128xf32> to vector<1000x128xf32>
    %add3A_20 = arith.addf %add3A_14, %get3A_19 : vector<1000x128xf32>
    %get3A_21 = arith.constant 0 : index
    %get3A_22 = arith.constant 0 : index
    %get3A_23 = vector.load %arg5[%get3A_21, %get3A_22] : memref<128x128xf32, #tpu.memory_space<vmem>>, vector<128x128xf32>
    %dot_general3A = arith.constant dense<0.000000e+00> : vector<1000x128xf32>
    %dot_general3A_24 = tpu.matmul %add3A_20, %get3A_23, %dot_general3A {dimension_numbers = #tpu.dot_dimension_numbers<[1], [0], [0], [1], [0, 0, 1, 1], [], []>, transpose_lhs_hint = false} : vector<1000x128xf32>, vector<128x128xf32>, vector<1000x128xf32> -> vector<1000x128xf32>
    %get3A_25 = arith.constant 0 : index
    %get3A_26 = arith.constant 0 : index
    %get3A_27 = vector.load %arg3[%get3A_25, %get3A_26] : memref<1000x128xf32, #tpu.memory_space<vmem>>, vector<1000x128xf32>
    %get3A_28 = arith.constant 0 : index
    %get3A_29 = arith.constant 0 : index
    %get3A_30 = vector.load %arg6[%get3A_28, %get3A_29] : memref<128x128xf32, #tpu.memory_space<vmem>>, vector<128x128xf32>
    %dot_general3A_31 = arith.constant dense<0.000000e+00> : vector<1000x128xf32>
    %dot_general3A_32 = tpu.matmul %get3A_27, %get3A_30, %dot_general3A_31 {dimension_numbers = #tpu.dot_dimension_numbers<[1], [0], [0], [1], [0, 0, 1, 1], [], []>, transpose_lhs_hint = false} : vector<1000x128xf32>, vector<128x128xf32>, vector<1000x128xf32> -> vector<1000x128xf32>
    %add3A_33 = arith.addf %dot_general3A_24, %dot_general3A_32 : vector<1000x128xf32>
    %abs3A = math.absf %add3A_33 : vector<1000x128xf32>
    %add3A_34 = arith.constant 9.99999997E-7 : f32
    %add3A_35 = vector.broadcast %add3A_34 : f32 to vector<1000x128xf32>
    %add3A_36 = arith.addf %abs3A, %add3A_35 : vector<1000x128xf32>
    %div3A = arith.divf %add3A_33, %add3A_36 : vector<1000x128xf32>
    %reduce_sum3A = arith.constant dense<0.000000e+00> : vector<1000xf32>
    %reduce_sum3A_37 = vector.multi_reduction <add>, %add3A_36, %reduce_sum3A [1] : vector<1000x128xf32> to vector<1000xf32>
    %broadcast_in_dim3A = vector.shape_cast %reduce_sum3A_37 : vector<1000xf32> to vector<1000x1xf32>
    %div3A_38 = arith.constant 1.280000e+02 : f32
    %div3A_39 = vector.broadcast %div3A_38 : f32 to vector<1000x1xf32>
    %div3A_40 = arith.divf %broadcast_in_dim3A, %div3A_39 : vector<1000x1xf32>
    %sub3A = vector.broadcast %div3A_40 : vector<1000x1xf32> to vector<1000x128xf32>
    %sub3A_41 = arith.subf %add3A_36, %sub3A : vector<1000x128xf32>
    %integer_pow3A = arith.mulf %sub3A_41, %sub3A_41 : vector<1000x128xf32>
    %reduce_sum3A_42 = arith.constant dense<0.000000e+00> : vector<1000xf32>
    %reduce_sum3A_43 = vector.multi_reduction <add>, %integer_pow3A, %reduce_sum3A_42 [1] : vector<1000x128xf32> to vector<1000xf32>
    %broadcast_in_dim3A_44 = vector.shape_cast %reduce_sum3A_43 : vector<1000xf32> to vector<1000x1xf32>
    %div3A_45 = arith.constant 1.280000e+02 : f32
    %div3A_46 = vector.broadcast %div3A_45 : f32 to vector<1000x1xf32>
    %div3A_47 = arith.divf %broadcast_in_dim3A_44, %div3A_46 : vector<1000x1xf32>
    %sub3A_48 = vector.broadcast %div3A_40 : vector<1000x1xf32> to vector<1000x128xf32>
    %sub3A_49 = arith.subf %add3A_36, %sub3A_48 : vector<1000x128xf32>
    %add3A_50 = arith.constant 9.99999974E-6 : f32
    %add3A_51 = vector.broadcast %add3A_50 : f32 to vector<1000x1xf32>
    %add3A_52 = arith.addf %div3A_47, %add3A_51 : vector<1000x1xf32>
    %rsqrt3A = math.rsqrt %add3A_52 : vector<1000x1xf32>
    %mul3A = vector.broadcast %rsqrt3A : vector<1000x1xf32> to vector<1000x128xf32>
    %mul3A_53 = arith.mulf %sub3A_49, %mul3A : vector<1000x128xf32>
    %get3A_54 = arith.constant 0 : index
    %get3A_55 = vector.load %arg9[%get3A_54] : memref<128xf32, #tpu.memory_space<vmem>>, vector<128xf32>
    %broadcast_in_dim3A_56 = vector.shape_cast %get3A_55 : vector<128xf32> to vector<1x128xf32>
    %mul3A_57 = vector.broadcast %broadcast_in_dim3A_56 : vector<1x128xf32> to vector<1000x128xf32>
    %mul3A_58 = arith.mulf %mul3A_53, %mul3A_57 : vector<1000x128xf32>
    %get3A_59 = arith.constant 0 : index
    %get3A_60 = vector.load %arg10[%get3A_59] : memref<128xf32, #tpu.memory_space<vmem>>, vector<128xf32>
    %broadcast_in_dim3A_61 = vector.shape_cast %get3A_60 : vector<128xf32> to vector<1x128xf32>
    %add3A_62 = vector.broadcast %broadcast_in_dim3A_61 : vector<1x128xf32> to vector<1000x128xf32>
    %add3A_63 = arith.addf %mul3A_58, %add3A_62 : vector<1000x128xf32>
    %get3A_64 = arith.constant 0 : index
    %get3A_65 = arith.constant 0 : index
    %get3A_66 = vector.load %arg7[%get3A_64, %get3A_65] : memref<128x128xf32, #tpu.memory_space<vmem>>, vector<128x128xf32>
    %dot_general3A_67 = arith.constant dense<0.000000e+00> : vector<1000x128xf32>
    %dot_general3A_68 = tpu.matmul %add3A_63, %get3A_66, %dot_general3A_67 {dimension_numbers = #tpu.dot_dimension_numbers<[1], [0], [0], [1], [0, 0, 1, 1], [], []>, transpose_lhs_hint = false} : vector<1000x128xf32>, vector<128x128xf32>, vector<1000x128xf32> -> vector<1000x128xf32>
    %get3A_69 = arith.constant 0 : index
    %get3A_70 = vector.load %arg8[%get3A_69] : memref<128xf32, #tpu.memory_space<vmem>>, vector<128xf32>
    %broadcast_in_dim3A_71 = vector.shape_cast %get3A_70 : vector<128xf32> to vector<1x128xf32>
    %add3A_72 = vector.broadcast %broadcast_in_dim3A_71 : vector<1x128xf32> to vector<1000x128xf32>
    %add3A_73 = arith.addf %dot_general3A_68, %add3A_72 : vector<1000x128xf32>
    %max3A = arith.constant 0.000000e+00 : f32
    %max3A_74 = vector.broadcast %max3A : f32 to vector<1000x128xf32>
    %max3A_75 = arith.maximumf %add3A_73, %max3A_74 : vector<1000x128xf32>
    %mul3A_76 = arith.mulf %max3A_75, %div3A : vector<1000x128xf32>
    %get3A_77 = arith.constant 0 : index
    %get3A_78 = arith.constant 0 : index
    %get3A_79 = vector.load %arg11[%get3A_77, %get3A_78] : memref<128x128xf32, #tpu.memory_space<vmem>>, vector<128x128xf32>
    %dot_general3A_80 = arith.constant dense<0.000000e+00> : vector<1000x128xf32>
    %dot_general3A_81 = tpu.matmul %mul3A_76, %get3A_79, %dot_general3A_80 {dimension_numbers = #tpu.dot_dimension_numbers<[1], [0], [0], [1], [0, 0, 1, 1], [], []>, transpose_lhs_hint = false} : vector<1000x128xf32>, vector<128x128xf32>, vector<1000x128xf32> -> vector<1000x128xf32>
    %get3A_82 = arith.constant 0 : index
    %get3A_83 = arith.constant 0 : index
    %get3A_84 = vector.load %arg4[%get3A_82, %get3A_83] : memref<1000x128xf32, #tpu.memory_space<vmem>>, vector<1000x128xf32>
    %add3A_85 = arith.addf %get3A_84, %dot_general3A_81 : vector<1000x128xf32>
    %swap3A = arith.constant 0 : index
    %swap3A_86 = arith.constant 0 : index
    %swap3A_87 = vector.load %arg12[%swap3A, %swap3A_86] : memref<1000x128xf32, #tpu.memory_space<vmem>>, vector<1000x128xf32>
    tpu.vector_store %arg12[%swap3A, %swap3A_86], %add3A_85 {strides = array<i32>} : memref<1000x128xf32, #tpu.memory_space<vmem>>, vector<1000x128xf32>,
    return
  }
  func.func @transform_0(%arg0: i32) -> (i32, i32, i32) {
    %c0_i32 = arith.constant 0 : i32
    %c0_i32_0 = arith.constant 0 : i32
    %c0_i32_1 = arith.constant 0 : i32
    return %c0_i32, %arg0, %c0_i32_0 : i32, i32, i32
  }
  func.func @transform_1(%arg0: i32) -> (i32, i32, i32) {
    %c0_i32 = arith.constant 0 : i32
    %c0_i32_0 = arith.constant 0 : i32
    %c0_i32_1 = arith.constant 0 : i32
    return %c0_i32, %arg0, %c0_i32_0 : i32, i32, i32
  }
  func.func @transform_2(%arg0: i32) -> (i32, i32) {
    %c0_i32 = arith.constant 0 : i32
    %c0_i32_0 = arith.constant 0 : i32
    return %arg0, %c0_i32 : i32, i32
  }
  func.func @transform_3(%arg0: i32) -> (i32, i32) {
    %c0_i32 = arith.constant 0 : i32
    %c0_i32_0 = arith.constant 0 : i32
    return %arg0, %c0_i32 : i32, i32
  }
  func.func @transform_4(%arg0: i32) -> (i32, i32) {
    %c0_i32 = arith.constant 0 : i32
    %c0_i32_0 = arith.constant 0 : i32
    %c0_i32_1 = arith.constant 0 : i32
    return %c0_i32, %c0_i32_0 : i32, i32
  }
  func.func @transform_5(%arg0: i32) -> (i32, i32) {
    %c0_i32 = arith.constant 0 : i32
    %c0_i32_0 = arith.constant 0 : i32
    %c0_i32_1 = arith.constant 0 : i32
    return %c0_i32, %c0_i32_0 : i32, i32
  }
  func.func @transform_6(%arg0: i32) -> (i32, i32) {
    %c0_i32 = arith.constant 0 : i32
    %c0_i32_0 = arith.constant 0 : i32
    %c0_i32_1 = arith.constant 0 : i32
    return %c0_i32, %c0_i32_0 : i32, i32
  }
  func.func @transform_7(%arg0: i32) -> i32 {
    %c0_i32 = arith.constant 0 : i32
    %c0_i32_0 = arith.constant 0 : i32
    return %c0_i32 : i32
  }
  func.func @transform_8(%arg0: i32) -> i32 {
    %c0_i32 = arith.constant 0 : i32
    %c0_i32_0 = arith.constant 0 : i32
    return %c0_i32 : i32
  }
  func.func @transform_9(%arg0: i32) -> i32 {
    %c0_i32 = arith.constant 0 : i32
    %c0_i32_0 = arith.constant 0 : i32
    return %c0_i32 : i32
  }
  func.func @transform_10(%arg0: i32) -> (i32, i32) {
    %c0_i32 = arith.constant 0 : i32
    %c0_i32_0 = arith.constant 0 : i32
    %c0_i32_1 = arith.constant 0 : i32
    return %c0_i32, %c0_i32_0 : i32, i32
  }
  func.func @transform_11(%arg0: i32) -> (i32, i32) {
    %c0_i32 = arith.constant 0 : i32
    %c0_i32_0 = arith.constant 0 : i32
    return %arg0, %c0_i32 : i32, i32
  }
}

</mosaic_0001>

<sc_bundles>
// kernel: kernel.10.cloned.1.call-start
scs
__scs_entry_jumppad:
0x0: {  	(pc) =	sbr.rel $0x88, $3  }
0x1: {  	(tag) =	ssettag $0x0;
	lr =	simm.s32 $0x1  }
0x2: {  	[smem:$0x3F91] =	sst lr;
	_ =	strace $0xD0000000  }
0x3: {  	_ = 	snop  }
0x4: {  	_ = 	snop  }
0x5: {  	_ = 	snop  }
0x6: {  	_ = 	snop  }
0x7: {  	_ = 	snop  }
__scs_overlays_trampoline_lowered:
0x8: {  	[smem:$0x3FA0] =	sst s0  }
0x9: {  	[smem:$0x3FA1] =	sst s1  }
0xa: {  	[smem:$0x3FA2] =	sst s2  }
0xb: {  	[smem:$0x3FA3] =	sst s3  }
0xc: {  	[smem:$0x3FA4] =	sst s4  }
0xd: {  	[smem:$0x3FA5] =	sst s5  }
0xe: {  	[smem:$0x3FA6] =	sst s6  }
0xf: {  	[smem:$0x3FA7] =	sst s7  }
0x10: {  	[smem:$0x3FA8] =	sst s8  }
0x11: {  	[smem:$0x3FA9] =	sst s9;
	s0 =	simm.s32 @!p0 $0x0  }
0x12: {  	s1 =	sld [smem:$0x3F8F];
	s0 =	simm.s32 @p0 $0x1  }
0x13: {  	[smem:$0x3FAA] =	sst s0;
	s0 =	simm.s32 @!p1 $0x0  }
0x14: {  	s2 =	sld [smem:$0x3F8E];
	s0 =	simm.s32 @p1 $0x1  }
0x15: {  	[smem:$0x3FAB] =	sst s0;
	s0 =	simm.s32 @!p2 $0x0  }
0x16: {  	s3 =	sld [smem:$0x3FDB];
	s0 =	simm.s32 @p2 $0x1  }
0x17: {  	s4 =	simm.s32 $0x1BF5;
	[smem:$0x3FAD] =	sst s0  }
0x18: {  	s0 =	sld [smem:$0x3F90];
	_ =	swait.ge [sflag:s4], $0x0  }
0x19: {  	s7 =	sld [smem:$0x3F91]  }
0x1a: {  	s8 =	sadd.s32 $0xFFFFE003, lr  }
0x1b: {  	s9 =	sadd.s32 $0xFFFFFEF7, lr;
	s5 =	simm.s32 $0xFFFFFFFF;
	p2 =	slt.u32 s8, $0xFFFFF086  }
0x1c: {  	p1 =	slt.u32 s9, $0xF7A;
	s5 =	simm.s32 @!p2 $0x0  }
0x1d: {  	s5 =	simm.s32 @p1 $0x1;
	p0 =	seq.s32 s7, s2  }
0x1e: {  	s7 =	smul.u32 @!p0 $0xF7A, s2;
	p2 =	seq.s32 @!p0 s5, $0x0  }
0x1f: {  	s9 =	smul.u32 $0xF7A, s1;
	s8 =	simm.s32 @!p0 $0x1BF5;
	p2 =	por !p2, p0  }
0x20: {  	[sflag:s8] =	ssyncset.s32 @!p0 $0xFFFFF086;
	s6 =	sadd.s32 @!p0 s3, s7;
	s7 =	simm.s32 @!p0 $0x108  }
0x21: {  	s3 =	sadd.s32 s3, s9;
	s6 =	sadd.s32 @!p0 $0x88, s6;
	s7 =	simm.s32 @p2 $0x1082  }
0x22: {  	[simem:s7], [sflag:s8] =	dma.local @!p0 [hbm:s6], $0xF7A  }
0x23: {  	s9 =	sor.u32 $0xD0000000, s2;
	s6 =	simm.s32 $0x108;
	_ =	swait.ge @!p0 [sflag:s8], $0x0  }
0x24: {  	s3 =	sadd.s32 $0x88, s3;
	s6 =	simm.s32 @!p1 $0x1082;
	[sflag:s4] =	ssyncset.s32 $0xFFFFF086  }
0x25: {  	[simem:s6], [sflag:s4] =	dma.local [hbm:s3], $0xF7A  }
0x26: {  	[smem:$0x3F91] =	sst s1;
	(tag) =	ssettag s2;
	_ =	strace s9  }
0x27: {  	s1 =	sld [smem:$0x3FA1]  }
0x28: {  	s2 =	sld [smem:$0x3FA2]  }
0x29: {  	s4 =	sld [smem:$0x3FA4]  }
0x2a: {  	p0 =	seq.s32 s5, $0x0;
	s5 =	sld [smem:$0x3FA5]  }
0x2b: {  	s6 =	sld [smem:$0x3FA6]  }
0x2c: {  	s7 =	sld [smem:$0x3FA7]  }
0x2d: {  	s3 =	simm.s32 $0x108;
	s8 =	sld [smem:$0x3FA8]  }
0x2e: {  	s3 =	simm.s32 @!p0 $0x1082;
	s9 =	sld [smem:$0x3FA9]  }
0x2f: {  	lr =	sadd.s32 s0, s3;
	s0 =	sld [smem:$0x3FA0]  }
0x30: {  	s3 =	sld [smem:$0x3FA3]  }
0x31: {  	[smem:$0x3FAC] =	sst s10  }
0x32: {  	s10 =	sld [smem:$0x3FAA];
	_ =	sdelay $0x3  }
0x33: {  	p0 =	seq.s32 s10, $0x1;
	s10 =	sld [smem:$0x3FAC];
	_ =	sdelay $0x3  }
0x34: {  	[smem:$0x3FAC] =	sst s10  }
0x35: {  	s10 =	sld [smem:$0x3FAB];
	_ =	sdelay $0x3  }
0x36: {  	p1 =	seq.s32 s10, $0x1;
	s10 =	sld [smem:$0x3FAC];
	_ =	sdelay $0x3  }
0x37: {  	[smem:$0x3FAC] =	sst s10  }
0x38: {  	s10 =	sld [smem:$0x3FAD]  }
0x39: {  	_ = 	snop;
	(pc) =	sbr.ind lr, $3  }
0x3a: {  	_ = 	snop  }
0x3b: {  	_ = 	snop  }
0x3c: {  	p2 =	seq.s32 s10, $0x1;
	s10 =	sld [smem:$0x3FAC]  }
0x3d: {  	_ =	shalt  }
0x3e: {  	_ =	shalt  }
0x3f: {  	_ =	shalt  }
0x40: {  	_ =	shalt  }
0x41: {  	_ =	shalt  }
0x42: {  	_ =	shalt  }
0x43: {  	_ =	shalt  }
0x44: {  	_ =	shalt  }
0x45: {  	_ =	shalt  }
0x46: {  	_ =	shalt  }
0x47: {  	_ =	shalt  }
0x48: {  	_ =	shalt  }
0x49: {  	_ =	shalt  }
0x4a: {  	_ =	shalt  }
0x4b: {  	_ =	shalt  }
0x4c: {  	_ =	shalt  }
0x4d: {  	_ =	shalt  }
0x4e: {  	_ =	shalt  }
0x4f: {  	_ =	shalt  }
0x50: {  	_ =	shalt  }
0x51: {  	_ =	shalt  }
0x52: {  	_ =	shalt  }
0x53: {  	_ =	shalt  }
0x54: {  	_ =	shalt  }
0x55: {  	_ =	shalt  }
0x56: {  	_ =	shalt  }
0x57: {  	_ =	shalt  }
0x58: {  	_ =	shalt  }
0x59: {  	_ =	shalt  }
0x5a: {  	_ =	shalt  }
0x5b: {  	_ =	shalt  }
0x5c: {  	_ =	shalt  }
0x5d: {  	_ =	shalt  }
0x5e: {  	_ =	shalt  }
0x5f: {  	_ =	shalt  }
0x60: {  	_ =	shalt  }
0x61: {  	_ =	shalt  }
0x62: {  	_ =	shalt  }
0x63: {  	_ =	shalt  }
0x64: {  	_ =	shalt  }
0x65: {  	_ =	shalt  }
0x66: {  	_ =	shalt  }
0x67: {  	_ =	shalt  }
0x68: {  	_ =	shalt  }
0x69: {  	_ =	shalt  }
0x6a: {  	_ =	shalt  }
0x6b: {  	_ =	shalt  }
0x6c: {  	_ =	shalt  }
0x6d: {  	_ =	shalt  }
0x6e: {  	_ =	shalt  }
0x6f: {  	_ =	shalt  }
0x70: {  	_ =	shalt  }
0x71: {  	_ =	shalt  }
0x72: {  	_ =	shalt  }
0x73: {  	_ =	shalt  }
0x74: {  	_ =	shalt  }
0x75: {  	_ =	shalt  }
0x76: {  	_ =	shalt  }
0x77: {  	_ =	shalt  }
0x78: {  	_ =	shalt  }
0x79: {  	_ =	shalt  }
0x7a: {  	_ =	shalt  }
0x7b: {  	_ =	shalt  }
0x7c: {  	_ =	shalt  }
0x7d: {  	_ =	shalt  }
0x7e: {  	_ =	shalt  }
0x7f: {  	_ =	shalt  }
0x80: {  	_ =	shalt  }
0x81: {  	_ =	shalt  }
0x82: {  	_ =	shalt  }
0x83: {  	_ =	shalt  }
0x84: {  	_ =	shalt  }
0x85: {  	_ =	shalt  }
0x86: {  	_ =	shalt  }
0x87: {  	_ =	shalt  }
.Lfunc_end0:
.L_simem_size_0:
called_computation.1_lowered:
.L_overlay_start_0:
0x88: {  	s2 =	sld [smem:$0x3FD9]  }
0x89: {  	s3 =	sld [smem:$0x3FFE];
	_ =	sdelay $0x1  }
0x8a: {  	s1 =	srdreg.scid  }
0x8b: {  	s0 =	sand.u32 $0x1, s1  }
0x8c: {  	s17 =	sshll.u32 s0, $0xA;
	s2 =	sadd.s32 s3, s2  }
0x8d: {  	s2 =	sadd.s32 s2, s17  }
0x8e: {  	[smem:$0x3FB8] =	sst s2  }
0x8f: {  	_ = 	snop  }
0x90: {  	s2 =	sld [smem:$0x3FC9]  }
0x91: {  	s18 =	sld [smem:$0x3FD0];
	(tm) =	ssettm $0x1  }
0x92: {  	s4 =	sld [smem:$0x3FFB];
	_ =	sdelay $0x3  }
0x93: {  	_ =	strace s4  }
0x94: {  	s4 =	sld [smem:$0x3FFC];
	_ =	sdelay $0x3  }
0x95: {  	_ =	strace s4  }
0x96: {  	s4 =	sld [smem:$0x3FFD];
	_ =	sdelay $0x3  }
0x97: {  	_ =	strace s4  }
0x98: {  	_ =	strace $0x8FFFFFFF  }
0x99: {  	s19 =	sld [smem:$0x3FDB];
	_ =	sdelay $0x1  }
0x9a: {  	s5 =	simm.s32 $_scs_section_size  }
0x9b: {  	s6 =	simm.s32 $_size__tile_overlayer_lowered;
	s7 =	simm.s32 $_tile_overlayer_lowered  }
0x9c: {  	s22 =	simm.s32 $0x1BFF;
	s21 =	sshll.u32 s7, $0x1;
	s4 =	sadd.s32 s5, s19  }
0x9d: {  	s8 =	simm.s32 $0x0;
	s20 =	sshll.u32 s6, $0x1;
	s6 =	sadd.s32 s21, s4  }
0x9e: {  	[timem:s8], [sflag:s22] =	dma.local [hbm:s6], s20  }
0x9f: {  	_ =	swait.ge [sflag:s22], s20  }
0xa0: {  	s5 =	ssub.s32 $0x0, s20;
	[sflag:s22] =	ssyncset.done $0x0  }
0xa1: {  	[sflag:s22] =	ssyncadd.s32 s5;
	_ =	sdelay $0x1  }
0xa2: {  	s23 =	simm.s32 $0x1B8B  }
0xa3: {  	_ =	swait.ge [sflag:s23], $0x1  }
0xa4: {  	[sflag:s23] =	ssyncset.done $0x0  }
0xa5: {  	s25 =	simm.s32 $0x1B8E;
	s24 =	sld [smem:$0x3FFE];
	[sflag:s23] =	ssyncadd.s32 $0xFFFFFFFF  }
0xa6: {  	s26 =	simm.s32 $execute0_lowered;
	[smem:$0x3FD2] =	sst s25  }
0xa7: {  	s6 =	sshll.u32 s26, $0x1;
	_ =	strace $0x80000046;
	[dreg:$0x1] =	wrdreg $0xFFFFFFFF  }
0xa8: {  	s28 =	simm.s32 $_size_execute0_lowered;
	s4 =	sadd.s32 s4, s6;
	[dreg:$0x0] =	wrdreg $0x0  }
0xa9: {  	s6 =	sshll.u32 s28, $0x1;
	[dreg:$0x2] =	wrdreg s4  }
0xaa: {  	[dreg:$0x3] =	wrdreg s6  }
0xab: {  	[dreg:$0x4] =	wrdreg $0xC0  }
0xac: {  	_ =	task [dreg:s8], $0x5FFFF  }
0xad: {  	[dreg:$0x1] =	wrdreg $0xFFFFFFFF  }
0xae: {  	[dreg:$0x0] =	wrdreg $0x60  }
0xaf: {  	[dreg:$0x2] =	wrdreg s2  }
0xb0: {  	[dreg:$0x3] =	wrdreg s24  }
0xb1: {  	[dreg:$0x4] =	wrdreg s18  }
0xb2: {  	[dreg:$0x5] =	wrdreg $0x9D800  }
0xb3: {  	[dreg:$0x6] =	wrdreg $0xA  }
0xb4: {  	_ =	task.clear_ibuf [dreg:s8], $0x7FFFF;
	_ =	strace $0x90000046  }
0xb5: {  	s29 =	simm.s32 $0xA;
	_ =	strace $0x80000048  }
0xb6: {  	_ =	swait.ge [sflag:s29], $0x1  }
0xb7: {  	[sflag:s29] =	ssyncadd.s32 $0xFFFFFFFF  }
0xb8: {  	_ =	strace $0x90000048  }
0xb9: {  	_ =	sfence  }
0xba: {  	s30 =	sld [smem:$0x0];
	_ =	sdelay $0x2  }
0xbb: {  	s31 =	sshll.u32 s1, $0xD;
	s1 =	sshrl.u32 s1, $0x2  }
0xbc: {  	s3 =	sand.u32 $0x4000, s31;
	s1 =	sadd.s32 s1, s30  }
0xbd: {  	s0 =	sor.u32 s3, s0;
	s1 =	sshll.u32 s1, $0x11  }
0xbe: {  	s0 =	sor.u32 s1, s0  }
0xbf: {  	s0 =	sadd.s32 $0x8F2B, s0  }
0xc0: {  	[sflag:s0] =	ssyncadd.remote.s32 $0x1  }
0xc1: {  	_ =	sfence.sel $0xFFFF  }
0xc2: {  	[dreg:$0x0] =	wrdreg $0xFFFFFFFF;
	(pc) =	sbr.abs _section_cstart, $3  }
0xc3: {  	[dreg:$0x1] =	wrdreg $0xFFFFFFFF  }
0xc4: {  	_ =	task.clear_ibuf [dreg:s8], $0x2FFFF;
	_ =	strace $0x9FFFFFFF  }
0xc5: {  	(tm) =	ssettm $0x7FFFFFFF  }
tec
execute0_lowered:
.L_overlay_start_1:
0x0: {  	(tag) =	ssettag $0x1  }
0x1: {  	s0 =	rddreg [dreg:$0x0]  }
0x2: {  	s1 =	rddreg [dreg:$0x1]  }
0x3: {  	s2 =	srdreg.scid;
	s3 =	rddreg [dreg:$0x2]  }
0x4: {  	s10 =	stileid.u32;
	s4 =	rddreg [dreg:$0x3];
	s5 =	simm.s32 $0x0  }
0x5: {  	s28 =	simm.s32 $0x1500;
	s29 =	simm.s32 $0x7;
	s7 =	smul.u32 $0x14000, s10  }
0x6: {  	s30 =	simm.s32 $0x1400;
	s2 =	sand.u32 $0x1, s2;
	s8 =	smul.u32 $0x50000, s10  }
0x7: {  	s31 =	simm.s32 $0x5500;
	[smem:$0x7FF] =	sst s5;
	s6 =	smul.u32 $0x140000, s2  }
0x8: {  	_ =	strace $0x80000047;
	s11 =	ssub.s32 $0x2, s2;
	s2 =	sshll.u32 s2, $0x4  }
0x9: {  	s9 =	sshrl.u32 s11, $0x1;
	s8 =	sshrl.u32 s8, $0x2;
	s2 =	sor.u32 s10, s2  }
0xa: {  	s6 =	sadd.s32 s7, s6;
	s9 =	ssub.s32 s11, s9;
	s11 =	smul.u32 $0x9C400, s2  }
0xb: {  	s7 =	sshrl.u32 s6, $0x3;
	s6 =	sadd.s32 $0x3200, s1;
	s25 =	smax.u32 s9, $0x1  }
0xc: {  	s9 =	simm.s32 $0x7500;
	s1 =	sadd.s32 s7, s1;
	s7 =	sadd.s32 s8, s4  }
0xd: {  	s8 =	smul.u32 $0x1388, s2;
	[dreg:$0x15] =	wrdreg s25;
	s12 =	sadd.s32 $0x2000, s7  }
0xe: {  	s2 =	smul.u32 $0x13880, s2;
	s13 =	sadd.s32 $0x4000, s7;
	[dreg:$0x5] =	wrdreg s12  }
0xf: {  	s11 =	sshrl.u32 s11, $0x3;
	s14 =	sadd.s32 $0x6000, s7;
	[dreg:$0x6] =	wrdreg s13  }
0x10: {  	s15 =	sadd.s32 $0x8000, s7;
	s16 =	sadd.s32 $0xA000, s7;
	[dreg:$0x7] =	wrdreg s14  }
0x11: {  	s17 =	sadd.s32 $0xC000, s7;
	s19 =	sadd.s32 $0x10000, s7;
	[dreg:$0x8] =	wrdreg s15  }
0x12: {  	s22 =	sadd.s32 s6, s11;
	s1 =	sadd.s32 $0x274200, s1;
	[dreg:$0x9] =	wrdreg s16  }
0x13: {  	s26 =	sadd.s32 $0x12000, s7;
	s11 =	simm.s32 $0x3;
	[dreg:$0xa] =	wrdreg s17  }
0x14: {  	s18 =	sshrl.u32 s8, $0x3;
	s12 =	sadd.s32 $0xE000, s7;
	[dreg:$0xc] =	wrdreg s19  }
0x15: {  	s2 =	sadd.s32 s6, s2;
	s24 =	sadd.s32 $0x400, s22;
	[dreg:$0x14] =	wrdreg s1  }
0x16: {  	[dreg:$0x16] =	wrdreg s26;
	s1 =	simm.s32 $0x1480;
	s13 =	simm.s32 $0x5  }
0x17: {  	s14 =	simm.s32 $0x4;
	s15 =	simm.s32 $0x2;
	[dreg:$0xb] =	wrdreg s12  }
0x18: {  	s16 =	simm.s32 $0x6;
	s19 =	simm.s32 $0x9980;
	[dreg:$0xf] =	wrdreg s2  }
0x19: {  	s10 =	sadd.s32 s3, s18;
	[dreg:$0x11] =	wrdreg s24;
	s2 =	sadd.s32 $0x13800, s22  }
.Ltmp0:
0x1a: {  	s20 =	sadd.s32 $0x4E20, s10;
	[dreg:$0x13] =	wrdreg s2;
	(pc) =	sbr.rel .LBB2_1-.Ltmp0, $4  }
0x1b: {  	s12 =	simm.s32 $0x1;
	s21 =	sadd.s32 $0xEA60, s10;
	[dreg:$0xd] =	wrdreg s20  }
0x1c: {  	s18 =	simm.s32 $0x8;
	s23 =	sadd.s32 $0xEA68, s10;
	[dreg:$0xe] =	wrdreg s21  }
0x1d: {  	s10 =	sadd.s32 $0xECD0, s10;
	s2 =	simm.s32 $0x40;
	[dreg:$0x10] =	wrdreg s23  }
0x1e: {  	v0 =	vimm.f32 $0.0e+00;
	[dreg:$0x12] =	wrdreg s10;
	s10 =	simm.s32 $0x3500;
	s20 =	simm.s32 $0x0  }
.LBB2_10:
0x1f: {  	s17 =	rddreg [dreg:$0x12];
	s21 =	simm.s32 $0x9500  }
0x20: {  	[tilespmem:s21], [sflag:$0x7] =	stream.linear.gather [hbm4b:s17+s5], $0x8, $0x38;
	[tilespmem:$0x1DD80] =	vst v63  }
0x21: {  	_ =	swait.ge [sflag:s29], $0x8  }
0x22: {  	[sflag:s29] =	ssyncset.done $0x0  }
0x23: {  	s26 =	simm.s32 $0x1380;
	s22 =	simm.s32 $0x9580;
	[sflag:s29] =	ssyncadd.s32 $0xFFFFFFF8  }
0x24: {  	[tilespmem:s22], [sflag:$0x1] =	stream.indirect.gather [hbm4b:s0+s18], $0x80, s26, s18, $0xb8;
	[tilespmem:$0x1DD80] =	vst v63  }
0x25: {  	_ =	swait.ge [sflag:s12], $0x400  }
0x26: {  	[sflag:s12] =	ssyncset.done $0x0  }
0x27: {  	s22 =	rddreg [dreg:$0x13];
	[sflag:s12] =	ssyncadd.s32 $0xFFFFFC00  }
0x28: {  	[tilespmem:s19], [sflag:$0x7] =	stream.linear.gather [hbm4b:s22+s5], $0x400, $0x38;
	[tilespmem:$0x1DD80] =	vst v63  }
0x29: {  	_ =	swait.ge [sflag:s29], $0x400  }
0x2a: {  	[sflag:s29] =	ssyncset.done $0x0  }
0x2b: {  	[sflag:s29] =	ssyncadd.s32 $0xFFFFFC00  }
0x2c: {  	v1 =	vld [tilespmem:$0x9980]  }
0x2d: {  	v2 =	vld [tilespmem:$0x9580]  }
0x2e: {  	v3 =	vld [tilespmem:$0x9990]  }
0x2f: {  	v4 =	vld [tilespmem:$0x9590]  }
0x30: {  	v5 =	vld [tilespmem:$0x99A0]  }
0x31: {  	v6 =	vld [tilespmem:$0x95A0]  }
0x32: {  	v7 =	vld [tilespmem:$0x99B0]  }
0x33: {  	v8 =	vld [tilespmem:$0x95B0]  }
0x34: {  	v9 =	vld [tilespmem:$0x99C0]  }
0x35: {  	v10 =	vld [tilespmem:$0x95C0]  }
0x36: {  	v11 =	vld [tilespmem:$0x99D0]  }
0x37: {  	v12 =	vld [tilespmem:$0x95D0]  }
0x38: {  	v13 =	vld [tilespmem:$0x99E0]  }
0x39: {  	v14 =	vld [tilespmem:$0x95E0]  }
0x3a: {  	v15 =	vld [tilespmem:$0x99F0]  }
0x3b: {  	v16 =	vld [tilespmem:$0x95F0]  }
0x3c: {  	v17 =	vld [tilespmem:$0x9A00]  }
0x3d: {  	v18 =	vld [tilespmem:$0x9600]  }
0x3e: {  	v19 =	vld [tilespmem:$0x9A10]  }
0x3f: {  	v20 =	vld [tilespmem:$0x9610]  }
0x40: {  	v21 =	vld [tilespmem:$0x9A20]  }
0x41: {  	v22 =	vld [tilespmem:$0x9620]  }
0x42: {  	v23 =	vld [tilespmem:$0x9A30]  }
0x43: {  	v24 =	vld [tilespmem:$0x9630]  }
0x44: {  	v25 =	vld [tilespmem:$0x9A40]  }
0x45: {  	v26 =	vld [tilespmem:$0x9640]  }
0x46: {  	v27 =	vld [tilespmem:$0x9A50]  }
0x47: {  	v28 =	vld [tilespmem:$0x9650]  }
0x48: {  	v29 =	vld [tilespmem:$0x9A60]  }
0x49: {  	v30 =	vld [tilespmem:$0x9660]  }
0x4a: {  	v31 =	vld [tilespmem:$0x9A70]  }
0x4b: {  	v32 =	vld [tilespmem:$0x9670]  }
0x4c: {  	v33 =	vld [tilespmem:$0x9A80]  }
0x4d: {  	v34 =	vld [tilespmem:$0x9680]  }
0x4e: {  	v35 =	vld [tilespmem:$0x9A90]  }
0x4f: {  	v36 =	vld [tilespmem:$0x9690]  }
0x50: {  	v37 =	vld [tilespmem:$0x9AA0]  }
0x51: {  	v38 =	vld [tilespmem:$0x96A0]  }
0x52: {  	v39 =	vld [tilespmem:$0x9AB0]  }
0x53: {  	v40 =	vld [tilespmem:$0x96B0]  }
0x54: {  	v41 =	vld [tilespmem:$0x9AC0]  }
0x55: {  	v42 =	vld [tilespmem:$0x96C0]  }
0x56: {  	v43 =	vld [tilespmem:$0x9AD0]  }
0x57: {  	v44 =	vld [tilespmem:$0x96D0]  }
0x58: {  	v45 =	vld [tilespmem:$0x9AE0]  }
0x59: {  	v46 =	vld [tilespmem:$0x96E0]  }
0x5a: {  	v47 =	vld [tilespmem:$0x9AF0]  }
0x5b: {  	v48 =	vld [tilespmem:$0x96F0]  }
0x5c: {  	v49 =	vld [tilespmem:$0x9B00]  }
0x5d: {  	v50 =	vld [tilespmem:$0x9700]  }
0x5e: {  	v51 =	vld [tilespmem:$0x9B10]  }
0x5f: {  	v52 =	vld [tilespmem:$0x9710]  }
0x60: {  	v53 =	vld [tilespmem:$0x9B20]  }
0x61: {  	v54 =	vld [tilespmem:$0x9720]  }
0x62: {  	v55 =	vld [tilespmem:$0x9B30]  }
0x63: {  	v61 =	vld [tilespmem:$0x9B60]  }
0x64: {  	v56 =	vld [tilespmem:$0x9730]  }
0x65: {  	v57 =	vld [tilespmem:$0x9B40]  }
0x66: {  	v58 =	vld [tilespmem:$0x9740]  }
0x67: {  	v59 =	vld [tilespmem:$0x9B50];
	v1 =	vmul.f32 v2, v1  }
0x68: {  	[tilespmem:$0x1FF90] =	vst v61;
	v61 =	vld [tilespmem:$0x9B70];
	v3 =	vmul.f32 v4, v3  }
0x69: {  	v60 =	vld [tilespmem:$0x9750];
	[tilespmem:$0x9980] =	vst v1;
	v1 =	vmul.f32 v6, v5  }
0x6a: {  	v62 =	vld [tilespmem:$0x9760];
	[tilespmem:$0x9990] =	vst v3;
	v3 =	vmul.f32 v8, v7  }
0x6b: {  	v63 =	vld [tilespmem:$0x9770];
	[tilespmem:$0x99A0] =	vst v1  }
0x6c: {  	v2 =	vld [tilespmem:$0x97A0];
	v1 =	vmul.f32 v10, v9;
	[tilespmem:$0x99B0] =	vst v3  }
0x6d: {  	v3 =	vmul.f32 v12, v11;
	[tilespmem:$0x1FFA0] =	vst v61;
	v61 =	vld [tilespmem:$0x9B80]  }
0x6e: {  	v4 =	vld [tilespmem:$0x9BB0];
	[tilespmem:$0x99C0] =	vst v1;
	v1 =	vmul.f32 v14, v13  }
0x6f: {  	v5 =	vld [tilespmem:$0x97B0];
	[tilespmem:$0x99D0] =	vst v3;
	v3 =	vmul.f32 v16, v15  }
0x70: {  	v6 =	vld [tilespmem:$0x9BC0];
	[tilespmem:$0x99E0] =	vst v1  }
0x71: {  	v7 =	vld [tilespmem:$0x97C0];
	v1 =	vmul.f32 v18, v17;
	[tilespmem:$0x99F0] =	vst v3  }
0x72: {  	v8 =	vld [tilespmem:$0x9BD0];
	v3 =	vmul.f32 v20, v19;
	[tilespmem:$0x1FFB0] =	vst v61  }
0x73: {  	v9 =	vld [tilespmem:$0x97D0];
	[tilespmem:$0x9A00] =	vst v1;
	v1 =	vmul.f32 v22, v21  }
0x74: {  	v61 =	vld [tilespmem:$0x9780];
	[tilespmem:$0x9A10] =	vst v3;
	v3 =	vmul.f32 v24, v23  }
0x75: {  	v10 =	vld [tilespmem:$0x9BE0];
	[tilespmem:$0x9A20] =	vst v1;
	v1 =	vmul.f32 v26, v25  }
0x76: {  	v11 =	vld [tilespmem:$0x97E0];
	[tilespmem:$0x9A30] =	vst v3;
	v3 =	vmul.f32 v28, v27  }
0x77: {  	v12 =	vld [tilespmem:$0x9BF0];
	[tilespmem:$0x9A40] =	vst v1  }
0x78: {  	v13 =	vld [tilespmem:$0x97F0];
	v1 =	vmul.f32 v30, v29;
	[tilespmem:$0x9A50] =	vst v3  }
0x79: {  	v14 =	vld [tilespmem:$0x9C00];
	v3 =	vmul.f32 v32, v31;
	[tilespmem:$0x1FFC0] =	vst v61  }
0x7a: {  	v61 =	vld [tilespmem:$0x9B90];
	[tilespmem:$0x9A60] =	vst v1;
	v1 =	vmul.f32 v34, v33  }
0x7b: {  	v15 =	vld [tilespmem:$0x9800];
	[tilespmem:$0x9A70] =	vst v3;
	v3 =	vmul.f32 v36, v35  }
0x7c: {  	v16 =	vld [tilespmem:$0x9C10];
	[tilespmem:$0x9A80] =	vst v1;
	v1 =	vmul.f32 v38, v37  }
0x7d: {  	v17 =	vld [tilespmem:$0x9810];
	[tilespmem:$0x9A90] =	vst v3  }
0x7e: {  	v18 =	vld [tilespmem:$0x9C20];
	[tilespmem:$0x9AA0] =	vst v1;
	v1 =	vmul.f32 v42, v41  }
0x7f: {  	v19 =	vld [tilespmem:$0x9820];
	v3 =	vmul.f32 v40, v39;
	[tilespmem:$0x1FFD0] =	vst v61  }
0x80: {  	v20 =	vld [tilespmem:$0x9C30];
	[tilespmem:$0x9AC0] =	vst v1;
	v1 =	vmul.f32 v46, v45  }
0x81: {  	v21 =	vld [tilespmem:$0x9830];
	[tilespmem:$0x9AB0] =	vst v3;
	v3 =	vmul.f32 v44, v43  }
0x82: {  	v22 =	vld [tilespmem:$0x9C40];
	[tilespmem:$0x9AE0] =	vst v1;
	v1 =	vmul.f32 v50, v49  }
0x83: {  	v23 =	vld [tilespmem:$0x9840];
	[tilespmem:$0x9AD0] =	vst v3;
	v3 =	vmul.f32 v48, v47  }
0x84: {  	v61 =	vld [tilespmem:$0x9790];
	[tilespmem:$0x9B00] =	vst v1;
	v1 =	vmul.f32 v54, v53  }
0x85: {  	v24 =	vld [tilespmem:$0x9C50];
	[tilespmem:$0x9AF0] =	vst v3;
	v3 =	vmul.f32 v52, v51  }
0x86: {  	v25 =	vld [tilespmem:$0x9850];
	[tilespmem:$0x9B20] =	vst v1;
	v1 =	vmul.f32 v58, v57  }
0x87: {  	v26 =	vld [tilespmem:$0x9C60];
	[tilespmem:$0x9B10] =	vst v3  }
0x88: {  	v3 =	vmul.f32 v56, v55;
	[tilespmem:$0x9B40] =	vst v1;
	v1 =	vld [tilespmem:$0x1FF90]  }
0x89: {  	[tilespmem:$0x1FFE0] =	vst v61;
	v61 =	vld [tilespmem:$0x9BA0]  }
0x8a: {  	v27 =	vld [tilespmem:$0x9860];
	[tilespmem:$0x9B30] =	vst v3;
	v3 =	vmul.f32 v60, v59  }
0x8b: {  	v28 =	vld [tilespmem:$0x9C70]  }
0x8c: {  	[tilespmem:$0x9B50] =	vst v3;
	v3 =	vld [tilespmem:$0x1FFA0]  }
0x8d: {  	v40 =	vld [tilespmem:$0x9CB0];
	v1 =	vmul.f32 v62, v1  }
0x8e: {  	[tilespmem:$0x1FFF0] =	vst v61;
	v61 =	vld [tilespmem:$0x1FFC0]  }
0x8f: {  	[tilespmem:$0x9B60] =	vst v1;
	v1 =	vld [tilespmem:$0x1FFB0]  }
0x90: {  	v41 =	vld [tilespmem:$0x9CC0]  }
0x91: {  	v42 =	vld [tilespmem:$0x98C0];
	v3 =	vmul.f32 v63, v3  }
0x92: {  	v63 =	vld [tilespmem:$0x1FFE0]  }
0x93: {  	[tilespmem:$0x9B70] =	vst v3;
	v3 =	vld [tilespmem:$0x1FFD0]  }
0x94: {  	v43 =	vld [tilespmem:$0x9CD0];
	v1 =	vmul.f32 v61, v1  }
0x95: {  	v44 =	vld [tilespmem:$0x98D0]  }
0x96: {  	[tilespmem:$0x9B80] =	vst v1;
	v1 =	vld [tilespmem:$0x1FFF0]  }
0x97: {  	v45 =	vld [tilespmem:$0x9CE0]  }
0x98: {  	v46 =	vld [tilespmem:$0x98E0];
	v3 =	vmul.f32 v63, v3  }
0x99: {  	v47 =	vld [tilespmem:$0x9CF0]  }
0x9a: {  	v48 =	vld [tilespmem:$0x98F0];
	[tilespmem:$0x9B90] =	vst v3;
	v3 =	vmul.f32 v5, v4  }
0x9b: {  	v49 =	vld [tilespmem:$0x9D00];
	v1 =	vmul.f32 v2, v1  }
0x9c: {  	v50 =	vld [tilespmem:$0x9900];
	[tilespmem:$0x9BB0] =	vst v3;
	v3 =	vmul.f32 v9, v8  }
0x9d: {  	v51 =	vld [tilespmem:$0x9D10];
	[tilespmem:$0x9BA0] =	vst v1;
	v1 =	vmul.f32 v7, v6  }
0x9e: {  	v52 =	vld [tilespmem:$0x9910];
	[tilespmem:$0x9BD0] =	vst v3;
	v3 =	vmul.f32 v13, v12  }
0x9f: {  	v54 =	vld [tilespmem:$0x9870];
	[tilespmem:$0x9BC0] =	vst v1;
	v1 =	vmul.f32 v11, v10  }
0xa0: {  	v56 =	vld [tilespmem:$0x9C80];
	[tilespmem:$0x9BF0] =	vst v3;
	v3 =	vmul.f32 v17, v16  }
0xa1: {  	v2 =	vld [tilespmem:$0x98B0];
	[tilespmem:$0x9BE0] =	vst v1;
	v1 =	vmul.f32 v15, v14  }
0xa2: {  	v53 =	vld [tilespmem:$0x9D20];
	[tilespmem:$0x9C10] =	vst v3;
	v3 =	vmul.f32 v21, v20  }
0xa3: {  	v57 =	vld [tilespmem:$0x9880];
	[tilespmem:$0x9C00] =	vst v1;
	v1 =	vmul.f32 v19, v18  }
0xa4: {  	v58 =	vld [tilespmem:$0x9C90];
	[tilespmem:$0x9C30] =	vst v3;
	v3 =	vmul.f32 v25, v24  }
0xa5: {  	v60 =	vld [tilespmem:$0x9CA0];
	[tilespmem:$0x9C20] =	vst v1;
	v1 =	vmul.f32 v23, v22  }
0xa6: {  	v62 =	vld [tilespmem:$0x98A0];
	v2 =	vmul.f32 v2, v40;
	[tilespmem:$0x9C50] =	vst v3  }
0xa7: {  	v59 =	vld [tilespmem:$0x9890];
	[tilespmem:$0x9C40] =	vst v1;
	v1 =	vmul.f32 v27, v26  }
0xa8: {  	v55 =	vld [tilespmem:$0x9D30];
	v3 =	vmul.f32 v54, v28;
	[tilespmem:$0x9CB0] =	vst v2  }
0xa9: {  	v61 =	vld [tilespmem:$0x9960];
	[tilespmem:$0x9C60] =	vst v1;
	v1 =	vmul.f32 v57, v56  }
0xaa: {  	v63 =	vld [tilespmem:$0x9970];
	v2 =	vmul.f32 v44, v43;
	[tilespmem:$0x9C70] =	vst v3  }
0xab: {  	v54 =	vld [tilespmem:$0x9920];
	[tilespmem:$0x9C80] =	vst v1;
	v1 =	vmul.f32 v62, v60  }
0xac: {  	v3 =	vmul.f32 v59, v58;
	v58 =	vld [tilespmem:$0x9D50];
	[tilespmem:$0x9CD0] =	vst v2  }
0xad: {  	v56 =	vld [tilespmem:$0x9930];
	[tilespmem:$0x9CA0] =	vst v1;
	v1 =	vmul.f32 v42, v41  }
0xae: {  	v59 =	vld [tilespmem:$0x9950];
	v2 =	vmul.f32 v48, v47;
	[tilespmem:$0x9C90] =	vst v3  }
0xaf: {  	v3 =	vld [tilespmem:$0x9D40];
	[tilespmem:$0x9CC0] =	vst v1;
	v1 =	vmul.f32 v46, v45  }
0xb0: {  	[tilespmem:$0x9CF0] =	vst v2;
	v2 =	vmul.f32 v52, v51;
	v57 =	vld [tilespmem:$0x9940]  }
0xb1: {  	v62 =	vld [tilespmem:$0x9D70];
	[tilespmem:$0x9CE0] =	vst v1;
	v1 =	vmul.f32 v50, v49  }
0xb2: {  	[tilespmem:$0x9D10] =	vst v2;
	v60 =	vld [tilespmem:$0x9D60];
	v2 =	vmul.f32 v56, v55  }
0xb3: {  	[tilespmem:$0x9D00] =	vst v1;
	v1 =	vmul.f32 v54, v53  }
0xb4: {  	[tilespmem:$0x9D30] =	vst v2;
	v2 =	vmul.f32 v59, v58  }
0xb5: {  	[tilespmem:$0x9D20] =	vst v1;
	v1 =	vmul.f32 v57, v3  }
0xb6: {  	[tilespmem:$0x9D50] =	vst v2;
	v2 =	vmul.f32 v63, v62  }
0xb7: {  	[tilespmem:$0x9D40] =	vst v1;
	v1 =	vmul.f32 v61, v60  }
0xb8: {  	[tilespmem:$0x9D70] =	vst v2  }
0xb9: {  	[tilespmem:$0x9D60] =	vst v1  }
0xba: {  	[spmem:s4] =	stream.indirect.scatter.add.f32 [tilespmem:s19], [sflag:$0x7], $0x80, s21, s18, $0xb8;
	[tilespmem:$0x1DD80] =	vst v63  }
0xbb: {  	_ =	swait.ge [sflag:s29], $0x400  }
0xbc: {  	[sflag:s29] =	ssyncset.done $0x0  }
0xbd: {  	s23 =	stileid.u32;
	[sflag:s29] =	ssyncadd.s32 $0xFFFFFC00  }
0xbe: {  	s17 =	sshll.u32 s23, $0x6;
	[bflag:$0x0] =	sbarrier.arrive $0xFFFF  }
0xbf: {  	s24 =	sshrl.u32 s7, $0x3;
	s17 =	sor.u32 $0x1C07, s17;
	s25 =	rddreg [dreg:$0x14]  }
0xc0: {  	[hbm:s25], [sflag:s17] =	dma.local [spmem:s24], $0x2800  }
0xc1: {  	_ =	swait.ge [sflag:s29], $0x2800  }
0xc2: {  	s20 =	sadd.s32 $0x1, s20;
	s26 =	rddreg [dreg:$0x15]  }
0xc3: {  	p0 =	sne.s32 s20, s26  }
.Ltmp1:
0xc4: {  	_ = 	snop;
	(pc) =	sbr.rel @!p0 .LBB2_11-.Ltmp1, $3  }
0xc5: {  	_ =	sdelay $0x1  }
0xc6: {  	[sflag:s29] =	ssyncset.done $0x0  }
0xc7: {  	[sflag:s29] =	ssyncadd.s32 $0xFFFFD800  }
.LBB2_1:
0xc8: {  	s21 =	simm.s32 $0x0;
	s22 =	simm.s32 $0x200  }
.LBB2_2:
0xc9: {  	p0 =	sne.s32 s22, $0x7E00;
	[tilespmem:s21+$0x1570] =	vst v0  }
0xca: {  	[tilespmem:s21+$0x1500] =	vst v0  }
0xcb: {  	[tilespmem:s21+$0x1510] =	vst v0  }
.Ltmp2:
0xcc: {  	[tilespmem:s21+$0x1520] =	vst v0;
	(pc) =	sbr.rel @p0 .LBB2_2-.Ltmp2, $4  }
0xcd: {  	[tilespmem:s21+$0x1530] =	vst v0  }
0xce: {  	[tilespmem:s21+$0x1540] =	vst v0  }
0xcf: {  	[tilespmem:s21+$0x1550] =	vst v0  }
0xd0: {  	[tilespmem:s21+$0x1560] =	vst v0;
	s21 =	sshra.s32 s22, $0x2;
	s22 =	sadd.s32 $0x200, s22  }
0xd1: {  	[tilespmem:s21+$0x1570] =	vst v0  }
0xd2: {  	[tilespmem:s21+$0x1500] =	vst v0  }
0xd3: {  	[tilespmem:s21+$0x1510] =	vst v0  }
0xd4: {  	[tilespmem:s21+$0x1520] =	vst v0  }
0xd5: {  	[tilespmem:s21+$0x1530] =	vst v0  }
0xd6: {  	[tilespmem:s21+$0x1540] =	vst v0  }
0xd7: {  	[tilespmem:s21+$0x1550] =	vst v0  }
0xd8: {  	[tilespmem:s21+$0x1560] =	vst v0  }
0xd9: {  	[spmem:s7] =	stream.linear.scatter [tilespmem:s28], [sflag:$0x7], $0x2000, $0x38;
	[tilespmem:$0x1DD80] =	vst v63  }
0xda: {  	_ =	swait.ge [sflag:s29], $0x2000  }
0xdb: {  	[sflag:s29] =	ssyncset.done $0x0  }
0xdc: {  	s17 =	rddreg [dreg:$0x5];
	[sflag:s29] =	ssyncadd.s32 $0xFFFFE000  }
0xdd: {  	[spmem:s17] =	stream.linear.scatter [tilespmem:s28], [sflag:$0x7], $0x2000, $0x38;
	[tilespmem:$0x1DD80] =	vst v63  }
0xde: {  	_ =	swait.ge [sflag:s29], $0x2000  }
0xdf: {  	[sflag:s29] =	ssyncset.done $0x0  }
0xe0: {  	s26 =	rddreg [dreg:$0x6];
	[sflag:s29] =	ssyncadd.s32 $0xFFFFE000  }
0xe1: {  	[spmem:s26] =	stream.linear.scatter [tilespmem:s28], [sflag:$0x7], $0x2000, $0x38;
	[tilespmem:$0x1DD80] =	vst v63  }
0xe2: {  	_ =	swait.ge [sflag:s29], $0x2000  }
0xe3: {  	[sflag:s29] =	ssyncset.done $0x0  }
0xe4: {  	s21 =	rddreg [dreg:$0x7];
	[sflag:s29] =	ssyncadd.s32 $0xFFFFE000  }
0xe5: {  	[spmem:s21] =	stream.linear.scatter [tilespmem:s28], [sflag:$0x7], $0x2000, $0x38;
	[tilespmem:$0x1DD80] =	vst v63  }
0xe6: {  	_ =	swait.ge [sflag:s29], $0x2000  }
0xe7: {  	[sflag:s29] =	ssyncset.done $0x0  }
0xe8: {  	s22 =	rddreg [dreg:$0x8];
	[sflag:s29] =	ssyncadd.s32 $0xFFFFE000  }
0xe9: {  	[spmem:s22] =	stream.linear.scatter [tilespmem:s28], [sflag:$0x7], $0x2000, $0x38;
	[tilespmem:$0x1DD80] =	vst v63  }
0xea: {  	_ =	swait.ge [sflag:s29], $0x2000  }
0xeb: {  	[sflag:s29] =	ssyncset.done $0x0  }
0xec: {  	s23 =	rddreg [dreg:$0x9];
	[sflag:s29] =	ssyncadd.s32 $0xFFFFE000  }
0xed: {  	[spmem:s23] =	stream.linear.scatter [tilespmem:s28], [sflag:$0x7], $0x2000, $0x38;
	[tilespmem:$0x1DD80] =	vst v63  }
0xee: {  	_ =	swait.ge [sflag:s29], $0x2000  }
0xef: {  	[sflag:s29] =	ssyncset.done $0x0  }
0xf0: {  	s24 =	rddreg [dreg:$0xa];
	[sflag:s29] =	ssyncadd.s32 $0xFFFFE000  }
0xf1: {  	[spmem:s24] =	stream.linear.scatter [tilespmem:s28], [sflag:$0x7], $0x2000, $0x38;
	[tilespmem:$0x1DD80] =	vst v63  }
0xf2: {  	_ =	swait.ge [sflag:s29], $0x2000  }
0xf3: {  	[sflag:s29] =	ssyncset.done $0x0  }
0xf4: {  	s25 =	rddreg [dreg:$0xb];
	[sflag:s29] =	ssyncadd.s32 $0xFFFFE000  }
0xf5: {  	[spmem:s25] =	stream.linear.scatter [tilespmem:s28], [sflag:$0x7], $0x2000, $0x38;
	[tilespmem:$0x1DD80] =	vst v63  }
0xf6: {  	_ =	swait.ge [sflag:s29], $0x2000  }
0xf7: {  	[sflag:s29] =	ssyncset.done $0x0  }
0xf8: {  	s26 =	rddreg [dreg:$0xc];
	[sflag:s29] =	ssyncadd.s32 $0xFFFFE000  }
0xf9: {  	[spmem:s26] =	stream.linear.scatter [tilespmem:s28], [sflag:$0x7], $0x2000, $0x38;
	[tilespmem:$0x1DD80] =	vst v63  }
0xfa: {  	_ =	swait.ge [sflag:s29], $0x2000  }
0xfb: {  	[sflag:s29] =	ssyncset.done $0x0  }
0xfc: {  	s21 =	rddreg [dreg:$0x16];
	[sflag:s29] =	ssyncadd.s32 $0xFFFFE000  }
0xfd: {  	[spmem:s21] =	stream.linear.scatter [tilespmem:s28], [sflag:$0x7], $0x2000, $0x38;
	[tilespmem:$0x1DD80] =	vst v63  }
0xfe: {  	_ =	swait.ge [sflag:s29], $0x2000  }
0xff: {  	[sflag:s29] =	ssyncset.done $0x0  }
0x100: {  	[sflag:s29] =	ssyncadd.s32 $0xFFFFE000  }
0x101: {  	[bflag:$0x0] =	sbarrier.arrive $0xFFFF  }
0x102: {  	s21 =	simm.s32 $0x0;
	s22 =	rddreg [dreg:$0xd]  }
0x103: {  	[tilespmem:s21], [sflag:$0x7] =	stream.linear.gather [hbm4b:s22+s21], $0x1388, $0x38;
	[tilespmem:$0x1DD80] =	vst v63  }
0x104: {  	_ =	swait.ge [sflag:s29], $0x1388  }
0x105: {  	[sflag:s29] =	ssyncset.done $0x0  }
0x106: {  	s23 =	rddreg [dreg:$0xe];
	[sflag:s29] =	ssyncadd.s32 $0xFFFFEC78  }
0x107: {  	[tilespmem:s30], [sflag:$0x5] =	stream.linear.gather [hbm4b:s23+s21], $0x40, $0x38;
	[tilespmem:$0x1DD80] =	vst v63  }
0x108: {  	s24 =	rddreg [dreg:$0xf]  }
0x109: {  	[tilespmem:s31], [sflag:$0x3] =	stream.linear.gather [hbm4b:s24+s21], $0x2000, $0x38;
	[tilespmem:$0x1DD80] =	vst v63  }
0x10a: {  	_ = 	snop  }
0x10b: {  	[tilespmem:s28], [sflag:$0x1] =	stream.indirect.gather [hbm4b:s0+s2], $0x80, s21, s2, $0xb8;
	[tilespmem:$0x1DD80] =	vst v63  }
0x10c: {  	s25 =	rddreg [dreg:$0x10]  }
0x10d: {  	[tilespmem:s1], [sflag:$0x6] =	stream.linear.gather [hbm4b:s25+s21], $0x40, $0x38;
	[tilespmem:$0x1DD80] =	vst v63  }
0x10e: {  	s26 =	rddreg [dreg:$0x11]  }
0x10f: {  	[tilespmem:s9], [sflag:$0x4] =	stream.linear.gather [hbm4b:s26+s21], $0x2000, $0x38;
	[tilespmem:$0x1DD80] =	vst v63  }
0x110: {  	_ = 	snop  }
0x111: {  	[tilespmem:s10], [sflag:$0x2] =	stream.indirect.gather [hbm4b:s0+s2], $0x80, s2, s2, $0xb8;
	[tilespmem:$0x1DD80] =	vst v63  }
.LBB2_4:
0x112: {  	_ =	swait.ge [sflag:s11], $0x2000  }
0x113: {  	[sflag:s11] =	ssyncset.done $0x0  }
0x114: {  	[sflag:s11] =	ssyncadd.s32 $0xFFFFE000  }
0x115: {  	_ =	swait.ge [sflag:s12], $0x2000  }
0x116: {  	[sflag:s12] =	ssyncset.done $0x0  }
0x117: {  	s22 =	simm.s32 $0x0;
	[sflag:s12] =	ssyncadd.s32 $0xFFFFE000  }
0x118: {  	v8 =	vld [tilespmem:s22+$0x1500]  }
0x119: {  	v12 =	vld [tilespmem:s22+$0x1510]  }
0x11a: {  	v6 =	vld [tilespmem:s22+$0x1520]  }
0x11b: {  	v5 =	vld [tilespmem:s22+$0x1530]  }
0x11c: {  	v4 =	vld [tilespmem:s22+$0x1540]  }
0x11d: {  	v3 =	vld [tilespmem:s22+$0x1550]  }
0x11e: {  	v2 =	vld [tilespmem:s22+$0x1560]  }
0x11f: {  	v1 =	vld [tilespmem:s22+$0x1570]  }
0x120: {  	v13 =	vld [tilespmem:s22+$0x5500]  }
0x121: {  	v14 =	vld [tilespmem:s22+$0x5510]  }
0x122: {  	v11 =	vld [tilespmem:s22+$0x5520]  }
0x123: {  	v10 =	vld [tilespmem:s22+$0x5530]  }
0x124: {  	v9 =	vld [tilespmem:s22+$0x5540]  }
0x125: {  	v7 =	vld [tilespmem:s22+$0x5550];
	v13 =	vmul.f32 v8, v13  }
0x126: {  	s23 =	simm.s32 $0x200;
	v12 =	vmul.f32 v12, v14;
	v8 =	vld [tilespmem:s22+$0x5560]  }
.LBB2_5:
0x127: {  	s24 =	sshra.s32 s23, $0x2;
	p0 =	sne.s32 s23, $0x7E00;
	[tilespmem:s22+$0x5500] =	vst v13;
	v6 =	vmul.f32 v6, v11;
	v11 =	vld [tilespmem:s22+$0x5570]  }
0x128: {  	v13 =	vld [tilespmem:s24+$0x1500];
	[tilespmem:s22+$0x5510] =	vst v12;
	v5 =	vmul.f32 v5, v10  }
0x129: {  	v12 =	vld [tilespmem:s24+$0x1510];
	[tilespmem:s22+$0x5520] =	vst v6;
	v4 =	vmul.f32 v4, v9  }
0x12a: {  	v6 =	vld [tilespmem:s24+$0x1520];
	[tilespmem:s22+$0x5530] =	vst v5;
	v3 =	vmul.f32 v3, v7  }
0x12b: {  	v5 =	vld [tilespmem:s24+$0x1530];
	[tilespmem:s22+$0x5540] =	vst v4;
	v2 =	vmul.f32 v2, v8  }
0x12c: {  	v4 =	vld [tilespmem:s24+$0x1540];
	[tilespmem:s22+$0x5550] =	vst v3;
	v1 =	vmul.f32 v1, v11  }
0x12d: {  	v3 =	vld [tilespmem:s24+$0x1550];
	[tilespmem:s22+$0x5560] =	vst v2  }
0x12e: {  	v2 =	vld [tilespmem:s24+$0x1560];
	[tilespmem:s22+$0x5570] =	vst v1;
	s22 =	smov.u32 s24  }
0x12f: {  	v1 =	vld [tilespmem:s22+$0x1570]  }
0x130: {  	v7 =	vld [tilespmem:s22+$0x5500]  }
0x131: {  	v8 =	vld [tilespmem:s22+$0x5510]  }
.Ltmp3:
0x132: {  	v11 =	vld [tilespmem:s22+$0x5520];
	(pc) =	sbr.rel @p0 .LBB2_5-.Ltmp3, $4  }
0x133: {  	v10 =	vld [tilespmem:s22+$0x5530]  }
0x134: {  	v9 =	vld [tilespmem:s22+$0x5540]  }
0x135: {  	v13 =	vmul.f32 v13, v7;
	v7 =	vld [tilespmem:s22+$0x5550]  }
0x136: {  	s23 =	sadd.s32 $0x200, s23;
	v12 =	vmul.f32 v12, v8;
	v8 =	vld [tilespmem:s22+$0x5560]  }
0x137: {  	[tilespmem:s22+$0x5500] =	vst v13;
	v6 =	vmul.f32 v6, v11;
	v11 =	vld [tilespmem:s22+$0x5570]  }
0x138: {  	[tilespmem:s22+$0x5510] =	vst v12;
	v5 =	vmul.f32 v5, v10  }
0x139: {  	[tilespmem:s22+$0x5520] =	vst v6;
	v4 =	vmul.f32 v4, v9  }
0x13a: {  	[tilespmem:s22+$0x5530] =	vst v5;
	v3 =	vmul.f32 v3, v7  }
0x13b: {  	[tilespmem:s22+$0x5540] =	vst v4;
	v2 =	vmul.f32 v2, v8  }
0x13c: {  	[tilespmem:s22+$0x5550] =	vst v3;
	v1 =	vmul.f32 v1, v11  }
0x13d: {  	[tilespmem:s22+$0x5560] =	vst v2  }
0x13e: {  	[tilespmem:s22+$0x5570] =	vst v1  }
0x13f: {  	p0 =	seq.s32 s21, $0x26;
	s22 =	sshll.u32 s21, $0x7;
	_ =	swait.ge [sflag:s13], $0x40  }
0x140: {  	s23 =	sadd.s32 @!p0 $0x80, s22;
	[sflag:s13] =	ssyncset.done $0x0  }
0x141: {  	s24 =	sadd.s32 @!p0 s8, s23;
	[sflag:s13] =	ssyncadd.s32 $0xFFFFFFC0  }
0x142: {  	[spmem:s4] =	stream.indirect.scatter.add.f32 [tilespmem:s31], [sflag:$0x7], $0x80, s30, s2, $0xb8;
	[tilespmem:$0x1DD80] =	vst v63  }
0x143: {  	s25 =	sshrl.u32 @!p0 s24, $0x3;
	_ =	swait.ge [sflag:s29], $0x2000  }
0x144: {  	s26 =	simm.s32 @!p0 $0x0;
	s25 =	sadd.s32 @!p0 s3, s25;
	[sflag:s29] =	ssyncset.done $0x0  }
0x145: {  	s17 =	simm.s32 @!p0 $0x1400;
	s25 =	sadd.s32 @!p0 $0xEA60, s25;
	[sflag:s29] =	ssyncadd.s32 $0xFFFFE000  }
0x146: {  	[tilespmem:s17], [sflag:$0x5] =	stream.linear.gather @!p0 [hbm4b:s25+s26], $0x40, $0x38;
	[tilespmem:$0x1DD80] =	vst v63  }
0x147: {  	s17 =	sshll.u32 @!p0 s24, $0x4  }
0x148: {  	s24 =	simm.s32 @!p0 $0x5500;
	s17 =	sadd.s32 @!p0 s6, s17  }
0x149: {  	[tilespmem:s24], [sflag:$0x3] =	stream.linear.gather @!p0 [hbm4b:s17+s26], $0x2000, $0x38;
	[tilespmem:$0x1DD80] =	vst v63  }
0x14a: {  	s17 =	simm.s32 @!p0 $0x40;
	s24 =	simm.s32 @!p0 $0x1500  }
0x14b: {  	[tilespmem:s24], [sflag:$0x1] =	stream.indirect.gather @!p0 [hbm4b:s0+s17], $0x80, s23, s17, $0xb8;
	[tilespmem:$0x1DD80] =	vst v63  }
0x14c: {  	_ =	swait.ge [sflag:s14], $0x2000  }
0x14d: {  	[sflag:s14] =	ssyncset.done $0x0  }
0x14e: {  	[sflag:s14] =	ssyncadd.s32 $0xFFFFE000  }
0x14f: {  	_ =	swait.ge [sflag:s15], $0x2000  }
0x150: {  	[sflag:s15] =	ssyncset.done $0x0  }
0x151: {  	s23 =	simm.s32 $0x0;
	[sflag:s15] =	ssyncadd.s32 $0xFFFFE000  }
0x152: {  	v8 =	vld [tilespmem:s23+$0x3500]  }
0x153: {  	v12 =	vld [tilespmem:s23+$0x3510]  }
0x154: {  	v6 =	vld [tilespmem:s23+$0x3520]  }
0x155: {  	v5 =	vld [tilespmem:s23+$0x3530]  }
0x156: {  	v4 =	vld [tilespmem:s23+$0x3540]  }
0x157: {  	v3 =	vld [tilespmem:s23+$0x3550]  }
0x158: {  	v2 =	vld [tilespmem:s23+$0x3560]  }
0x159: {  	v1 =	vld [tilespmem:s23+$0x3570]  }
0x15a: {  	v13 =	vld [tilespmem:s23+$0x7500]  }
0x15b: {  	v14 =	vld [tilespmem:s23+$0x7510]  }
0x15c: {  	v11 =	vld [tilespmem:s23+$0x7520]  }
0x15d: {  	v10 =	vld [tilespmem:s23+$0x7530]  }
0x15e: {  	v9 =	vld [tilespmem:s23+$0x7540]  }
0x15f: {  	v7 =	vld [tilespmem:s23+$0x7550];
	v13 =	vmul.f32 v8, v13  }
0x160: {  	s24 =	simm.s32 $0x200;
	v12 =	vmul.f32 v12, v14;
	v8 =	vld [tilespmem:s23+$0x7560]  }
.LBB2_7:
0x161: {  	s17 =	sshra.s32 s24, $0x2;
	p1 =	sne.s32 s24, $0x7E00;
	[tilespmem:s23+$0x7500] =	vst v13;
	v6 =	vmul.f32 v6, v11;
	v11 =	vld [tilespmem:s23+$0x7570]  }
0x162: {  	v13 =	vld [tilespmem:s17+$0x3500];
	[tilespmem:s23+$0x7510] =	vst v12;
	v5 =	vmul.f32 v5, v10  }
0x163: {  	v12 =	vld [tilespmem:s17+$0x3510];
	[tilespmem:s23+$0x7520] =	vst v6;
	v4 =	vmul.f32 v4, v9  }
0x164: {  	v6 =	vld [tilespmem:s17+$0x3520];
	[tilespmem:s23+$0x7530] =	vst v5;
	v3 =	vmul.f32 v3, v7  }
0x165: {  	v5 =	vld [tilespmem:s17+$0x3530];
	[tilespmem:s23+$0x7540] =	vst v4;
	v2 =	vmul.f32 v2, v8  }
0x166: {  	v4 =	vld [tilespmem:s17+$0x3540];
	[tilespmem:s23+$0x7550] =	vst v3;
	v1 =	vmul.f32 v1, v11  }
0x167: {  	v3 =	vld [tilespmem:s17+$0x3550];
	[tilespmem:s23+$0x7560] =	vst v2  }
0x168: {  	v2 =	vld [tilespmem:s17+$0x3560];
	[tilespmem:s23+$0x7570] =	vst v1;
	s23 =	smov.u32 s17  }
0x169: {  	v1 =	vld [tilespmem:s23+$0x3570]  }
0x16a: {  	v7 =	vld [tilespmem:s23+$0x7500]  }
0x16b: {  	v8 =	vld [tilespmem:s23+$0x7510]  }
.Ltmp4:
0x16c: {  	v11 =	vld [tilespmem:s23+$0x7520];
	(pc) =	sbr.rel @p1 .LBB2_7-.Ltmp4, $4  }
0x16d: {  	v10 =	vld [tilespmem:s23+$0x7530]  }
0x16e: {  	v9 =	vld [tilespmem:s23+$0x7540]  }
0x16f: {  	v13 =	vmul.f32 v13, v7;
	v7 =	vld [tilespmem:s23+$0x7550]  }
0x170: {  	s24 =	sadd.s32 $0x200, s24;
	v12 =	vmul.f32 v12, v8;
	v8 =	vld [tilespmem:s23+$0x7560]  }
0x171: {  	[tilespmem:s23+$0x7500] =	vst v13;
	v6 =	vmul.f32 v6, v11;
	v63 =	vld [tilespmem:s23+$0x7570]  }
0x172: {  	[tilespmem:s23+$0x7510] =	vst v12;
	v5 =	vmul.f32 v5, v10  }
0x173: {  	[tilespmem:s23+$0x7520] =	vst v6;
	v4 =	vmul.f32 v4, v9  }
0x174: {  	[tilespmem:s23+$0x7530] =	vst v5;
	v3 =	vmul.f32 v3, v7  }
0x175: {  	[tilespmem:s23+$0x7540] =	vst v4;
	v2 =	vmul.f32 v2, v8  }
0x176: {  	[tilespmem:s23+$0x7550] =	vst v3;
	v1 =	vmul.f32 v1, v63  }
0x177: {  	[tilespmem:s23+$0x7560] =	vst v2  }
0x178: {  	[tilespmem:s23+$0x7570] =	vst v1  }
0x179: {  	_ =	swait.ge [sflag:s16], $0x40  }
0x17a: {  	[sflag:s16] =	ssyncset.done $0x0  }
.Ltmp5:
0x17b: {  	[sflag:s16] =	ssyncadd.s32 $0xFFFFFFC0;
	(pc) =	sbr.rel @p0 .LBB2_10-.Ltmp5, $4  }
0x17c: {  	[spmem:s4] =	stream.indirect.scatter.add.f32 [tilespmem:s9], [sflag:$0x7], $0x80, s1, s2, $0xb8;
	[tilespmem:$0x1DD80] =	vst v63  }
0x17d: {  	_ =	swait.ge [sflag:s29], $0x2000  }
0x17e: {  	[sflag:s29] =	ssyncset.done $0x0  }
0x17f: {  	[sflag:s29] =	ssyncadd.s32 $0xFFFFE000  }
0x180: {  	s17 =	sadd.s32 $0xC0, s22  }
0x181: {  	s22 =	sadd.s32 s8, s17  }
0x182: {  	s23 =	sshrl.u32 s22, $0x3  }
0x183: {  	s23 =	sadd.s32 s3, s23  }
0x184: {  	s23 =	sadd.s32 $0xEA60, s23  }
0x185: {  	[tilespmem:s1], [sflag:$0x6] =	stream.linear.gather [hbm4b:s23+s5], $0x40, $0x38;
	[tilespmem:$0x1DD80] =	vst v63  }
.Ltmp6:
0x186: {  	s22 =	sshll.u32 s22, $0x4;
	(pc) =	sbr.rel .LBB2_4-.Ltmp6, $4  }
0x187: {  	s22 =	sadd.s32 s6, s22  }
0x188: {  	[tilespmem:s9], [sflag:$0x4] =	stream.linear.gather [hbm4b:s22+s5], $0x2000, $0x38;
	[tilespmem:$0x1DD80] =	vst v63  }
0x189: {  	s21 =	sadd.s32 $0x1, s21  }
0x18a: {  	[tilespmem:s10], [sflag:$0x2] =	stream.indirect.gather [hbm4b:s0+s2], $0x80, s17, s2, $0xb8;
	[tilespmem:$0x1DD80] =	vst v63  }
.LBB2_11:
0x18b: {  	_ =	sfence.sel $0x180000  }
0x18c: {  	[bflag:$0x0] =	sbarrier.arrive $0xFFFF  }
0x18d: {  	_ =	strace $0x90000047  }
0x18e: {  	s0 =	stileid.u32;
	[bflag:$0x2] =	sbarrier.arrive $0xFFFF  }
0x18f: {  	p0 =	sne.s32 s0, $0x0;
	s0 =	rddreg [dreg:$0x4]  }
0x190: {  	s0 =	sadd.s32 @!p0 $0x100000, s0  }
0x191: {  	[sflag:s0] =	ssyncadd.tile.s32 @!p0 $0x1;
	_ =	shalt  }
.Lfunc_end2:
_tile_overlayer_lowered:
.L_overlay_start_2:
0x192: {  	(tag) =	ssettag $0x2  }
0x193: {  	s0 =	rddreg [dreg:$0x0];
	s2 =	stileid.u32  }
0x194: {  	s1 =	rddreg [dreg:$0x1];
	p0 =	sne.s32 s2, $0x0  }
0x195: {  	s3 =	rddreg [dreg:$0x2];
	[bflag:$0x3] =	sbarrier.arrive $0xFFFF;
	s2 =	simm.s32 @!p0 $0x1C07  }
0x196: {  	[timem:s3], [sflag:s2] =	dma.local @!p0 [hbm:s0], s1  }
0x197: {  	s0 =	simm.s32 @!p0 $0x7  }
0x198: {  	_ =	swait.ge @!p0 [sflag:s0], s1  }
0x199: {  	s1 =	ssub.s32 @!p0 $0x0, s1;
	[sflag:s0] =	ssyncset.done @!p0 $0x0  }
0x19a: {  	[sflag:s0] =	ssyncadd.s32 @!p0 s1  }
0x19b: {  	[bflag:$0x3] =	sbarrier.arrive $0xFFFF  }
0x19c: {  	_ =	shalt  }

// kernel: kernel.7.cloned.1.call-start
scs
__scs_entry_jumppad:
0x0: {  	(pc) =	sbr.rel $0x88, $3  }
0x1: {  	(tag) =	ssettag $0x0;
	lr =	simm.s32 $0x1  }
0x2: {  	[smem:$0x3F91] =	sst lr;
	_ =	strace $0xD0000000  }
0x3: {  	_ = 	snop  }
0x4: {  	_ = 	snop  }
0x5: {  	_ = 	snop  }
0x6: {  	_ = 	snop  }
0x7: {  	_ = 	snop  }
__scs_overlays_trampoline_lowered:
0x8: {  	[smem:$0x3FA0] =	sst s0  }
0x9: {  	[smem:$0x3FA1] =	sst s1  }
0xa: {  	[smem:$0x3FA2] =	sst s2  }
0xb: {  	[smem:$0x3FA3] =	sst s3  }
0xc: {  	[smem:$0x3FA4] =	sst s4  }
0xd: {  	[smem:$0x3FA5] =	sst s5  }
0xe: {  	[smem:$0x3FA6] =	sst s6  }
0xf: {  	[smem:$0x3FA7] =	sst s7  }
0x10: {  	[smem:$0x3FA8] =	sst s8  }
0x11: {  	[smem:$0x3FA9] =	sst s9;
	s0 =	simm.s32 @!p0 $0x0  }
0x12: {  	s1 =	sld [smem:$0x3F8F];
	s0 =	simm.s32 @p0 $0x1  }
0x13: {  	[smem:$0x3FAA] =	sst s0;
	s0 =	simm.s32 @!p1 $0x0  }
0x14: {  	s2 =	sld [smem:$0x3F8E];
	s0 =	simm.s32 @p1 $0x1  }
0x15: {  	[smem:$0x3FAB] =	sst s0;
	s0 =	simm.s32 @!p2 $0x0  }
0x16: {  	s3 =	sld [smem:$0x3FDB];
	s0 =	simm.s32 @p2 $0x1  }
0x17: {  	s4 =	simm.s32 $0x1BF5;
	[smem:$0x3FAD] =	sst s0  }
0x18: {  	s0 =	sld [smem:$0x3F90];
	_ =	swait.ge [sflag:s4], $0x0  }
0x19: {  	s7 =	sld [smem:$0x3F91]  }
0x1a: {  	s8 =	sadd.s32 $0xFFFFE003, lr  }
0x1b: {  	s9 =	sadd.s32 $0xFFFFFEF7, lr;
	s5 =	simm.s32 $0xFFFFFFFF;
	p2 =	slt.u32 s8, $0xFFFFF086  }
0x1c: {  	p1 =	slt.u32 s9, $0xF7A;
	s5 =	simm.s32 @!p2 $0x0  }
0x1d: {  	s5 =	simm.s32 @p1 $0x1;
	p0 =	seq.s32 s7, s2  }
0x1e: {  	s7 =	smul.u32 @!p0 $0xF7A, s2;
	p2 =	seq.s32 @!p0 s5, $0x0  }
0x1f: {  	s9 =	smul.u32 $0xF7A, s1;
	s8 =	simm.s32 @!p0 $0x1BF5;
	p2 =	por !p2, p0  }
0x20: {  	[sflag:s8] =	ssyncset.s32 @!p0 $0xFFFFF086;
	s6 =	sadd.s32 @!p0 s3, s7;
	s7 =	simm.s32 @!p0 $0x108  }
0x21: {  	s3 =	sadd.s32 s3, s9;
	s6 =	sadd.s32 @!p0 $0x88, s6;
	s7 =	simm.s32 @p2 $0x1082  }
0x22: {  	[simem:s7], [sflag:s8] =	dma.local @!p0 [hbm:s6], $0xF7A  }
0x23: {  	s9 =	sor.u32 $0xD0000000, s2;
	s6 =	simm.s32 $0x108;
	_ =	swait.ge @!p0 [sflag:s8], $0x0  }
0x24: {  	s3 =	sadd.s32 $0x88, s3;
	s6 =	simm.s32 @!p1 $0x1082;
	[sflag:s4] =	ssyncset.s32 $0xFFFFF086  }
0x25: {  	[simem:s6], [sflag:s4] =	dma.local [hbm:s3], $0xF7A  }
0x26: {  	[smem:$0x3F91] =	sst s1;
	(tag) =	ssettag s2;
	_ =	strace s9  }
0x27: {  	s1 =	sld [smem:$0x3FA1]  }
0x28: {  	s2 =	sld [smem:$0x3FA2]  }
0x29: {  	s4 =	sld [smem:$0x3FA4]  }
0x2a: {  	p0 =	seq.s32 s5, $0x0;
	s5 =	sld [smem:$0x3FA5]  }
0x2b: {  	s6 =	sld [smem:$0x3FA6]  }
0x2c: {  	s7 =	sld [smem:$0x3FA7]  }
0x2d: {  	s3 =	simm.s32 $0x108;
	s8 =	sld [smem:$0x3FA8]  }
0x2e: {  	s3 =	simm.s32 @!p0 $0x1082;
	s9 =	sld [smem:$0x3FA9]  }
0x2f: {  	lr =	sadd.s32 s0, s3;
	s0 =	sld [smem:$0x3FA0]  }
0x30: {  	s3 =	sld [smem:$0x3FA3]  }
0x31: {  	[smem:$0x3FAC] =	sst s10  }
0x32: {  	s10 =	sld [smem:$0x3FAA];
	_ =	sdelay $0x3  }
0x33: {  	p0 =	seq.s32 s10, $0x1;
	s10 =	sld [smem:$0x3FAC];
	_ =	sdelay $0x3  }
0x34: {  	[smem:$0x3FAC] =	sst s10  }
0x35: {  	s10 =	sld [smem:$0x3FAB];
	_ =	sdelay $0x3  }
0x36: {  	p1 =	seq.s32 s10, $0x1;
	s10 =	sld [smem:$0x3FAC];
	_ =	sdelay $0x3  }
0x37: {  	[smem:$0x3FAC] =	sst s10  }
0x38: {  	s10 =	sld [smem:$0x3FAD]  }
0x39: {  	_ = 	snop;
	(pc) =	sbr.ind lr, $3  }
0x3a: {  	_ = 	snop  }
0x3b: {  	_ = 	snop  }
0x3c: {  	p2 =	seq.s32 s10, $0x1;
	s10 =	sld [smem:$0x3FAC]  }
0x3d: {  	_ =	shalt  }
0x3e: {  	_ =	shalt  }
0x3f: {  	_ =	shalt  }
0x40: {  	_ =	shalt  }
0x41: {  	_ =	shalt  }
0x42: {  	_ =	shalt  }
0x43: {  	_ =	shalt  }
0x44: {  	_ =	shalt  }
0x45: {  	_ =	shalt  }
0x46: {  	_ =	shalt  }
0x47: {  	_ =	shalt  }
0x48: {  	_ =	shalt  }
0x49: {  	_ =	shalt  }
0x4a: {  	_ =	shalt  }
0x4b: {  	_ =	shalt  }
0x4c: {  	_ =	shalt  }
0x4d: {  	_ =	shalt  }
0x4e: {  	_ =	shalt  }
0x4f: {  	_ =	shalt  }
0x50: {  	_ =	shalt  }
0x51: {  	_ =	shalt  }
0x52: {  	_ =	shalt  }
0x53: {  	_ =	shalt  }
0x54: {  	_ =	shalt  }
0x55: {  	_ =	shalt  }
0x56: {  	_ =	shalt  }
0x57: {  	_ =	shalt  }
0x58: {  	_ =	shalt  }
0x59: {  	_ =	shalt  }
0x5a: {  	_ =	shalt  }
0x5b: {  	_ =	shalt  }
0x5c: {  	_ =	shalt  }
0x5d: {  	_ =	shalt  }
0x5e: {  	_ =	shalt  }
0x5f: {  	_ =	shalt  }
0x60: {  	_ =	shalt  }
0x61: {  	_ =	shalt  }
0x62: {  	_ =	shalt  }
0x63: {  	_ =	shalt  }
0x64: {  	_ =	shalt  }
0x65: {  	_ =	shalt  }
0x66: {  	_ =	shalt  }
0x67: {  	_ =	shalt  }
0x68: {  	_ =	shalt  }
0x69: {  	_ =	shalt  }
0x6a: {  	_ =	shalt  }
0x6b: {  	_ =	shalt  }
0x6c: {  	_ =	shalt  }
0x6d: {  	_ =	shalt  }
0x6e: {  	_ =	shalt  }
0x6f: {  	_ =	shalt  }
0x70: {  	_ =	shalt  }
0x71: {  	_ =	shalt  }
0x72: {  	_ =	shalt  }
0x73: {  	_ =	shalt  }
0x74: {  	_ =	shalt  }
0x75: {  	_ =	shalt  }
0x76: {  	_ =	shalt  }
0x77: {  	_ =	shalt  }
0x78: {  	_ =	shalt  }
0x79: {  	_ =	shalt  }
0x7a: {  	_ =	shalt  }
0x7b: {  	_ =	shalt  }
0x7c: {  	_ =	shalt  }
0x7d: {  	_ =	shalt  }
0x7e: {  	_ =	shalt  }
0x7f: {  	_ =	shalt  }
0x80: {  	_ =	shalt  }
0x81: {  	_ =	shalt  }
0x82: {  	_ =	shalt  }
0x83: {  	_ =	shalt  }
0x84: {  	_ =	shalt  }
0x85: {  	_ =	shalt  }
0x86: {  	_ =	shalt  }
0x87: {  	_ =	shalt  }
.Lfunc_end0:
.L_simem_size_0:
called_computation_lowered:
.L_overlay_start_0:
0x88: {  	s2 =	sld [smem:$0x3FD9]  }
0x89: {  	s3 =	sld [smem:$0x3FFE];
	_ =	sdelay $0x1  }
0x8a: {  	s1 =	srdreg.scid  }
0x8b: {  	s0 =	sand.u32 $0x1, s1  }
0x8c: {  	s17 =	sshll.u32 s0, $0xA;
	s2 =	sadd.s32 s3, s2  }
0x8d: {  	s2 =	sadd.s32 s2, s17  }
0x8e: {  	[smem:$0x3FB8] =	sst s2  }
0x8f: {  	_ = 	snop  }
0x90: {  	s4 =	sld [smem:$0x3FC9]  }
0x91: {  	s18 =	sld [smem:$0x3FD0];
	(tm) =	ssettm $0x1  }
0x92: {  	s19 =	sld [smem:$0x3FFB];
	_ =	sdelay $0x3  }
0x93: {  	_ =	strace s19  }
0x94: {  	s2 =	sld [smem:$0x3FFC];
	_ =	sdelay $0x3  }
0x95: {  	_ =	strace s2  }
0x96: {  	s2 =	sld [smem:$0x3FFD];
	_ =	sdelay $0x3  }
0x97: {  	_ =	strace s2  }
0x98: {  	_ =	strace $0x8FFFFFFF  }
0x99: {  	s20 =	sld [smem:$0x3FDB];
	_ =	sdelay $0x1  }
0x9a: {  	s5 =	simm.s32 $_scs_section_size  }
0x9b: {  	s6 =	simm.s32 $_size__tile_overlayer_lowered;
	s7 =	simm.s32 $_tile_overlayer_lowered  }
0x9c: {  	s8 =	simm.s32 $0x1BFF;
	s21 =	sshll.u32 s7, $0x1;
	s5 =	sadd.s32 s5, s20  }
0x9d: {  	s22 =	simm.s32 $0x0;
	s6 =	sshll.u32 s6, $0x1;
	s7 =	sadd.s32 s21, s5  }
0x9e: {  	[timem:s22], [sflag:s8] =	dma.local [hbm:s7], s6  }
0x9f: {  	_ =	swait.ge [sflag:s8], s6  }
0xa0: {  	s6 =	ssub.s32 $0x0, s6;
	[sflag:s8] =	ssyncset.done $0x0  }
0xa1: {  	[sflag:s8] =	ssyncadd.s32 s6;
	_ =	sdelay $0x1  }
0xa2: {  	s23 =	simm.s32 $0x1B8B  }
0xa3: {  	_ =	swait.ge [sflag:s23], $0x1  }
0xa4: {  	[sflag:s23] =	ssyncset.done $0x0  }
0xa5: {  	[sflag:s23] =	ssyncadd.s32 $0xFFFFFFFF  }
0xa6: {  	s6 =	sld [smem:$0x0]  }
0xa7: {  	s7 =	sand.u32 $0xFFFFFFFE, s1  }
0xa8: {  	p0 =	sne.s32 s1, s7  }
0xa9: {  	s7 =	sshll.u32 @p0 s7, $0xE  }
0xaa: {  	s7 =	sadd.s32 @p0 $0x11B8D, s7;
	s8 =	sshll.u32 @p0 s6, $0x11  }
0xab: {  	s7 =	sor.u32 @p0 s8, s7  }
0xac: {  	[sflag:s7] =	ssyncadd.remote.s32 @p0 $0x1;
	_ =	sdelay $0x1  }
0xad: {  	s7 =	simm.s32 @p0 $0x1B8D  }
0xae: {  	_ =	swait.eq @p0 [sflag:s7], $0x1  }
0xaf: {  	[sflag:s7] =	ssyncadd.s32 @p0 $0xFFFFFFFF  }
0xb0: {  	s8 =	sshll.u32 @!p0 s1, $0xE  }
0xb1: {  	s8 =	sor.u32 @!p0 $0x4000, s8;
	s7 =	simm.s32 @!p0 $0x1B8D  }
0xb2: {  	s6 =	sshll.u32 @!p0 s6, $0x11;
	s8 =	sadd.s32 @!p0 $0x11B8D, s8;
	_ =	swait.eq @!p0 [sflag:s7], $0x1  }
0xb3: {  	s6 =	sor.u32 @!p0 s6, s8;
	[sflag:s7] =	ssyncadd.s32 @!p0 $0xFFFFFFFF  }
0xb4: {  	s25 =	simm.s32 $0x1B8E;
	s24 =	sld [smem:$0x3FFE];
	[sflag:s6] =	ssyncadd.remote.s32 @!p0 $0x1  }
0xb5: {  	s26 =	simm.s32 $execute0_lowered;
	[smem:$0x3FD2] =	sst s25  }
0xb6: {  	s7 =	sshll.u32 s26, $0x1;
	_ =	strace $0x80000049;
	[dreg:$0x1] =	wrdreg $0xFFFFFFFF  }
0xb7: {  	s28 =	simm.s32 $_size_execute0_lowered;
	s5 =	sadd.s32 s5, s7;
	[dreg:$0x0] =	wrdreg $0x0  }
0xb8: {  	s7 =	sshll.u32 s28, $0x1;
	[dreg:$0x2] =	wrdreg s5  }
0xb9: {  	[dreg:$0x3] =	wrdreg s7  }
0xba: {  	[dreg:$0x4] =	wrdreg $0xC0  }
0xbb: {  	_ =	task [dreg:s22], $0x5FFFF  }
0xbc: {  	[dreg:$0x1] =	wrdreg $0xFFFFFFFF  }
0xbd: {  	[dreg:$0x0] =	wrdreg $0x60  }
0xbe: {  	[dreg:$0x2] =	wrdreg s4  }
0xbf: {  	[dreg:$0x3] =	wrdreg s24  }
0xc0: {  	[dreg:$0x4] =	wrdreg s18  }
0xc1: {  	[dreg:$0x5] =	wrdreg $0x9D800  }
0xc2: {  	[dreg:$0x6] =	wrdreg $0x9  }
0xc3: {  	_ =	task.clear_ibuf [dreg:s22], $0x7FFFF;
	_ =	strace $0x90000049  }
0xc4: {  	s29 =	simm.s32 $0x9;
	_ =	strace $0x8000004B  }
0xc5: {  	_ =	swait.ge [sflag:s29], $0x1  }
0xc6: {  	[sflag:s29] =	ssyncadd.s32 $0xFFFFFFFF  }
0xc7: {  	_ =	strace $0x9000004B  }
0xc8: {  	_ =	sfence  }
0xc9: {  	s30 =	sld [smem:$0x0];
	_ =	sdelay $0x2  }
0xca: {  	s31 =	sshll.u32 s1, $0xD;
	s1 =	sshrl.u32 s1, $0x2  }
0xcb: {  	s4 =	sand.u32 $0x4000, s31;
	s1 =	sadd.s32 s1, s30  }
0xcc: {  	s0 =	sor.u32 s4, s0;
	s1 =	sshll.u32 s1, $0x11  }
0xcd: {  	s0 =	sor.u32 s1, s0  }
0xce: {  	s0 =	sadd.s32 $0x8F2B, s0  }
0xcf: {  	[sflag:s0] =	ssyncadd.remote.s32 $0x1  }
0xd0: {  	_ =	sfence.sel $0xFFFF  }
0xd1: {  	[dreg:$0x0] =	wrdreg $0xFFFFFFFF;
	(pc) =	sbr.abs _section_cstart, $3  }
0xd2: {  	[dreg:$0x1] =	wrdreg $0xFFFFFFFF  }
0xd3: {  	_ =	task.clear_ibuf [dreg:s22], $0x2FFFF;
	_ =	strace $0x9FFFFFFF  }
0xd4: {  	(tm) =	ssettm $0x7FFFFFFF  }
0xd5: {  	_ =	shalt  }
tec
execute0_lowered:
.L_overlay_start_1:
0x0: {  	(tag) =	ssettag $0x1  }
0x1: {  	s1 =	rddreg [dreg:$0x0]  }
0x2: {  	s2 =	rddreg [dreg:$0x1]  }
0x3: {  	s0 =	srdreg.scid;
	s3 =	rddreg [dreg:$0x2]  }
0x4: {  	s10 =	stileid.u32;
	s4 =	rddreg [dreg:$0x3];
	s5 =	simm.s32 $0x0  }
0x5: {  	s28 =	simm.s32 $0x1500;
	s29 =	simm.s32 $0x7;
	s30 =	simm.s32 $0x1400  }
0x6: {  	s31 =	simm.s32 $0x5500;
	s0 =	sand.u32 $0x1, s0;
	s8 =	smul.u32 $0x50000, s10  }
0x7: {  	s6 =	smul.u32 $0x140000, s0;
	s9 =	ssub.s32 $0x2, s0;
	s0 =	sshll.u32 s0, $0x4  }
0x8: {  	s7 =	smul.u32 $0x14000, s10;
	[smem:$0x7FF] =	sst s5;
	s0 =	sor.u32 s10, s0  }
0x9: {  	_ =	strace $0x8000004A;
	s24 =	sshrl.u32 s8, $0x2;
	s8 =	smul.u32 $0x1388, s0  }
0xa: {  	s25 =	sshrl.u32 s9, $0x1;
	s6 =	sadd.s32 s7, s6;
	s16 =	smul.u32 $0x9C400, s0  }
0xb: {  	s9 =	ssub.s32 s9, s25;
	s0 =	smul.u32 $0x13880, s0;
	s7 =	sshrl.u32 s6, $0x3  }
0xc: {  	s6 =	sadd.s32 $0x2C4200, s2;
	s25 =	smax.u32 s9, $0x1;
	s2 =	sadd.s32 s7, s2  }
0xd: {  	s7 =	sadd.s32 s24, s4;
	s0 =	sadd.s32 s6, s0;
	[dreg:$0x14] =	wrdreg s25  }
0xe: {  	s9 =	simm.s32 $0x7500;
	s26 =	sadd.s32 $0x2000, s7;
	[dreg:$0xf] =	wrdreg s0  }
0xf: {  	s18 =	sshrl.u32 s8, $0x3;
	s11 =	sadd.s32 $0x4000, s7;
	[dreg:$0x5] =	wrdreg s26  }
0x10: {  	s10 =	sshrl.u32 s16, $0x3;
	s12 =	sadd.s32 $0x6000, s7;
	[dreg:$0x6] =	wrdreg s11  }
0x11: {  	s16 =	simm.s32 $0x6;
	s13 =	sadd.s32 $0x8000, s7;
	[dreg:$0x7] =	wrdreg s12  }
0x12: {  	s14 =	sadd.s32 $0xA000, s7;
	s15 =	sadd.s32 $0xC000, s7;
	[dreg:$0x8] =	wrdreg s13  }
0x13: {  	s17 =	sadd.s32 $0x10000, s7;
	s19 =	sadd.s32 $0x12000, s7;
	[dreg:$0x9] =	wrdreg s14  }
0x14: {  	s10 =	sadd.s32 s6, s10;
	s24 =	sadd.s32 $0x535200, s2;
	[dreg:$0xa] =	wrdreg s15  }
0x15: {  	s2 =	simm.s32 $0x40;
	s0 =	simm.s32 $0x1480;
	[dreg:$0xc] =	wrdreg s17  }
0x16: {  	s11 =	sadd.s32 $0xE000, s7;
	s17 =	sadd.s32 s3, s18;
	[dreg:$0xd] =	wrdreg s19  }
0x17: {  	s22 =	sadd.s32 $0x400, s10;
	s23 =	sadd.s32 $0x13800, s10;
	[dreg:$0x13] =	wrdreg s24  }
0x18: {  	s10 =	simm.s32 $0x3500;
	s12 =	simm.s32 $0x1;
	[dreg:$0xb] =	wrdreg s11  }
.Ltmp0:
0x19: {  	s13 =	simm.s32 $0x5;
	[dreg:$0x11] =	wrdreg s22;
	(pc) =	sbr.rel .LBB2_1-.Ltmp0, $4  }
0x1a: {  	s14 =	simm.s32 $0x4;
	s20 =	sadd.s32 $0x9C40, s17;
	[dreg:$0x12] =	wrdreg s23  }
0x1b: {  	s15 =	simm.s32 $0x2;
	s21 =	sadd.s32 $0x9C48, s17;
	[dreg:$0xe] =	wrdreg s20  }
0x1c: {  	s26 =	sadd.s32 $0x9EB0, s17;
	s11 =	simm.s32 $0x3;
	[dreg:$0x10] =	wrdreg s21  }
0x1d: {  	v0 =	vimm.f32 $0.0e+00;
	[dreg:$0x15] =	wrdreg s26;
	s20 =	simm.s32 $0x9980;
	s21 =	simm.s32 $0x0  }
.LBB2_10:
0x1e: {  	s18 =	rddreg [dreg:$0x15];
	s19 =	simm.s32 $0x9500  }
0x1f: {  	[tilespmem:s19], [sflag:$0x7] =	stream.linear.gather [hbm4b:s18+s5], $0x8, $0x38;
	[tilespmem:$0x1DD80] =	vst v63  }
0x20: {  	_ =	swait.ge [sflag:s29], $0x8  }
0x21: {  	s22 =	simm.s32 $0x8;
	[sflag:s29] =	ssyncset.done $0x0  }
0x22: {  	s25 =	simm.s32 $0x1380;
	s23 =	simm.s32 $0x9580;
	[sflag:s29] =	ssyncadd.s32 $0xFFFFFFF8  }
0x23: {  	[tilespmem:s23], [sflag:$0x1] =	stream.indirect.gather [hbm4b:s1+s22], $0x80, s25, s22, $0xb8;
	[tilespmem:$0x1DD80] =	vst v63  }
0x24: {  	_ =	swait.ge [sflag:s12], $0x400  }
0x25: {  	[sflag:s12] =	ssyncset.done $0x0  }
0x26: {  	s26 =	rddreg [dreg:$0x12];
	[sflag:s12] =	ssyncadd.s32 $0xFFFFFC00  }
0x27: {  	[tilespmem:s20], [sflag:$0x7] =	stream.linear.gather [hbm4b:s26+s5], $0x400, $0x38;
	[tilespmem:$0x1DD80] =	vst v63  }
0x28: {  	_ =	swait.ge [sflag:s29], $0x400  }
0x29: {  	[sflag:s29] =	ssyncset.done $0x0  }
0x2a: {  	[sflag:s29] =	ssyncadd.s32 $0xFFFFFC00  }
0x2b: {  	v1 =	vld [tilespmem:$0x9980]  }
0x2c: {  	v2 =	vld [tilespmem:$0x9580]  }
0x2d: {  	v3 =	vld [tilespmem:$0x9990]  }
0x2e: {  	v4 =	vld [tilespmem:$0x9590]  }
0x2f: {  	v5 =	vld [tilespmem:$0x99A0]  }
0x30: {  	v6 =	vld [tilespmem:$0x95A0]  }
0x31: {  	v7 =	vld [tilespmem:$0x99B0]  }
0x32: {  	v8 =	vld [tilespmem:$0x95B0]  }
0x33: {  	v9 =	vld [tilespmem:$0x99C0]  }
0x34: {  	v10 =	vld [tilespmem:$0x95C0]  }
0x35: {  	v11 =	vld [tilespmem:$0x99D0]  }
0x36: {  	v12 =	vld [tilespmem:$0x95D0]  }
0x37: {  	v13 =	vld [tilespmem:$0x99E0]  }
0x38: {  	v14 =	vld [tilespmem:$0x95E0]  }
0x39: {  	v15 =	vld [tilespmem:$0x99F0]  }
0x3a: {  	v16 =	vld [tilespmem:$0x95F0]  }
0x3b: {  	v17 =	vld [tilespmem:$0x9A00]  }
0x3c: {  	v18 =	vld [tilespmem:$0x9600]  }
0x3d: {  	v19 =	vld [tilespmem:$0x9A10]  }
0x3e: {  	v20 =	vld [tilespmem:$0x9610]  }
0x3f: {  	v21 =	vld [tilespmem:$0x9A20]  }
0x40: {  	v22 =	vld [tilespmem:$0x9620]  }
0x41: {  	v23 =	vld [tilespmem:$0x9A30]  }
0x42: {  	v24 =	vld [tilespmem:$0x9630]  }
0x43: {  	v25 =	vld [tilespmem:$0x9A40]  }
0x44: {  	v26 =	vld [tilespmem:$0x9640]  }
0x45: {  	v27 =	vld [tilespmem:$0x9A50]  }
0x46: {  	v28 =	vld [tilespmem:$0x9650]  }
0x47: {  	v29 =	vld [tilespmem:$0x9A60]  }
0x48: {  	v30 =	vld [tilespmem:$0x9660]  }
0x49: {  	v31 =	vld [tilespmem:$0x9A70]  }
0x4a: {  	v32 =	vld [tilespmem:$0x9670]  }
0x4b: {  	v33 =	vld [tilespmem:$0x9A80]  }
0x4c: {  	v34 =	vld [tilespmem:$0x9680]  }
0x4d: {  	v35 =	vld [tilespmem:$0x9A90]  }
0x4e: {  	v36 =	vld [tilespmem:$0x9690]  }
0x4f: {  	v37 =	vld [tilespmem:$0x9AA0]  }
0x50: {  	v38 =	vld [tilespmem:$0x96A0]  }
0x51: {  	v39 =	vld [tilespmem:$0x9AB0]  }
0x52: {  	v40 =	vld [tilespmem:$0x96B0]  }
0x53: {  	v41 =	vld [tilespmem:$0x9AC0]  }
0x54: {  	v42 =	vld [tilespmem:$0x96C0]  }
0x55: {  	v43 =	vld [tilespmem:$0x9AD0]  }
0x56: {  	v44 =	vld [tilespmem:$0x96D0]  }
0x57: {  	v45 =	vld [tilespmem:$0x9AE0]  }
0x58: {  	v46 =	vld [tilespmem:$0x96E0]  }
0x59: {  	v47 =	vld [tilespmem:$0x9AF0]  }
0x5a: {  	v48 =	vld [tilespmem:$0x96F0]  }
0x5b: {  	v49 =	vld [tilespmem:$0x9B00]  }
0x5c: {  	v50 =	vld [tilespmem:$0x9700]  }
0x5d: {  	v51 =	vld [tilespmem:$0x9B10]  }
0x5e: {  	v52 =	vld [tilespmem:$0x9710]  }
0x5f: {  	v53 =	vld [tilespmem:$0x9B20]  }
0x60: {  	v54 =	vld [tilespmem:$0x9720]  }
0x61: {  	v55 =	vld [tilespmem:$0x9B30]  }
0x62: {  	v61 =	vld [tilespmem:$0x9B60]  }
0x63: {  	v56 =	vld [tilespmem:$0x9730]  }
0x64: {  	v57 =	vld [tilespmem:$0x9B40]  }
0x65: {  	v58 =	vld [tilespmem:$0x9740]  }
0x66: {  	v59 =	vld [tilespmem:$0x9B50];
	v1 =	vmul.f32 v2, v1  }
0x67: {  	[tilespmem:$0x1FF90] =	vst v61;
	v61 =	vld [tilespmem:$0x9B70];
	v3 =	vmul.f32 v4, v3  }
0x68: {  	v60 =	vld [tilespmem:$0x9750];
	[tilespmem:$0x9980] =	vst v1;
	v1 =	vmul.f32 v6, v5  }
0x69: {  	v62 =	vld [tilespmem:$0x9760];
	[tilespmem:$0x9990] =	vst v3;
	v3 =	vmul.f32 v8, v7  }
0x6a: {  	v63 =	vld [tilespmem:$0x9770];
	[tilespmem:$0x99A0] =	vst v1  }
0x6b: {  	v2 =	vld [tilespmem:$0x97A0];
	v1 =	vmul.f32 v10, v9;
	[tilespmem:$0x99B0] =	vst v3  }
0x6c: {  	v3 =	vmul.f32 v12, v11;
	[tilespmem:$0x1FFA0] =	vst v61;
	v61 =	vld [tilespmem:$0x9B80]  }
0x6d: {  	v4 =	vld [tilespmem:$0x9BB0];
	[tilespmem:$0x99C0] =	vst v1;
	v1 =	vmul.f32 v14, v13  }
0x6e: {  	v5 =	vld [tilespmem:$0x97B0];
	[tilespmem:$0x99D0] =	vst v3;
	v3 =	vmul.f32 v16, v15  }
0x6f: {  	v6 =	vld [tilespmem:$0x9BC0];
	[tilespmem:$0x99E0] =	vst v1  }
0x70: {  	v7 =	vld [tilespmem:$0x97C0];
	v1 =	vmul.f32 v18, v17;
	[tilespmem:$0x99F0] =	vst v3  }
0x71: {  	v8 =	vld [tilespmem:$0x9BD0];
	v3 =	vmul.f32 v20, v19;
	[tilespmem:$0x1FFB0] =	vst v61  }
0x72: {  	v9 =	vld [tilespmem:$0x97D0];
	[tilespmem:$0x9A00] =	vst v1;
	v1 =	vmul.f32 v22, v21  }
0x73: {  	v61 =	vld [tilespmem:$0x9780];
	[tilespmem:$0x9A10] =	vst v3;
	v3 =	vmul.f32 v24, v23  }
0x74: {  	v10 =	vld [tilespmem:$0x9BE0];
	[tilespmem:$0x9A20] =	vst v1;
	v1 =	vmul.f32 v26, v25  }
0x75: {  	v11 =	vld [tilespmem:$0x97E0];
	[tilespmem:$0x9A30] =	vst v3;
	v3 =	vmul.f32 v28, v27  }
0x76: {  	v12 =	vld [tilespmem:$0x9BF0];
	[tilespmem:$0x9A40] =	vst v1  }
0x77: {  	v13 =	vld [tilespmem:$0x97F0];
	v1 =	vmul.f32 v30, v29;
	[tilespmem:$0x9A50] =	vst v3  }
0x78: {  	v14 =	vld [tilespmem:$0x9C00];
	v3 =	vmul.f32 v32, v31;
	[tilespmem:$0x1FFC0] =	vst v61  }
0x79: {  	v61 =	vld [tilespmem:$0x9B90];
	[tilespmem:$0x9A60] =	vst v1;
	v1 =	vmul.f32 v34, v33  }
0x7a: {  	v15 =	vld [tilespmem:$0x9800];
	[tilespmem:$0x9A70] =	vst v3;
	v3 =	vmul.f32 v36, v35  }
0x7b: {  	v16 =	vld [tilespmem:$0x9C10];
	[tilespmem:$0x9A80] =	vst v1;
	v1 =	vmul.f32 v38, v37  }
0x7c: {  	v17 =	vld [tilespmem:$0x9810];
	[tilespmem:$0x9A90] =	vst v3  }
0x7d: {  	v18 =	vld [tilespmem:$0x9C20];
	[tilespmem:$0x9AA0] =	vst v1;
	v1 =	vmul.f32 v42, v41  }
0x7e: {  	v19 =	vld [tilespmem:$0x9820];
	v3 =	vmul.f32 v40, v39;
	[tilespmem:$0x1FFD0] =	vst v61  }
0x7f: {  	v20 =	vld [tilespmem:$0x9C30];
	[tilespmem:$0x9AC0] =	vst v1;
	v1 =	vmul.f32 v46, v45  }
0x80: {  	v21 =	vld [tilespmem:$0x9830];
	[tilespmem:$0x9AB0] =	vst v3;
	v3 =	vmul.f32 v44, v43  }
0x81: {  	v22 =	vld [tilespmem:$0x9C40];
	[tilespmem:$0x9AE0] =	vst v1;
	v1 =	vmul.f32 v50, v49  }
0x82: {  	v23 =	vld [tilespmem:$0x9840];
	[tilespmem:$0x9AD0] =	vst v3;
	v3 =	vmul.f32 v48, v47  }
0x83: {  	v61 =	vld [tilespmem:$0x9790];
	[tilespmem:$0x9B00] =	vst v1;
	v1 =	vmul.f32 v54, v53  }
0x84: {  	v24 =	vld [tilespmem:$0x9C50];
	[tilespmem:$0x9AF0] =	vst v3;
	v3 =	vmul.f32 v52, v51  }
0x85: {  	v25 =	vld [tilespmem:$0x9850];
	[tilespmem:$0x9B20] =	vst v1;
	v1 =	vmul.f32 v58, v57  }
0x86: {  	v26 =	vld [tilespmem:$0x9C60];
	[tilespmem:$0x9B10] =	vst v3  }
0x87: {  	v3 =	vmul.f32 v56, v55;
	[tilespmem:$0x9B40] =	vst v1;
	v1 =	vld [tilespmem:$0x1FF90]  }
0x88: {  	[tilespmem:$0x1FFE0] =	vst v61;
	v61 =	vld [tilespmem:$0x9BA0]  }
0x89: {  	v27 =	vld [tilespmem:$0x9860];
	[tilespmem:$0x9B30] =	vst v3;
	v3 =	vmul.f32 v60, v59  }
0x8a: {  	v28 =	vld [tilespmem:$0x9C70]  }
0x8b: {  	[tilespmem:$0x9B50] =	vst v3;
	v3 =	vld [tilespmem:$0x1FFA0]  }
0x8c: {  	v40 =	vld [tilespmem:$0x9CB0];
	v1 =	vmul.f32 v62, v1  }
0x8d: {  	[tilespmem:$0x1FFF0] =	vst v61;
	v61 =	vld [tilespmem:$0x1FFC0]  }
0x8e: {  	[tilespmem:$0x9B60] =	vst v1;
	v1 =	vld [tilespmem:$0x1FFB0]  }
0x8f: {  	v41 =	vld [tilespmem:$0x9CC0]  }
0x90: {  	v42 =	vld [tilespmem:$0x98C0];
	v3 =	vmul.f32 v63, v3  }
0x91: {  	v63 =	vld [tilespmem:$0x1FFE0]  }
0x92: {  	[tilespmem:$0x9B70] =	vst v3;
	v3 =	vld [tilespmem:$0x1FFD0]  }
0x93: {  	v43 =	vld [tilespmem:$0x9CD0];
	v1 =	vmul.f32 v61, v1  }
0x94: {  	v44 =	vld [tilespmem:$0x98D0]  }
0x95: {  	[tilespmem:$0x9B80] =	vst v1;
	v1 =	vld [tilespmem:$0x1FFF0]  }
0x96: {  	v45 =	vld [tilespmem:$0x9CE0]  }
0x97: {  	v46 =	vld [tilespmem:$0x98E0];
	v3 =	vmul.f32 v63, v3  }
0x98: {  	v47 =	vld [tilespmem:$0x9CF0]  }
0x99: {  	v48 =	vld [tilespmem:$0x98F0];
	[tilespmem:$0x9B90] =	vst v3;
	v3 =	vmul.f32 v5, v4  }
0x9a: {  	v49 =	vld [tilespmem:$0x9D00];
	v1 =	vmul.f32 v2, v1  }
0x9b: {  	v50 =	vld [tilespmem:$0x9900];
	[tilespmem:$0x9BB0] =	vst v3;
	v3 =	vmul.f32 v9, v8  }
0x9c: {  	v51 =	vld [tilespmem:$0x9D10];
	[tilespmem:$0x9BA0] =	vst v1;
	v1 =	vmul.f32 v7, v6  }
0x9d: {  	v52 =	vld [tilespmem:$0x9910];
	[tilespmem:$0x9BD0] =	vst v3;
	v3 =	vmul.f32 v13, v12  }
0x9e: {  	v54 =	vld [tilespmem:$0x9870];
	[tilespmem:$0x9BC0] =	vst v1;
	v1 =	vmul.f32 v11, v10  }
0x9f: {  	v56 =	vld [tilespmem:$0x9C80];
	[tilespmem:$0x9BF0] =	vst v3;
	v3 =	vmul.f32 v17, v16  }
0xa0: {  	v2 =	vld [tilespmem:$0x98B0];
	[tilespmem:$0x9BE0] =	vst v1;
	v1 =	vmul.f32 v15, v14  }
0xa1: {  	v53 =	vld [tilespmem:$0x9D20];
	[tilespmem:$0x9C10] =	vst v3;
	v3 =	vmul.f32 v21, v20  }
0xa2: {  	v57 =	vld [tilespmem:$0x9880];
	[tilespmem:$0x9C00] =	vst v1;
	v1 =	vmul.f32 v19, v18  }
0xa3: {  	v58 =	vld [tilespmem:$0x9C90];
	[tilespmem:$0x9C30] =	vst v3;
	v3 =	vmul.f32 v25, v24  }
0xa4: {  	v60 =	vld [tilespmem:$0x9CA0];
	[tilespmem:$0x9C20] =	vst v1;
	v1 =	vmul.f32 v23, v22  }
0xa5: {  	v62 =	vld [tilespmem:$0x98A0];
	v2 =	vmul.f32 v2, v40;
	[tilespmem:$0x9C50] =	vst v3  }
0xa6: {  	v59 =	vld [tilespmem:$0x9890];
	[tilespmem:$0x9C40] =	vst v1;
	v1 =	vmul.f32 v27, v26  }
0xa7: {  	v55 =	vld [tilespmem:$0x9D30];
	v3 =	vmul.f32 v54, v28;
	[tilespmem:$0x9CB0] =	vst v2  }
0xa8: {  	v61 =	vld [tilespmem:$0x9960];
	[tilespmem:$0x9C60] =	vst v1;
	v1 =	vmul.f32 v57, v56  }
0xa9: {  	v63 =	vld [tilespmem:$0x9970];
	v2 =	vmul.f32 v44, v43;
	[tilespmem:$0x9C70] =	vst v3  }
0xaa: {  	v54 =	vld [tilespmem:$0x9920];
	[tilespmem:$0x9C80] =	vst v1;
	v1 =	vmul.f32 v62, v60  }
0xab: {  	v3 =	vmul.f32 v59, v58;
	v58 =	vld [tilespmem:$0x9D50];
	[tilespmem:$0x9CD0] =	vst v2  }
0xac: {  	v56 =	vld [tilespmem:$0x9930];
	[tilespmem:$0x9CA0] =	vst v1;
	v1 =	vmul.f32 v42, v41  }
0xad: {  	v59 =	vld [tilespmem:$0x9950];
	v2 =	vmul.f32 v48, v47;
	[tilespmem:$0x9C90] =	vst v3  }
0xae: {  	v3 =	vld [tilespmem:$0x9D40];
	[tilespmem:$0x9CC0] =	vst v1;
	v1 =	vmul.f32 v46, v45  }
0xaf: {  	[tilespmem:$0x9CF0] =	vst v2;
	v2 =	vmul.f32 v52, v51;
	v57 =	vld [tilespmem:$0x9940]  }
0xb0: {  	v62 =	vld [tilespmem:$0x9D70];
	[tilespmem:$0x9CE0] =	vst v1;
	v1 =	vmul.f32 v50, v49  }
0xb1: {  	[tilespmem:$0x9D10] =	vst v2;
	v60 =	vld [tilespmem:$0x9D60];
	v2 =	vmul.f32 v56, v55  }
0xb2: {  	[tilespmem:$0x9D00] =	vst v1;
	v1 =	vmul.f32 v54, v53  }
0xb3: {  	[tilespmem:$0x9D30] =	vst v2;
	v2 =	vmul.f32 v59, v58  }
0xb4: {  	[tilespmem:$0x9D20] =	vst v1;
	v1 =	vmul.f32 v57, v3  }
0xb5: {  	[tilespmem:$0x9D50] =	vst v2;
	v2 =	vmul.f32 v63, v62  }
0xb6: {  	[tilespmem:$0x9D40] =	vst v1;
	v1 =	vmul.f32 v61, v60  }
0xb7: {  	[tilespmem:$0x9D70] =	vst v2  }
0xb8: {  	[tilespmem:$0x9D60] =	vst v1  }
0xb9: {  	[spmem:s4] =	stream.indirect.scatter.add.f32 [tilespmem:s20], [sflag:$0x7], $0x80, s19, s22, $0xb8;
	[tilespmem:$0x1DD80] =	vst v63  }
0xba: {  	_ =	swait.ge [sflag:s29], $0x400  }
0xbb: {  	[sflag:s29] =	ssyncset.done $0x0  }
0xbc: {  	s23 =	stileid.u32;
	[sflag:s29] =	ssyncadd.s32 $0xFFFFFC00  }
0xbd: {  	s18 =	sshll.u32 s23, $0x6;
	[bflag:$0x0] =	sbarrier.arrive $0xFFFF  }
0xbe: {  	s24 =	sshrl.u32 s7, $0x3;
	s18 =	sor.u32 $0x1C07, s18;
	s25 =	rddreg [dreg:$0x13]  }
0xbf: {  	[hbm:s25], [sflag:s18] =	dma.local [spmem:s24], $0x2800  }
0xc0: {  	_ =	swait.ge [sflag:s29], $0x2800  }
0xc1: {  	s21 =	sadd.s32 $0x1, s21;
	s26 =	rddreg [dreg:$0x14]  }
0xc2: {  	p0 =	sne.s32 s21, s26  }
.Ltmp1:
0xc3: {  	_ = 	snop;
	(pc) =	sbr.rel @!p0 .LBB2_11-.Ltmp1, $3  }
0xc4: {  	_ =	sdelay $0x1  }
0xc5: {  	[sflag:s29] =	ssyncset.done $0x0  }
0xc6: {  	[sflag:s29] =	ssyncadd.s32 $0xFFFFD800  }
.LBB2_1:
0xc7: {  	s22 =	simm.s32 $0x0;
	s23 =	simm.s32 $0x200  }
.LBB2_2:
0xc8: {  	p0 =	sne.s32 s23, $0x7E00;
	[tilespmem:s22+$0x1570] =	vst v0  }
0xc9: {  	[tilespmem:s22+$0x1500] =	vst v0  }
0xca: {  	[tilespmem:s22+$0x1510] =	vst v0  }
.Ltmp2:
0xcb: {  	[tilespmem:s22+$0x1520] =	vst v0;
	(pc) =	sbr.rel @p0 .LBB2_2-.Ltmp2, $4  }
0xcc: {  	[tilespmem:s22+$0x1530] =	vst v0  }
0xcd: {  	[tilespmem:s22+$0x1540] =	vst v0  }
0xce: {  	[tilespmem:s22+$0x1550] =	vst v0  }
0xcf: {  	[tilespmem:s22+$0x1560] =	vst v0;
	s22 =	sshra.s32 s23, $0x2;
	s23 =	sadd.s32 $0x200, s23  }
0xd0: {  	[tilespmem:s22+$0x1570] =	vst v0  }
0xd1: {  	[tilespmem:s22+$0x1500] =	vst v0  }
0xd2: {  	[tilespmem:s22+$0x1510] =	vst v0  }
0xd3: {  	[tilespmem:s22+$0x1520] =	vst v0  }
0xd4: {  	[tilespmem:s22+$0x1530] =	vst v0  }
0xd5: {  	[tilespmem:s22+$0x1540] =	vst v0  }
0xd6: {  	[tilespmem:s22+$0x1550] =	vst v0  }
0xd7: {  	[tilespmem:s22+$0x1560] =	vst v0  }
0xd8: {  	[spmem:s7] =	stream.linear.scatter [tilespmem:s28], [sflag:$0x7], $0x2000, $0x38;
	[tilespmem:$0x1DD80] =	vst v63  }
0xd9: {  	_ =	swait.ge [sflag:s29], $0x2000  }
0xda: {  	[sflag:s29] =	ssyncset.done $0x0  }
0xdb: {  	s18 =	rddreg [dreg:$0x5];
	[sflag:s29] =	ssyncadd.s32 $0xFFFFE000  }
0xdc: {  	[spmem:s18] =	stream.linear.scatter [tilespmem:s28], [sflag:$0x7], $0x2000, $0x38;
	[tilespmem:$0x1DD80] =	vst v63  }
0xdd: {  	_ =	swait.ge [sflag:s29], $0x2000  }
0xde: {  	[sflag:s29] =	ssyncset.done $0x0  }
0xdf: {  	s19 =	rddreg [dreg:$0x6];
	[sflag:s29] =	ssyncadd.s32 $0xFFFFE000  }
0xe0: {  	[spmem:s19] =	stream.linear.scatter [tilespmem:s28], [sflag:$0x7], $0x2000, $0x38;
	[tilespmem:$0x1DD80] =	vst v63  }
0xe1: {  	_ =	swait.ge [sflag:s29], $0x2000  }
0xe2: {  	[sflag:s29] =	ssyncset.done $0x0  }
0xe3: {  	s22 =	rddreg [dreg:$0x7];
	[sflag:s29] =	ssyncadd.s32 $0xFFFFE000  }
0xe4: {  	[spmem:s22] =	stream.linear.scatter [tilespmem:s28], [sflag:$0x7], $0x2000, $0x38;
	[tilespmem:$0x1DD80] =	vst v63  }
0xe5: {  	_ =	swait.ge [sflag:s29], $0x2000  }
0xe6: {  	[sflag:s29] =	ssyncset.done $0x0  }
0xe7: {  	s23 =	rddreg [dreg:$0x8];
	[sflag:s29] =	ssyncadd.s32 $0xFFFFE000  }
0xe8: {  	[spmem:s23] =	stream.linear.scatter [tilespmem:s28], [sflag:$0x7], $0x2000, $0x38;
	[tilespmem:$0x1DD80] =	vst v63  }
0xe9: {  	_ =	swait.ge [sflag:s29], $0x2000  }
0xea: {  	[sflag:s29] =	ssyncset.done $0x0  }
0xeb: {  	s24 =	rddreg [dreg:$0x9];
	[sflag:s29] =	ssyncadd.s32 $0xFFFFE000  }
0xec: {  	[spmem:s24] =	stream.linear.scatter [tilespmem:s28], [sflag:$0x7], $0x2000, $0x38;
	[tilespmem:$0x1DD80] =	vst v63  }
0xed: {  	_ =	swait.ge [sflag:s29], $0x2000  }
0xee: {  	[sflag:s29] =	ssyncset.done $0x0  }
0xef: {  	s25 =	rddreg [dreg:$0xa];
	[sflag:s29] =	ssyncadd.s32 $0xFFFFE000  }
0xf0: {  	[spmem:s25] =	stream.linear.scatter [tilespmem:s28], [sflag:$0x7], $0x2000, $0x38;
	[tilespmem:$0x1DD80] =	vst v63  }
0xf1: {  	_ =	swait.ge [sflag:s29], $0x2000  }
0xf2: {  	[sflag:s29] =	ssyncset.done $0x0  }
0xf3: {  	s26 =	rddreg [dreg:$0xb];
	[sflag:s29] =	ssyncadd.s32 $0xFFFFE000  }
0xf4: {  	[spmem:s26] =	stream.linear.scatter [tilespmem:s28], [sflag:$0x7], $0x2000, $0x38;
	[tilespmem:$0x1DD80] =	vst v63  }
0xf5: {  	_ =	swait.ge [sflag:s29], $0x2000  }
0xf6: {  	[sflag:s29] =	ssyncset.done $0x0  }
0xf7: {  	s19 =	rddreg [dreg:$0xc];
	[sflag:s29] =	ssyncadd.s32 $0xFFFFE000  }
0xf8: {  	[spmem:s19] =	stream.linear.scatter [tilespmem:s28], [sflag:$0x7], $0x2000, $0x38;
	[tilespmem:$0x1DD80] =	vst v63  }
0xf9: {  	_ =	swait.ge [sflag:s29], $0x2000  }
0xfa: {  	[sflag:s29] =	ssyncset.done $0x0  }
0xfb: {  	s22 =	rddreg [dreg:$0xd];
	[sflag:s29] =	ssyncadd.s32 $0xFFFFE000  }
0xfc: {  	[spmem:s22] =	stream.linear.scatter [tilespmem:s28], [sflag:$0x7], $0x2000, $0x38;
	[tilespmem:$0x1DD80] =	vst v63  }
0xfd: {  	_ =	swait.ge [sflag:s29], $0x2000  }
0xfe: {  	[sflag:s29] =	ssyncset.done $0x0  }
0xff: {  	[sflag:s29] =	ssyncadd.s32 $0xFFFFE000  }
0x100: {  	s22 =	simm.s32 $0x0;
	[bflag:$0x0] =	sbarrier.arrive $0xFFFF  }
0x101: {  	[tilespmem:s22], [sflag:$0x7] =	stream.linear.gather [hbm4b:s17+s22], $0x1388, $0x38;
	[tilespmem:$0x1DD80] =	vst v63  }
0x102: {  	_ =	swait.ge [sflag:s29], $0x1388  }
0x103: {  	[sflag:s29] =	ssyncset.done $0x0  }
0x104: {  	s23 =	rddreg [dreg:$0xe];
	[sflag:s29] =	ssyncadd.s32 $0xFFFFEC78  }
0x105: {  	[tilespmem:s30], [sflag:$0x5] =	stream.linear.gather [hbm4b:s23+s22], $0x40, $0x38;
	[tilespmem:$0x1DD80] =	vst v63  }
0x106: {  	s24 =	rddreg [dreg:$0xf]  }
0x107: {  	[tilespmem:s31], [sflag:$0x3] =	stream.linear.gather [hbm4b:s24+s22], $0x2000, $0x38;
	[tilespmem:$0x1DD80] =	vst v63  }
0x108: {  	_ = 	snop  }
0x109: {  	[tilespmem:s28], [sflag:$0x1] =	stream.indirect.gather [hbm4b:s1+s2], $0x80, s22, s2, $0xb8;
	[tilespmem:$0x1DD80] =	vst v63  }
0x10a: {  	s25 =	rddreg [dreg:$0x10]  }
0x10b: {  	[tilespmem:s0], [sflag:$0x6] =	stream.linear.gather [hbm4b:s25+s22], $0x40, $0x38;
	[tilespmem:$0x1DD80] =	vst v63  }
0x10c: {  	s26 =	rddreg [dreg:$0x11]  }
0x10d: {  	[tilespmem:s9], [sflag:$0x4] =	stream.linear.gather [hbm4b:s26+s22], $0x2000, $0x38;
	[tilespmem:$0x1DD80] =	vst v63  }
0x10e: {  	_ = 	snop  }
0x10f: {  	[tilespmem:s10], [sflag:$0x2] =	stream.indirect.gather [hbm4b:s1+s2], $0x80, s2, s2, $0xb8;
	[tilespmem:$0x1DD80] =	vst v63  }
.LBB2_4:
0x110: {  	_ =	swait.ge [sflag:s11], $0x2000  }
0x111: {  	[sflag:s11] =	ssyncset.done $0x0  }
0x112: {  	[sflag:s11] =	ssyncadd.s32 $0xFFFFE000  }
0x113: {  	_ =	swait.ge [sflag:s12], $0x2000  }
0x114: {  	[sflag:s12] =	ssyncset.done $0x0  }
0x115: {  	s23 =	simm.s32 $0x0;
	[sflag:s12] =	ssyncadd.s32 $0xFFFFE000  }
0x116: {  	v8 =	vld [tilespmem:s23+$0x1500]  }
0x117: {  	v12 =	vld [tilespmem:s23+$0x1510]  }
0x118: {  	v6 =	vld [tilespmem:s23+$0x1520]  }
0x119: {  	v5 =	vld [tilespmem:s23+$0x1530]  }
0x11a: {  	v4 =	vld [tilespmem:s23+$0x1540]  }
0x11b: {  	v3 =	vld [tilespmem:s23+$0x1550]  }
0x11c: {  	v2 =	vld [tilespmem:s23+$0x1560]  }
0x11d: {  	v1 =	vld [tilespmem:s23+$0x1570]  }
0x11e: {  	v13 =	vld [tilespmem:s23+$0x5500]  }
0x11f: {  	v14 =	vld [tilespmem:s23+$0x5510]  }
0x120: {  	v11 =	vld [tilespmem:s23+$0x5520]  }
0x121: {  	v10 =	vld [tilespmem:s23+$0x5530]  }
0x122: {  	v9 =	vld [tilespmem:s23+$0x5540]  }
0x123: {  	v7 =	vld [tilespmem:s23+$0x5550];
	v13 =	vmul.f32 v8, v13  }
0x124: {  	s24 =	simm.s32 $0x200;
	v12 =	vmul.f32 v12, v14;
	v8 =	vld [tilespmem:s23+$0x5560]  }
.LBB2_5:
0x125: {  	s25 =	sshra.s32 s24, $0x2;
	p0 =	sne.s32 s24, $0x7E00;
	[tilespmem:s23+$0x5500] =	vst v13;
	v6 =	vmul.f32 v6, v11;
	v11 =	vld [tilespmem:s23+$0x5570]  }
0x126: {  	v13 =	vld [tilespmem:s25+$0x1500];
	[tilespmem:s23+$0x5510] =	vst v12;
	v5 =	vmul.f32 v5, v10  }
0x127: {  	v12 =	vld [tilespmem:s25+$0x1510];
	[tilespmem:s23+$0x5520] =	vst v6;
	v4 =	vmul.f32 v4, v9  }
0x128: {  	v6 =	vld [tilespmem:s25+$0x1520];
	[tilespmem:s23+$0x5530] =	vst v5;
	v3 =	vmul.f32 v3, v7  }
0x129: {  	v5 =	vld [tilespmem:s25+$0x1530];
	[tilespmem:s23+$0x5540] =	vst v4;
	v2 =	vmul.f32 v2, v8  }
0x12a: {  	v4 =	vld [tilespmem:s25+$0x1540];
	[tilespmem:s23+$0x5550] =	vst v3;
	v1 =	vmul.f32 v1, v11  }
0x12b: {  	v3 =	vld [tilespmem:s25+$0x1550];
	[tilespmem:s23+$0x5560] =	vst v2  }
0x12c: {  	v2 =	vld [tilespmem:s25+$0x1560];
	[tilespmem:s23+$0x5570] =	vst v1;
	s23 =	smov.u32 s25  }
0x12d: {  	v1 =	vld [tilespmem:s23+$0x1570]  }
0x12e: {  	v7 =	vld [tilespmem:s23+$0x5500]  }
0x12f: {  	v8 =	vld [tilespmem:s23+$0x5510]  }
.Ltmp3:
0x130: {  	v11 =	vld [tilespmem:s23+$0x5520];
	(pc) =	sbr.rel @p0 .LBB2_5-.Ltmp3, $4  }
0x131: {  	v10 =	vld [tilespmem:s23+$0x5530]  }
0x132: {  	v9 =	vld [tilespmem:s23+$0x5540]  }
0x133: {  	v13 =	vmul.f32 v13, v7;
	v7 =	vld [tilespmem:s23+$0x5550]  }
0x134: {  	s24 =	sadd.s32 $0x200, s24;
	v12 =	vmul.f32 v12, v8;
	v8 =	vld [tilespmem:s23+$0x5560]  }
0x135: {  	[tilespmem:s23+$0x5500] =	vst v13;
	v6 =	vmul.f32 v6, v11;
	v11 =	vld [tilespmem:s23+$0x5570]  }
0x136: {  	[tilespmem:s23+$0x5510] =	vst v12;
	v5 =	vmul.f32 v5, v10  }
0x137: {  	[tilespmem:s23+$0x5520] =	vst v6;
	v4 =	vmul.f32 v4, v9  }
0x138: {  	[tilespmem:s23+$0x5530] =	vst v5;
	v3 =	vmul.f32 v3, v7  }
0x139: {  	[tilespmem:s23+$0x5540] =	vst v4;
	v2 =	vmul.f32 v2, v8  }
0x13a: {  	[tilespmem:s23+$0x5550] =	vst v3;
	v1 =	vmul.f32 v1, v11  }
0x13b: {  	[tilespmem:s23+$0x5560] =	vst v2  }
0x13c: {  	[tilespmem:s23+$0x5570] =	vst v1  }
0x13d: {  	p0 =	seq.s32 s22, $0x26;
	s23 =	sshll.u32 s22, $0x7;
	_ =	swait.ge [sflag:s13], $0x40  }
0x13e: {  	s24 =	sadd.s32 @!p0 $0x80, s23;
	[sflag:s13] =	ssyncset.done $0x0  }
0x13f: {  	s25 =	sadd.s32 @!p0 s8, s24;
	[sflag:s13] =	ssyncadd.s32 $0xFFFFFFC0  }
0x140: {  	[spmem:s4] =	stream.indirect.scatter.add.f32 [tilespmem:s31], [sflag:$0x7], $0x80, s30, s2, $0xb8;
	[tilespmem:$0x1DD80] =	vst v63  }
0x141: {  	s26 =	sshrl.u32 @!p0 s25, $0x3;
	_ =	swait.ge [sflag:s29], $0x2000  }
0x142: {  	s18 =	simm.s32 @!p0 $0x0;
	s26 =	sadd.s32 @!p0 s3, s26;
	[sflag:s29] =	ssyncset.done $0x0  }
0x143: {  	s19 =	simm.s32 @!p0 $0x1400;
	s26 =	sadd.s32 @!p0 $0x9C40, s26;
	[sflag:s29] =	ssyncadd.s32 $0xFFFFE000  }
0x144: {  	[tilespmem:s19], [sflag:$0x5] =	stream.linear.gather @!p0 [hbm4b:s26+s18], $0x40, $0x38;
	[tilespmem:$0x1DD80] =	vst v63  }
0x145: {  	s19 =	sshll.u32 @!p0 s25, $0x4  }
0x146: {  	s25 =	simm.s32 @!p0 $0x5500;
	s19 =	sadd.s32 @!p0 s6, s19  }
0x147: {  	[tilespmem:s25], [sflag:$0x3] =	stream.linear.gather @!p0 [hbm4b:s19+s18], $0x2000, $0x38;
	[tilespmem:$0x1DD80] =	vst v63  }
0x148: {  	s18 =	simm.s32 @!p0 $0x40;
	s19 =	simm.s32 @!p0 $0x1500  }
0x149: {  	[tilespmem:s19], [sflag:$0x1] =	stream.indirect.gather @!p0 [hbm4b:s1+s18], $0x80, s24, s18, $0xb8;
	[tilespmem:$0x1DD80] =	vst v63  }
0x14a: {  	_ =	swait.ge [sflag:s14], $0x2000  }
0x14b: {  	[sflag:s14] =	ssyncset.done $0x0  }
0x14c: {  	[sflag:s14] =	ssyncadd.s32 $0xFFFFE000  }
0x14d: {  	_ =	swait.ge [sflag:s15], $0x2000  }
0x14e: {  	[sflag:s15] =	ssyncset.done $0x0  }
0x14f: {  	s24 =	simm.s32 $0x0;
	[sflag:s15] =	ssyncadd.s32 $0xFFFFE000  }
0x150: {  	v8 =	vld [tilespmem:s24+$0x3500]  }
0x151: {  	v12 =	vld [tilespmem:s24+$0x3510]  }
0x152: {  	v6 =	vld [tilespmem:s24+$0x3520]  }
0x153: {  	v5 =	vld [tilespmem:s24+$0x3530]  }
0x154: {  	v4 =	vld [tilespmem:s24+$0x3540]  }
0x155: {  	v3 =	vld [tilespmem:s24+$0x3550]  }
0x156: {  	v2 =	vld [tilespmem:s24+$0x3560]  }
0x157: {  	v1 =	vld [tilespmem:s24+$0x3570]  }
0x158: {  	v13 =	vld [tilespmem:s24+$0x7500]  }
0x159: {  	v14 =	vld [tilespmem:s24+$0x7510]  }
0x15a: {  	v11 =	vld [tilespmem:s24+$0x7520]  }
0x15b: {  	v10 =	vld [tilespmem:s24+$0x7530]  }
0x15c: {  	v9 =	vld [tilespmem:s24+$0x7540]  }
0x15d: {  	v7 =	vld [tilespmem:s24+$0x7550];
	v13 =	vmul.f32 v8, v13  }
0x15e: {  	s25 =	simm.s32 $0x200;
	v12 =	vmul.f32 v12, v14;
	v8 =	vld [tilespmem:s24+$0x7560]  }
.LBB2_7:
0x15f: {  	s18 =	sshra.s32 s25, $0x2;
	p1 =	sne.s32 s25, $0x7E00;
	[tilespmem:s24+$0x7500] =	vst v13;
	v6 =	vmul.f32 v6, v11;
	v11 =	vld [tilespmem:s24+$0x7570]  }
0x160: {  	v13 =	vld [tilespmem:s18+$0x3500];
	[tilespmem:s24+$0x7510] =	vst v12;
	v5 =	vmul.f32 v5, v10  }
0x161: {  	v12 =	vld [tilespmem:s18+$0x3510];
	[tilespmem:s24+$0x7520] =	vst v6;
	v4 =	vmul.f32 v4, v9  }
0x162: {  	v6 =	vld [tilespmem:s18+$0x3520];
	[tilespmem:s24+$0x7530] =	vst v5;
	v3 =	vmul.f32 v3, v7  }
0x163: {  	v5 =	vld [tilespmem:s18+$0x3530];
	[tilespmem:s24+$0x7540] =	vst v4;
	v2 =	vmul.f32 v2, v8  }
0x164: {  	v4 =	vld [tilespmem:s18+$0x3540];
	[tilespmem:s24+$0x7550] =	vst v3;
	v1 =	vmul.f32 v1, v11  }
0x165: {  	v3 =	vld [tilespmem:s18+$0x3550];
	[tilespmem:s24+$0x7560] =	vst v2  }
0x166: {  	v2 =	vld [tilespmem:s18+$0x3560];
	[tilespmem:s24+$0x7570] =	vst v1;
	s24 =	smov.u32 s18  }
0x167: {  	v1 =	vld [tilespmem:s24+$0x3570]  }
0x168: {  	v7 =	vld [tilespmem:s24+$0x7500]  }
0x169: {  	v8 =	vld [tilespmem:s24+$0x7510]  }
.Ltmp4:
0x16a: {  	v11 =	vld [tilespmem:s24+$0x7520];
	(pc) =	sbr.rel @p1 .LBB2_7-.Ltmp4, $4  }
0x16b: {  	v10 =	vld [tilespmem:s24+$0x7530]  }
0x16c: {  	v9 =	vld [tilespmem:s24+$0x7540]  }
0x16d: {  	v13 =	vmul.f32 v13, v7;
	v7 =	vld [tilespmem:s24+$0x7550]  }
0x16e: {  	s25 =	sadd.s32 $0x200, s25;
	v12 =	vmul.f32 v12, v8;
	v8 =	vld [tilespmem:s24+$0x7560]  }
0x16f: {  	[tilespmem:s24+$0x7500] =	vst v13;
	v6 =	vmul.f32 v6, v11;
	v63 =	vld [tilespmem:s24+$0x7570]  }
0x170: {  	[tilespmem:s24+$0x7510] =	vst v12;
	v5 =	vmul.f32 v5, v10  }
0x171: {  	[tilespmem:s24+$0x7520] =	vst v6;
	v4 =	vmul.f32 v4, v9  }
0x172: {  	[tilespmem:s24+$0x7530] =	vst v5;
	v3 =	vmul.f32 v3, v7  }
0x173: {  	[tilespmem:s24+$0x7540] =	vst v4;
	v2 =	vmul.f32 v2, v8  }
0x174: {  	[tilespmem:s24+$0x7550] =	vst v3;
	v1 =	vmul.f32 v1, v63  }
0x175: {  	[tilespmem:s24+$0x7560] =	vst v2  }
0x176: {  	[tilespmem:s24+$0x7570] =	vst v1  }
0x177: {  	_ =	swait.ge [sflag:s16], $0x40  }
0x178: {  	[sflag:s16] =	ssyncset.done $0x0  }
.Ltmp5:
0x179: {  	[sflag:s16] =	ssyncadd.s32 $0xFFFFFFC0;
	(pc) =	sbr.rel @p0 .LBB2_10-.Ltmp5, $4  }
0x17a: {  	[spmem:s4] =	stream.indirect.scatter.add.f32 [tilespmem:s9], [sflag:$0x7], $0x80, s0, s2, $0xb8;
	[tilespmem:$0x1DD80] =	vst v63  }
0x17b: {  	_ =	swait.ge [sflag:s29], $0x2000  }
0x17c: {  	[sflag:s29] =	ssyncset.done $0x0  }
0x17d: {  	[sflag:s29] =	ssyncadd.s32 $0xFFFFE000  }
0x17e: {  	s18 =	sadd.s32 $0xC0, s23  }
0x17f: {  	s19 =	sadd.s32 s8, s18  }
0x180: {  	s26 =	sshrl.u32 s19, $0x3  }
0x181: {  	s23 =	sadd.s32 s3, s26  }
0x182: {  	s23 =	sadd.s32 $0x9C40, s23  }
0x183: {  	[tilespmem:s0], [sflag:$0x6] =	stream.linear.gather [hbm4b:s23+s5], $0x40, $0x38;
	[tilespmem:$0x1DD80] =	vst v63  }
.Ltmp6:
0x184: {  	s19 =	sshll.u32 s19, $0x4;
	(pc) =	sbr.rel .LBB2_4-.Ltmp6, $4  }
0x185: {  	s19 =	sadd.s32 s6, s19  }
0x186: {  	[tilespmem:s9], [sflag:$0x4] =	stream.linear.gather [hbm4b:s19+s5], $0x2000, $0x38;
	[tilespmem:$0x1DD80] =	vst v63  }
0x187: {  	s22 =	sadd.s32 $0x1, s22  }
0x188: {  	[tilespmem:s10], [sflag:$0x2] =	stream.indirect.gather [hbm4b:s1+s2], $0x80, s18, s2, $0xb8;
	[tilespmem:$0x1DD80] =	vst v63  }
.LBB2_11:
0x189: {  	_ =	sfence.sel $0x180000  }
0x18a: {  	[bflag:$0x0] =	sbarrier.arrive $0xFFFF  }
0x18b: {  	_ =	strace $0x9000004A  }
0x18c: {  	s0 =	stileid.u32;
	[bflag:$0x2] =	sbarrier.arrive $0xFFFF  }
0x18d: {  	p0 =	sne.s32 s0, $0x0;
	s0 =	rddreg [dreg:$0x4]  }
0x18e: {  	s0 =	sadd.s32 @!p0 $0x100000, s0  }
0x18f: {  	[sflag:s0] =	ssyncadd.tile.s32 @!p0 $0x1;
	_ =	shalt  }
.Lfunc_end2:
_tile_overlayer_lowered:
.L_overlay_start_2:
0x190: {  	(tag) =	ssettag $0x2  }
0x191: {  	s0 =	rddreg [dreg:$0x0];
	s2 =	stileid.u32  }
0x192: {  	s1 =	rddreg [dreg:$0x1];
	p0 =	sne.s32 s2, $0x0  }
0x193: {  	s3 =	rddreg [dreg:$0x2];
	[bflag:$0x3] =	sbarrier.arrive $0xFFFF;
	s2 =	simm.s32 @!p0 $0x1C07  }
0x194: {  	[timem:s3], [sflag:s2] =	dma.local @!p0 [hbm:s0], s1  }
0x195: {  	s0 =	simm.s32 @!p0 $0x7  }
0x196: {  	_ =	swait.ge @!p0 [sflag:s0], s1  }
0x197: {  	s1 =	ssub.s32 @!p0 $0x0, s1;
	[sflag:s0] =	ssyncset.done @!p0 $0x0  }
0x198: {  	[sflag:s0] =	ssyncadd.s32 @!p0 s1  }
0x199: {  	[bflag:$0x3] =	sbarrier.arrive $0xFFFF  }
0x19a: {  	_ =	shalt  }

</sc_bundles>
